<compile_context>
chip_gen: v7x
topology: tpu7x:2x2x1
jax: 0.10.2.dev20260603
libtpu: 0.0.44.dev20260713+nightly
codegen_flags: <defaults>
</compile_context>

<pallas_src>
import jax
import jax.numpy as jnp
from jax import lax
from jax.experimental import pallas as pl
from jax.experimental.pallas import tpu as pltpu
from jax.experimental.pallas import tpu_sc as plsc

B, F, H, D = 4096, 26, 20, 32
NC, NS = 2, 16
NW = NC * NS
B_W = B // NW
G = 8
ROWS_G = G * F
GROUPS_W = B_W // G
IDX_ROWS_W = GROUPS_W * H


def _body(idx_hbm, table_hbm, out_hbm, idx_v, acc0, acc1,
          gsem0, gsem1, osem0, osem1):
    wid = lax.axis_index("s") * NC + lax.axis_index("c")
    gbase = wid * GROUPS_W
    accs = (acc0, acc1)
    gsems = (gsem0, gsem1)
    osems = (osem0, osem1)

    pltpu.sync_copy(idx_hbm.at[pl.ds(wid * IDX_ROWS_W, IDX_ROWS_W)], idx_v)

    def zero(b):
        @plsc.parallel_loop(0, ROWS_G, 1, unroll=13)
        def _row(i):
            z = jnp.zeros((16,), jnp.float32)
            accs[b][0, i, pl.ds(0, 16)] = z
            accs[b][0, i, pl.ds(16, 16)] = z

    def issue(g, b):
        for j in range(H):
            pltpu.async_copy(
                table_hbm.at[idx_v.at[g * H + j]],
                accs[b].at[0],
                gsems[b], add=True)

    def wait_gather(b):
        for _ in range(H):
            pltpu.make_async_copy(
                table_hbm.at[pl.ds(0, ROWS_G)], accs[b].at[0],
                gsems[b]).wait()

    def wait_out(b):
        pltpu.make_async_copy(
            accs[b], out_hbm.at[pl.ds(gbase, 1)], osems[b]).wait()

    zero(0)
    issue(0, 0)

    def step(p, carry):
        for b in range(2):
            g = 2 * p + b
            nb = 1 - b

            @pl.when(g + 1 < GROUPS_W)
            def _():
                @pl.when(g >= 1)
                def _():
                    wait_out(nb)
                zero(nb)
                issue(g + 1, nb)

            wait_gather(b)
            pltpu.async_copy(
                accs[b], out_hbm.at[pl.ds(gbase + g, 1)], osems[b])
        return carry

    lax.fori_loop(0, GROUPS_W // 2, step, 0)
    wait_out(0)
    wait_out(1)


_kern = pl.kernel(
    _body,
    out_type=jax.ShapeDtypeStruct((B // G, ROWS_G, D), jnp.float32),
    mesh=plsc.VectorSubcoreMesh(core_axis_name="c", subcore_axis_name="s"),
    compiler_params=pltpu.CompilerParams(use_tc_tiling_on_sc=False),
    scratch_types=[
        pltpu.VMEM((IDX_ROWS_W, ROWS_G), jnp.int32),
        pltpu.VMEM((1, ROWS_G, D), jnp.float32),
        pltpu.VMEM((1, ROWS_G, D), jnp.float32),
        pltpu.SemaphoreType.DMA,
        pltpu.SemaphoreType.DMA,
        pltpu.SemaphoreType.DMA,
        pltpu.SemaphoreType.DMA,
    ],
)


@jax.jit
def kernel(x, emb_weight):
    idx = (x.astype(jnp.int32)
           .reshape(NW, GROUPS_W, G, F, H)
           .transpose(0, 1, 4, 2, 3)
           .reshape(NW * IDX_ROWS_W, ROWS_G))
    return _kern(idx, emb_weight).reshape(B, F, D)

# --- scband reference (transcript-rebuilt; emitter-appended) ---
"""Pipeline reference for scband-map-embedding-6382321402523 (READ-ONLY COPY).

The authoritative reference and input builder live on the scoring server;
editing this copy changes nothing except your own understanding.
"""

import jax, jax.numpy as jnp
import numpy as np

NUM_TOKENS = 100000
EMB_SIZE = 32

def setup_inputs(seed: int = 0) -> dict:
    key = jax.random.key(seed)
    k1, k2 = jax.random.split(key)
    x = jax.random.randint(k1, (4096, 26, 20), 0, NUM_TOKENS, dtype=jnp.int64) if jax.config.jax_enable_x64 else jax.random.randint(k1, (4096, 26, 20), 0, NUM_TOKENS, dtype=jnp.int32)
    emb_weight = jax.random.normal(k2, (NUM_TOKENS, EMB_SIZE), dtype=jnp.float32)
    # padding_idx=0: row 0 is zero at init
    emb_weight = emb_weight.at[0].set(0.0)
    return {"x": x, "emb_weight": emb_weight}

def reference(x, emb_weight):
    # padding_idx=0 -> row 0 always produces zeros
    table = emb_weight.at[0].set(0.0)
    # emb(x): [B, F, H, D]; torch loop over batch with .sum(1) per slice
    # is equivalent to summing over axis=2 of the full gathered tensor.
    gathered = jnp.take(table, x, axis=0)  # [4096, 26, 20, 32]
    out = gathered.sum(axis=2)             # [4096, 26, 32]
    return out

if __name__ == "__main__":
    import jax
    _d = setup_inputs()
    print(jax.jit(kernel)(*tuple(_d.values())))

</pallas_src>

<mosaic_0001>
#map = affine_map<(d0, d1) -> (0, 0)>
#map1 = affine_map<(d0, d1) -> (0, 0, 0)>
module attributes {stable_mosaic.version = 14 : i64} {
  func.func @_body(%arg0: i32, %arg1: i32, %arg2: memref<10240x208xi32, #tpu.memory_space<hbm>>, %arg3: memref<100000x32xf32, #tpu.memory_space<hbm>>, %arg4: memref<512x208x32xf32, #tpu.memory_space<hbm>>, %arg5: memref<320x208xi32, #tpu.memory_space<vmem>>, %arg6: memref<1x208x32xf32, #tpu.memory_space<vmem>>, %arg7: memref<1x208x32xf32, #tpu.memory_space<vmem>>, %arg8: memref<!tpu.dma_semaphore, #tpu.memory_space<semaphore_mem>>, %arg9: memref<!tpu.dma_semaphore, #tpu.memory_space<semaphore_mem>>, %arg10: memref<!tpu.dma_semaphore, #tpu.memory_space<semaphore_mem>>, %arg11: memref<!tpu.dma_semaphore, #tpu.memory_space<semaphore_mem>>) attributes {dimension_semantics = [#tpu.dimension_semantics<core_parallel>, #tpu.dimension_semantics<subcore_parallel>], iteration_bounds = array<i64: 2, 16>, scalar_prefetch = 0 : i64, scratch_operands = 7 : i64, tpu.core_type = #tpu.core_type<sc_vector_subcore>, window_params = [{transform_indices = #map}, {transform_indices = #map}, {transform_indices = #map1}]} {
    %mul3A = arith.constant 2 : i32
    %mul3A_0 = arith.muli %arg1, %mul3A : i32
    %add3A = arith.addi %mul3A_0, %arg0 : i32
    %mul3A_1 = arith.constant 16 : i32
    %mul3A_2 = arith.muli %add3A, %mul3A_1 : i32
    %mul3A_3 = arith.constant 320 : i32
    %mul3A_4 = arith.muli %add3A, %mul3A_3 : i32
    "tpu.region"() ({
      %run_scoped3A = tpu.sem_alloc : memref<!tpu.dma_semaphore, #tpu.memory_space<semaphore_mem>>
      %dma_start3A_262 = arith.constant 0 : i32
      %dma_start3A_263 = tpu.memref_slice %arg2[%mul3A_4, %dma_start3A_262] : memref<10240x208xi32, #tpu.memory_space<hbm>> -> memref<320x208xi32, #tpu.memory_space<hbm>>
      %dma_start3A_264 = arith.constant 0 : i32
      %dma_start3A_265 = tpu.memref_slice %arg2[%mul3A_4, %dma_start3A_264] : memref<10240x208xi32, #tpu.memory_space<hbm>> -> memref<320x208xi32, #tpu.memory_space<hbm>>
      tpu.enqueue_dma source(%dma_start3A_265 : memref<320x208xi32, #tpu.memory_space<hbm>>) target(%arg5 : memref<320x208xi32, #tpu.memory_space<vmem>>) target_semaphore(%run_scoped3A : memref<!tpu.dma_semaphore, #tpu.memory_space<semaphore_mem>>)
      %dma_wait3A_266 = arith.constant 0 : i32
      %dma_wait3A_267 = tpu.memref_slice %arg2[%mul3A_4, %dma_wait3A_266] : memref<10240x208xi32, #tpu.memory_space<hbm>> -> memref<320x208xi32, #tpu.memory_space<hbm>>
      %dma_wait3A_268 = arith.constant 0 : i32
      %dma_wait3A_269 = tpu.memref_slice %arg2[%mul3A_4, %dma_wait3A_268] : memref<10240x208xi32, #tpu.memory_space<hbm>> -> memref<320x208xi32, #tpu.memory_space<hbm>>
      tpu.wait_dma2 semaphore(%run_scoped3A : memref<!tpu.dma_semaphore, #tpu.memory_space<semaphore_mem>>) src(%dma_wait3A_269 : memref<320x208xi32, #tpu.memory_space<hbm>>) dst(%arg5 : memref<320x208xi32, #tpu.memory_space<vmem>>)
      tpu.yield
    }) : () -> ()
    %parallel_loop3A = arith.constant 0 : i32
    %parallel_loop3A_5 = arith.constant 208 : i32
    %parallel_loop3A_6 = arith.constant 1 : i32
    scf.for %parallel_loop3A_262 = %parallel_loop3A to %parallel_loop3A_5 step %parallel_loop3A_6  : i32 {
      %parallel_loop3A_263 = arith.constant 0.000000e+00 : f32
      %parallel_loop3A_264 = vector.broadcast %parallel_loop3A_263 : f32 to vector<16xf32>
      %parallel_loop3A_265 = arith.constant 0 : i32
      %parallel_loop3A_266 = arith.index_cast %parallel_loop3A_265 : i32 to index
      %parallel_loop3A_267 = arith.index_cast %parallel_loop3A_262 : i32 to index
      %parallel_loop3A_268 = arith.constant 0 : index
      %parallel_loop3A_269 = tpu.vector_load %arg6[%parallel_loop3A_266, %parallel_loop3A_267, %parallel_loop3A_268] {strides = array<i32>} : memref<1x208x32xf32, #tpu.memory_space<vmem>>, vector<1x1x16xf32>,
      %parallel_loop3A_270 = vector.shape_cast %parallel_loop3A_269 : vector<1x1x16xf32> to vector<16xf32>
      %parallel_loop3A_271 = vector.shape_cast %parallel_loop3A_264 : vector<16xf32> to vector<1x1x16xf32>
      tpu.vector_store %arg6[%parallel_loop3A_266, %parallel_loop3A_267, %parallel_loop3A_268], %parallel_loop3A_271 {strides = array<i32>} : memref<1x208x32xf32, #tpu.memory_space<vmem>>, vector<1x1x16xf32>,
      %parallel_loop3A_272 = arith.constant 0 : i32
      %parallel_loop3A_273 = arith.index_cast %parallel_loop3A_272 : i32 to index
      %parallel_loop3A_274 = arith.index_cast %parallel_loop3A_262 : i32 to index
      %parallel_loop3A_275 = arith.constant 16 : index
      %parallel_loop3A_276 = tpu.vector_load %arg6[%parallel_loop3A_273, %parallel_loop3A_274, %parallel_loop3A_275] {strides = array<i32>} : memref<1x208x32xf32, #tpu.memory_space<vmem>>, vector<1x1x16xf32>,
      %parallel_loop3A_277 = vector.shape_cast %parallel_loop3A_276 : vector<1x1x16xf32> to vector<16xf32>
      %parallel_loop3A_278 = vector.shape_cast %parallel_loop3A_264 : vector<16xf32> to vector<1x1x16xf32>
      tpu.vector_store %arg6[%parallel_loop3A_273, %parallel_loop3A_274, %parallel_loop3A_275], %parallel_loop3A_278 {strides = array<i32>} : memref<1x208x32xf32, #tpu.memory_space<vmem>>, vector<1x1x16xf32>,
    } {sc.loop_unroll_factor = 13 : i64, sc.parallel_access}
    %dma_start3A = arith.constant 0 : i32
    %dma_start3A_7 = arith.constant 0 : i32
    %dma_start3A_8 = arith.constant 0 : i32
    %dma_start3A_9 = arith.constant 0 : i32
    %dma_start3A_10 = tpu.memref_slice %arg6[%dma_start3A_7, %dma_start3A_8, %dma_start3A_9] : memref<1x208x32xf32, #tpu.memory_space<vmem>> -> memref<1x208x32xf32, #tpu.memory_space<vmem>>
    %dma_start3A_11 = tpu.memref_squeeze %dma_start3A_10 : memref<1x208x32xf32, #tpu.memory_space<vmem>> -> memref<208x32xf32, #tpu.memory_space<vmem>>
    %dma_start3A_12 = arith.constant 0 : i32
    %dma_start3A_13 = tpu.memref_slice %arg5[%dma_start3A, %dma_start3A_12] : memref<320x208xi32, #tpu.memory_space<vmem>> -> memref<1x208xi32, #tpu.memory_space<vmem>>
    %dma_start3A_14 = tpu.memref_squeeze %dma_start3A_13 : memref<1x208xi32, #tpu.memory_space<vmem>> -> memref<208xi32, #tpu.memory_space<vmem>>
    %dma_start3A_15 = arith.constant 0 : i32
    %dma_start3A_16 = arith.constant 0 : i32
    %dma_start3A_17 = tpu.memref_slice %arg3[%dma_start3A_15, %dma_start3A_16] : memref<100000x32xf32, #tpu.memory_space<hbm>> -> memref<100000x32xf32, #tpu.memory_space<hbm>>
    tpu.enqueue_indirect_dma source(%dma_start3A_17 : memref<100000x32xf32, #tpu.memory_space<hbm>>) target(%dma_start3A_11 : memref<208x32xf32, #tpu.memory_space<vmem>>) offsets(%dma_start3A_14 : memref<208xi32, #tpu.memory_space<vmem>>) semaphore(%arg8 : memref<!tpu.dma_semaphore, #tpu.memory_space<semaphore_mem>>) {add = true}
    %dma_start3A_18 = arith.constant 1 : i32
    %dma_start3A_19 = arith.constant 0 : i32
    %dma_start3A_20 = arith.constant 0 : i32
    %dma_start3A_21 = arith.constant 0 : i32
    %dma_start3A_22 = tpu.memref_slice %arg6[%dma_start3A_19, %dma_start3A_20, %dma_start3A_21] : memref<1x208x32xf32, #tpu.memory_space<vmem>> -> memref<1x208x32xf32, #tpu.memory_space<vmem>>
    %dma_start3A_23 = tpu.memref_squeeze %dma_start3A_22 : memref<1x208x32xf32, #tpu.memory_space<vmem>> -> memref<208x32xf32, #tpu.memory_space<vmem>>
    %dma_start3A_24 = arith.constant 0 : i32
    %dma_start3A_25 = tpu.memref_slice %arg5[%dma_start3A_18, %dma_start3A_24] : memref<320x208xi32, #tpu.memory_space<vmem>> -> memref<1x208xi32, #tpu.memory_space<vmem>>
    %dma_start3A_26 = tpu.memref_squeeze %dma_start3A_25 : memref<1x208xi32, #tpu.memory_space<vmem>> -> memref<208xi32, #tpu.memory_space<vmem>>
    %dma_start3A_27 = arith.constant 0 : i32
    %dma_start3A_28 = arith.constant 0 : i32
    %dma_start3A_29 = tpu.memref_slice %arg3[%dma_start3A_27, %dma_start3A_28] : memref<100000x32xf32, #tpu.memory_space<hbm>> -> memref<100000x32xf32, #tpu.memory_space<hbm>>
    tpu.enqueue_indirect_dma source(%dma_start3A_29 : memref<100000x32xf32, #tpu.memory_space<hbm>>) target(%dma_start3A_23 : memref<208x32xf32, #tpu.memory_space<vmem>>) offsets(%dma_start3A_26 : memref<208xi32, #tpu.memory_space<vmem>>) semaphore(%arg8 : memref<!tpu.dma_semaphore, #tpu.memory_space<semaphore_mem>>) {add = true}
    %dma_start3A_30 = arith.constant 2 : i32
    %dma_start3A_31 = arith.constant 0 : i32
    %dma_start3A_32 = arith.constant 0 : i32
    %dma_start3A_33 = arith.constant 0 : i32
    %dma_start3A_34 = tpu.memref_slice %arg6[%dma_start3A_31, %dma_start3A_32, %dma_start3A_33] : memref<1x208x32xf32, #tpu.memory_space<vmem>> -> memref<1x208x32xf32, #tpu.memory_space<vmem>>
    %dma_start3A_35 = tpu.memref_squeeze %dma_start3A_34 : memref<1x208x32xf32, #tpu.memory_space<vmem>> -> memref<208x32xf32, #tpu.memory_space<vmem>>
    %dma_start3A_36 = arith.constant 0 : i32
    %dma_start3A_37 = tpu.memref_slice %arg5[%dma_start3A_30, %dma_start3A_36] : memref<320x208xi32, #tpu.memory_space<vmem>> -> memref<1x208xi32, #tpu.memory_space<vmem>>
    %dma_start3A_38 = tpu.memref_squeeze %dma_start3A_37 : memref<1x208xi32, #tpu.memory_space<vmem>> -> memref<208xi32, #tpu.memory_space<vmem>>
    %dma_start3A_39 = arith.constant 0 : i32
    %dma_start3A_40 = arith.constant 0 : i32
    %dma_start3A_41 = tpu.memref_slice %arg3[%dma_start3A_39, %dma_start3A_40] : memref<100000x32xf32, #tpu.memory_space<hbm>> -> memref<100000x32xf32, #tpu.memory_space<hbm>>
    tpu.enqueue_indirect_dma source(%dma_start3A_41 : memref<100000x32xf32, #tpu.memory_space<hbm>>) target(%dma_start3A_35 : memref<208x32xf32, #tpu.memory_space<vmem>>) offsets(%dma_start3A_38 : memref<208xi32, #tpu.memory_space<vmem>>) semaphore(%arg8 : memref<!tpu.dma_semaphore, #tpu.memory_space<semaphore_mem>>) {add = true}
    %dma_start3A_42 = arith.constant 3 : i32
    %dma_start3A_43 = arith.constant 0 : i32
    %dma_start3A_44 = arith.constant 0 : i32
    %dma_start3A_45 = arith.constant 0 : i32
    %dma_start3A_46 = tpu.memref_slice %arg6[%dma_start3A_43, %dma_start3A_44, %dma_start3A_45] : memref<1x208x32xf32, #tpu.memory_space<vmem>> -> memref<1x208x32xf32, #tpu.memory_space<vmem>>
    %dma_start3A_47 = tpu.memref_squeeze %dma_start3A_46 : memref<1x208x32xf32, #tpu.memory_space<vmem>> -> memref<208x32xf32, #tpu.memory_space<vmem>>
    %dma_start3A_48 = arith.constant 0 : i32
    %dma_start3A_49 = tpu.memref_slice %arg5[%dma_start3A_42, %dma_start3A_48] : memref<320x208xi32, #tpu.memory_space<vmem>> -> memref<1x208xi32, #tpu.memory_space<vmem>>
    %dma_start3A_50 = tpu.memref_squeeze %dma_start3A_49 : memref<1x208xi32, #tpu.memory_space<vmem>> -> memref<208xi32, #tpu.memory_space<vmem>>
    %dma_start3A_51 = arith.constant 0 : i32
    %dma_start3A_52 = arith.constant 0 : i32
    %dma_start3A_53 = tpu.memref_slice %arg3[%dma_start3A_51, %dma_start3A_52] : memref<100000x32xf32, #tpu.memory_space<hbm>> -> memref<100000x32xf32, #tpu.memory_space<hbm>>
    tpu.enqueue_indirect_dma source(%dma_start3A_53 : memref<100000x32xf32, #tpu.memory_space<hbm>>) target(%dma_start3A_47 : memref<208x32xf32, #tpu.memory_space<vmem>>) offsets(%dma_start3A_50 : memref<208xi32, #tpu.memory_space<vmem>>) semaphore(%arg8 : memref<!tpu.dma_semaphore, #tpu.memory_space<semaphore_mem>>) {add = true}
    %dma_start3A_54 = arith.constant 4 : i32
    %dma_start3A_55 = arith.constant 0 : i32
    %dma_start3A_56 = arith.constant 0 : i32
    %dma_start3A_57 = arith.constant 0 : i32
    %dma_start3A_58 = tpu.memref_slice %arg6[%dma_start3A_55, %dma_start3A_56, %dma_start3A_57] : memref<1x208x32xf32, #tpu.memory_space<vmem>> -> memref<1x208x32xf32, #tpu.memory_space<vmem>>
    %dma_start3A_59 = tpu.memref_squeeze %dma_start3A_58 : memref<1x208x32xf32, #tpu.memory_space<vmem>> -> memref<208x32xf32, #tpu.memory_space<vmem>>
    %dma_start3A_60 = arith.constant 0 : i32
    %dma_start3A_61 = tpu.memref_slice %arg5[%dma_start3A_54, %dma_start3A_60] : memref<320x208xi32, #tpu.memory_space<vmem>> -> memref<1x208xi32, #tpu.memory_space<vmem>>
    %dma_start3A_62 = tpu.memref_squeeze %dma_start3A_61 : memref<1x208xi32, #tpu.memory_space<vmem>> -> memref<208xi32, #tpu.memory_space<vmem>>
    %dma_start3A_63 = arith.constant 0 : i32
    %dma_start3A_64 = arith.constant 0 : i32
    %dma_start3A_65 = tpu.memref_slice %arg3[%dma_start3A_63, %dma_start3A_64] : memref<100000x32xf32, #tpu.memory_space<hbm>> -> memref<100000x32xf32, #tpu.memory_space<hbm>>
    tpu.enqueue_indirect_dma source(%dma_start3A_65 : memref<100000x32xf32, #tpu.memory_space<hbm>>) target(%dma_start3A_59 : memref<208x32xf32, #tpu.memory_space<vmem>>) offsets(%dma_start3A_62 : memref<208xi32, #tpu.memory_space<vmem>>) semaphore(%arg8 : memref<!tpu.dma_semaphore, #tpu.memory_space<semaphore_mem>>) {add = true}
    %dma_start3A_66 = arith.constant 5 : i32
    %dma_start3A_67 = arith.constant 0 : i32
    %dma_start3A_68 = arith.constant 0 : i32
    %dma_start3A_69 = arith.constant 0 : i32
    %dma_start3A_70 = tpu.memref_slice %arg6[%dma_start3A_67, %dma_start3A_68, %dma_start3A_69] : memref<1x208x32xf32, #tpu.memory_space<vmem>> -> memref<1x208x32xf32, #tpu.memory_space<vmem>>
    %dma_start3A_71 = tpu.memref_squeeze %dma_start3A_70 : memref<1x208x32xf32, #tpu.memory_space<vmem>> -> memref<208x32xf32, #tpu.memory_space<vmem>>
    %dma_start3A_72 = arith.constant 0 : i32
    %dma_start3A_73 = tpu.memref_slice %arg5[%dma_start3A_66, %dma_start3A_72] : memref<320x208xi32, #tpu.memory_space<vmem>> -> memref<1x208xi32, #tpu.memory_space<vmem>>
    %dma_start3A_74 = tpu.memref_squeeze %dma_start3A_73 : memref<1x208xi32, #tpu.memory_space<vmem>> -> memref<208xi32, #tpu.memory_space<vmem>>
    %dma_start3A_75 = arith.constant 0 : i32
    %dma_start3A_76 = arith.constant 0 : i32
    %dma_start3A_77 = tpu.memref_slice %arg3[%dma_start3A_75, %dma_start3A_76] : memref<100000x32xf32, #tpu.memory_space<hbm>> -> memref<100000x32xf32, #tpu.memory_space<hbm>>
    tpu.enqueue_indirect_dma source(%dma_start3A_77 : memref<100000x32xf32, #tpu.memory_space<hbm>>) target(%dma_start3A_71 : memref<208x32xf32, #tpu.memory_space<vmem>>) offsets(%dma_start3A_74 : memref<208xi32, #tpu.memory_space<vmem>>) semaphore(%arg8 : memref<!tpu.dma_semaphore, #tpu.memory_space<semaphore_mem>>) {add = true}
    %dma_start3A_78 = arith.constant 6 : i32
    %dma_start3A_79 = arith.constant 0 : i32
    %dma_start3A_80 = arith.constant 0 : i32
    %dma_start3A_81 = arith.constant 0 : i32
    %dma_start3A_82 = tpu.memref_slice %arg6[%dma_start3A_79, %dma_start3A_80, %dma_start3A_81] : memref<1x208x32xf32, #tpu.memory_space<vmem>> -> memref<1x208x32xf32, #tpu.memory_space<vmem>>
    %dma_start3A_83 = tpu.memref_squeeze %dma_start3A_82 : memref<1x208x32xf32, #tpu.memory_space<vmem>> -> memref<208x32xf32, #tpu.memory_space<vmem>>
    %dma_start3A_84 = arith.constant 0 : i32
    %dma_start3A_85 = tpu.memref_slice %arg5[%dma_start3A_78, %dma_start3A_84] : memref<320x208xi32, #tpu.memory_space<vmem>> -> memref<1x208xi32, #tpu.memory_space<vmem>>
    %dma_start3A_86 = tpu.memref_squeeze %dma_start3A_85 : memref<1x208xi32, #tpu.memory_space<vmem>> -> memref<208xi32, #tpu.memory_space<vmem>>
    %dma_start3A_87 = arith.constant 0 : i32
    %dma_start3A_88 = arith.constant 0 : i32
    %dma_start3A_89 = tpu.memref_slice %arg3[%dma_start3A_87, %dma_start3A_88] : memref<100000x32xf32, #tpu.memory_space<hbm>> -> memref<100000x32xf32, #tpu.memory_space<hbm>>
    tpu.enqueue_indirect_dma source(%dma_start3A_89 : memref<100000x32xf32, #tpu.memory_space<hbm>>) target(%dma_start3A_83 : memref<208x32xf32, #tpu.memory_space<vmem>>) offsets(%dma_start3A_86 : memref<208xi32, #tpu.memory_space<vmem>>) semaphore(%arg8 : memref<!tpu.dma_semaphore, #tpu.memory_space<semaphore_mem>>) {add = true}
    %dma_start3A_90 = arith.constant 7 : i32
    %dma_start3A_91 = arith.constant 0 : i32
    %dma_start3A_92 = arith.constant 0 : i32
    %dma_start3A_93 = arith.constant 0 : i32
    %dma_start3A_94 = tpu.memref_slice %arg6[%dma_start3A_91, %dma_start3A_92, %dma_start3A_93] : memref<1x208x32xf32, #tpu.memory_space<vmem>> -> memref<1x208x32xf32, #tpu.memory_space<vmem>>
    %dma_start3A_95 = tpu.memref_squeeze %dma_start3A_94 : memref<1x208x32xf32, #tpu.memory_space<vmem>> -> memref<208x32xf32, #tpu.memory_space<vmem>>
    %dma_start3A_96 = arith.constant 0 : i32
    %dma_start3A_97 = tpu.memref_slice %arg5[%dma_start3A_90, %dma_start3A_96] : memref<320x208xi32, #tpu.memory_space<vmem>> -> memref<1x208xi32, #tpu.memory_space<vmem>>
    %dma_start3A_98 = tpu.memref_squeeze %dma_start3A_97 : memref<1x208xi32, #tpu.memory_space<vmem>> -> memref<208xi32, #tpu.memory_space<vmem>>
    %dma_start3A_99 = arith.constant 0 : i32
    %dma_start3A_100 = arith.constant 0 : i32
    %dma_start3A_101 = tpu.memref_slice %arg3[%dma_start3A_99, %dma_start3A_100] : memref<100000x32xf32, #tpu.memory_space<hbm>> -> memref<100000x32xf32, #tpu.memory_space<hbm>>
    tpu.enqueue_indirect_dma source(%dma_start3A_101 : memref<100000x32xf32, #tpu.memory_space<hbm>>) target(%dma_start3A_95 : memref<208x32xf32, #tpu.memory_space<vmem>>) offsets(%dma_start3A_98 : memref<208xi32, #tpu.memory_space<vmem>>) semaphore(%arg8 : memref<!tpu.dma_semaphore, #tpu.memory_space<semaphore_mem>>) {add = true}
    %dma_start3A_102 = arith.constant 8 : i32
    %dma_start3A_103 = arith.constant 0 : i32
    %dma_start3A_104 = arith.constant 0 : i32
    %dma_start3A_105 = arith.constant 0 : i32
    %dma_start3A_106 = tpu.memref_slice %arg6[%dma_start3A_103, %dma_start3A_104, %dma_start3A_105] : memref<1x208x32xf32, #tpu.memory_space<vmem>> -> memref<1x208x32xf32, #tpu.memory_space<vmem>>
    %dma_start3A_107 = tpu.memref_squeeze %dma_start3A_106 : memref<1x208x32xf32, #tpu.memory_space<vmem>> -> memref<208x32xf32, #tpu.memory_space<vmem>>
    %dma_start3A_108 = arith.constant 0 : i32
    %dma_start3A_109 = tpu.memref_slice %arg5[%dma_start3A_102, %dma_start3A_108] : memref<320x208xi32, #tpu.memory_space<vmem>> -> memref<1x208xi32, #tpu.memory_space<vmem>>
    %dma_start3A_110 = tpu.memref_squeeze %dma_start3A_109 : memref<1x208xi32, #tpu.memory_space<vmem>> -> memref<208xi32, #tpu.memory_space<vmem>>
    %dma_start3A_111 = arith.constant 0 : i32
    %dma_start3A_112 = arith.constant 0 : i32
    %dma_start3A_113 = tpu.memref_slice %arg3[%dma_start3A_111, %dma_start3A_112] : memref<100000x32xf32, #tpu.memory_space<hbm>> -> memref<100000x32xf32, #tpu.memory_space<hbm>>
    tpu.enqueue_indirect_dma source(%dma_start3A_113 : memref<100000x32xf32, #tpu.memory_space<hbm>>) target(%dma_start3A_107 : memref<208x32xf32, #tpu.memory_space<vmem>>) offsets(%dma_start3A_110 : memref<208xi32, #tpu.memory_space<vmem>>) semaphore(%arg8 : memref<!tpu.dma_semaphore, #tpu.memory_space<semaphore_mem>>) {add = true}
    %dma_start3A_114 = arith.constant 9 : i32
    %dma_start3A_115 = arith.constant 0 : i32
    %dma_start3A_116 = arith.constant 0 : i32
    %dma_start3A_117 = arith.constant 0 : i32
    %dma_start3A_118 = tpu.memref_slice %arg6[%dma_start3A_115, %dma_start3A_116, %dma_start3A_117] : memref<1x208x32xf32, #tpu.memory_space<vmem>> -> memref<1x208x32xf32, #tpu.memory_space<vmem>>
    %dma_start3A_119 = tpu.memref_squeeze %dma_start3A_118 : memref<1x208x32xf32, #tpu.memory_space<vmem>> -> memref<208x32xf32, #tpu.memory_space<vmem>>
    %dma_start3A_120 = arith.constant 0 : i32
    %dma_start3A_121 = tpu.memref_slice %arg5[%dma_start3A_114, %dma_start3A_120] : memref<320x208xi32, #tpu.memory_space<vmem>> -> memref<1x208xi32, #tpu.memory_space<vmem>>
    %dma_start3A_122 = tpu.memref_squeeze %dma_start3A_121 : memref<1x208xi32, #tpu.memory_space<vmem>> -> memref<208xi32, #tpu.memory_space<vmem>>
    %dma_start3A_123 = arith.constant 0 : i32
    %dma_start3A_124 = arith.constant 0 : i32
    %dma_start3A_125 = tpu.memref_slice %arg3[%dma_start3A_123, %dma_start3A_124] : memref<100000x32xf32, #tpu.memory_space<hbm>> -> memref<100000x32xf32, #tpu.memory_space<hbm>>
    tpu.enqueue_indirect_dma source(%dma_start3A_125 : memref<100000x32xf32, #tpu.memory_space<hbm>>) target(%dma_start3A_119 : memref<208x32xf32, #tpu.memory_space<vmem>>) offsets(%dma_start3A_122 : memref<208xi32, #tpu.memory_space<vmem>>) semaphore(%arg8 : memref<!tpu.dma_semaphore, #tpu.memory_space<semaphore_mem>>) {add = true}
    %dma_start3A_126 = arith.constant 10 : i32
    %dma_start3A_127 = arith.constant 0 : i32
    %dma_start3A_128 = arith.constant 0 : i32
    %dma_start3A_129 = arith.constant 0 : i32
    %dma_start3A_130 = tpu.memref_slice %arg6[%dma_start3A_127, %dma_start3A_128, %dma_start3A_129] : memref<1x208x32xf32, #tpu.memory_space<vmem>> -> memref<1x208x32xf32, #tpu.memory_space<vmem>>
    %dma_start3A_131 = tpu.memref_squeeze %dma_start3A_130 : memref<1x208x32xf32, #tpu.memory_space<vmem>> -> memref<208x32xf32, #tpu.memory_space<vmem>>
    %dma_start3A_132 = arith.constant 0 : i32
    %dma_start3A_133 = tpu.memref_slice %arg5[%dma_start3A_126, %dma_start3A_132] : memref<320x208xi32, #tpu.memory_space<vmem>> -> memref<1x208xi32, #tpu.memory_space<vmem>>
    %dma_start3A_134 = tpu.memref_squeeze %dma_start3A_133 : memref<1x208xi32, #tpu.memory_space<vmem>> -> memref<208xi32, #tpu.memory_space<vmem>>
    %dma_start3A_135 = arith.constant 0 : i32
    %dma_start3A_136 = arith.constant 0 : i32
    %dma_start3A_137 = tpu.memref_slice %arg3[%dma_start3A_135, %dma_start3A_136] : memref<100000x32xf32, #tpu.memory_space<hbm>> -> memref<100000x32xf32, #tpu.memory_space<hbm>>
    tpu.enqueue_indirect_dma source(%dma_start3A_137 : memref<100000x32xf32, #tpu.memory_space<hbm>>) target(%dma_start3A_131 : memref<208x32xf32, #tpu.memory_space<vmem>>) offsets(%dma_start3A_134 : memref<208xi32, #tpu.memory_space<vmem>>) semaphore(%arg8 : memref<!tpu.dma_semaphore, #tpu.memory_space<semaphore_mem>>) {add = true}
    %dma_start3A_138 = arith.constant 11 : i32
    %dma_start3A_139 = arith.constant 0 : i32
    %dma_start3A_140 = arith.constant 0 : i32
    %dma_start3A_141 = arith.constant 0 : i32
    %dma_start3A_142 = tpu.memref_slice %arg6[%dma_start3A_139, %dma_start3A_140, %dma_start3A_141] : memref<1x208x32xf32, #tpu.memory_space<vmem>> -> memref<1x208x32xf32, #tpu.memory_space<vmem>>
    %dma_start3A_143 = tpu.memref_squeeze %dma_start3A_142 : memref<1x208x32xf32, #tpu.memory_space<vmem>> -> memref<208x32xf32, #tpu.memory_space<vmem>>
    %dma_start3A_144 = arith.constant 0 : i32
    %dma_start3A_145 = tpu.memref_slice %arg5[%dma_start3A_138, %dma_start3A_144] : memref<320x208xi32, #tpu.memory_space<vmem>> -> memref<1x208xi32, #tpu.memory_space<vmem>>
    %dma_start3A_146 = tpu.memref_squeeze %dma_start3A_145 : memref<1x208xi32, #tpu.memory_space<vmem>> -> memref<208xi32, #tpu.memory_space<vmem>>
    %dma_start3A_147 = arith.constant 0 : i32
    %dma_start3A_148 = arith.constant 0 : i32
    %dma_start3A_149 = tpu.memref_slice %arg3[%dma_start3A_147, %dma_start3A_148] : memref<100000x32xf32, #tpu.memory_space<hbm>> -> memref<100000x32xf32, #tpu.memory_space<hbm>>
    tpu.enqueue_indirect_dma source(%dma_start3A_149 : memref<100000x32xf32, #tpu.memory_space<hbm>>) target(%dma_start3A_143 : memref<208x32xf32, #tpu.memory_space<vmem>>) offsets(%dma_start3A_146 : memref<208xi32, #tpu.memory_space<vmem>>) semaphore(%arg8 : memref<!tpu.dma_semaphore, #tpu.memory_space<semaphore_mem>>) {add = true}
    %dma_start3A_150 = arith.constant 12 : i32
    %dma_start3A_151 = arith.constant 0 : i32
    %dma_start3A_152 = arith.constant 0 : i32
    %dma_start3A_153 = arith.constant 0 : i32
    %dma_start3A_154 = tpu.memref_slice %arg6[%dma_start3A_151, %dma_start3A_152, %dma_start3A_153] : memref<1x208x32xf32, #tpu.memory_space<vmem>> -> memref<1x208x32xf32, #tpu.memory_space<vmem>>
    %dma_start3A_155 = tpu.memref_squeeze %dma_start3A_154 : memref<1x208x32xf32, #tpu.memory_space<vmem>> -> memref<208x32xf32, #tpu.memory_space<vmem>>
    %dma_start3A_156 = arith.constant 0 : i32
    %dma_start3A_157 = tpu.memref_slice %arg5[%dma_start3A_150, %dma_start3A_156] : memref<320x208xi32, #tpu.memory_space<vmem>> -> memref<1x208xi32, #tpu.memory_space<vmem>>
    %dma_start3A_158 = tpu.memref_squeeze %dma_start3A_157 : memref<1x208xi32, #tpu.memory_space<vmem>> -> memref<208xi32, #tpu.memory_space<vmem>>
    %dma_start3A_159 = arith.constant 0 : i32
    %dma_start3A_160 = arith.constant 0 : i32
    %dma_start3A_161 = tpu.memref_slice %arg3[%dma_start3A_159, %dma_start3A_160] : memref<100000x32xf32, #tpu.memory_space<hbm>> -> memref<100000x32xf32, #tpu.memory_space<hbm>>
    tpu.enqueue_indirect_dma source(%dma_start3A_161 : memref<100000x32xf32, #tpu.memory_space<hbm>>) target(%dma_start3A_155 : memref<208x32xf32, #tpu.memory_space<vmem>>) offsets(%dma_start3A_158 : memref<208xi32, #tpu.memory_space<vmem>>) semaphore(%arg8 : memref<!tpu.dma_semaphore, #tpu.memory_space<semaphore_mem>>) {add = true}
    %dma_start3A_162 = arith.constant 13 : i32
    %dma_start3A_163 = arith.constant 0 : i32
    %dma_start3A_164 = arith.constant 0 : i32
    %dma_start3A_165 = arith.constant 0 : i32
    %dma_start3A_166 = tpu.memref_slice %arg6[%dma_start3A_163, %dma_start3A_164, %dma_start3A_165] : memref<1x208x32xf32, #tpu.memory_space<vmem>> -> memref<1x208x32xf32, #tpu.memory_space<vmem>>
    %dma_start3A_167 = tpu.memref_squeeze %dma_start3A_166 : memref<1x208x32xf32, #tpu.memory_space<vmem>> -> memref<208x32xf32, #tpu.memory_space<vmem>>
    %dma_start3A_168 = arith.constant 0 : i32
    %dma_start3A_169 = tpu.memref_slice %arg5[%dma_start3A_162, %dma_start3A_168] : memref<320x208xi32, #tpu.memory_space<vmem>> -> memref<1x208xi32, #tpu.memory_space<vmem>>
    %dma_start3A_170 = tpu.memref_squeeze %dma_start3A_169 : memref<1x208xi32, #tpu.memory_space<vmem>> -> memref<208xi32, #tpu.memory_space<vmem>>
    %dma_start3A_171 = arith.constant 0 : i32
    %dma_start3A_172 = arith.constant 0 : i32
    %dma_start3A_173 = tpu.memref_slice %arg3[%dma_start3A_171, %dma_start3A_172] : memref<100000x32xf32, #tpu.memory_space<hbm>> -> memref<100000x32xf32, #tpu.memory_space<hbm>>
    tpu.enqueue_indirect_dma source(%dma_start3A_173 : memref<100000x32xf32, #tpu.memory_space<hbm>>) target(%dma_start3A_167 : memref<208x32xf32, #tpu.memory_space<vmem>>) offsets(%dma_start3A_170 : memref<208xi32, #tpu.memory_space<vmem>>) semaphore(%arg8 : memref<!tpu.dma_semaphore, #tpu.memory_space<semaphore_mem>>) {add = true}
    %dma_start3A_174 = arith.constant 14 : i32
    %dma_start3A_175 = arith.constant 0 : i32
    %dma_start3A_176 = arith.constant 0 : i32
    %dma_start3A_177 = arith.constant 0 : i32
    %dma_start3A_178 = tpu.memref_slice %arg6[%dma_start3A_175, %dma_start3A_176, %dma_start3A_177] : memref<1x208x32xf32, #tpu.memory_space<vmem>> -> memref<1x208x32xf32, #tpu.memory_space<vmem>>
    %dma_start3A_179 = tpu.memref_squeeze %dma_start3A_178 : memref<1x208x32xf32, #tpu.memory_space<vmem>> -> memref<208x32xf32, #tpu.memory_space<vmem>>
    %dma_start3A_180 = arith.constant 0 : i32
    %dma_start3A_181 = tpu.memref_slice %arg5[%dma_start3A_174, %dma_start3A_180] : memref<320x208xi32, #tpu.memory_space<vmem>> -> memref<1x208xi32, #tpu.memory_space<vmem>>
    %dma_start3A_182 = tpu.memref_squeeze %dma_start3A_181 : memref<1x208xi32, #tpu.memory_space<vmem>> -> memref<208xi32, #tpu.memory_space<vmem>>
    %dma_start3A_183 = arith.constant 0 : i32
    %dma_start3A_184 = arith.constant 0 : i32
    %dma_start3A_185 = tpu.memref_slice %arg3[%dma_start3A_183, %dma_start3A_184] : memref<100000x32xf32, #tpu.memory_space<hbm>> -> memref<100000x32xf32, #tpu.memory_space<hbm>>
    tpu.enqueue_indirect_dma source(%dma_start3A_185 : memref<100000x32xf32, #tpu.memory_space<hbm>>) target(%dma_start3A_179 : memref<208x32xf32, #tpu.memory_space<vmem>>) offsets(%dma_start3A_182 : memref<208xi32, #tpu.memory_space<vmem>>) semaphore(%arg8 : memref<!tpu.dma_semaphore, #tpu.memory_space<semaphore_mem>>) {add = true}
    %dma_start3A_186 = arith.constant 15 : i32
    %dma_start3A_187 = arith.constant 0 : i32
    %dma_start3A_188 = arith.constant 0 : i32
    %dma_start3A_189 = arith.constant 0 : i32
    %dma_start3A_190 = tpu.memref_slice %arg6[%dma_start3A_187, %dma_start3A_188, %dma_start3A_189] : memref<1x208x32xf32, #tpu.memory_space<vmem>> -> memref<1x208x32xf32, #tpu.memory_space<vmem>>
    %dma_start3A_191 = tpu.memref_squeeze %dma_start3A_190 : memref<1x208x32xf32, #tpu.memory_space<vmem>> -> memref<208x32xf32, #tpu.memory_space<vmem>>
    %dma_start3A_192 = arith.constant 0 : i32
    %dma_start3A_193 = tpu.memref_slice %arg5[%dma_start3A_186, %dma_start3A_192] : memref<320x208xi32, #tpu.memory_space<vmem>> -> memref<1x208xi32, #tpu.memory_space<vmem>>
    %dma_start3A_194 = tpu.memref_squeeze %dma_start3A_193 : memref<1x208xi32, #tpu.memory_space<vmem>> -> memref<208xi32, #tpu.memory_space<vmem>>
    %dma_start3A_195 = arith.constant 0 : i32
    %dma_start3A_196 = arith.constant 0 : i32
    %dma_start3A_197 = tpu.memref_slice %arg3[%dma_start3A_195, %dma_start3A_196] : memref<100000x32xf32, #tpu.memory_space<hbm>> -> memref<100000x32xf32, #tpu.memory_space<hbm>>
    tpu.enqueue_indirect_dma source(%dma_start3A_197 : memref<100000x32xf32, #tpu.memory_space<hbm>>) target(%dma_start3A_191 : memref<208x32xf32, #tpu.memory_space<vmem>>) offsets(%dma_start3A_194 : memref<208xi32, #tpu.memory_space<vmem>>) semaphore(%arg8 : memref<!tpu.dma_semaphore, #tpu.memory_space<semaphore_mem>>) {add = true}
    %dma_start3A_198 = arith.constant 16 : i32
    %dma_start3A_199 = arith.constant 0 : i32
    %dma_start3A_200 = arith.constant 0 : i32
    %dma_start3A_201 = arith.constant 0 : i32
    %dma_start3A_202 = tpu.memref_slice %arg6[%dma_start3A_199, %dma_start3A_200, %dma_start3A_201] : memref<1x208x32xf32, #tpu.memory_space<vmem>> -> memref<1x208x32xf32, #tpu.memory_space<vmem>>
    %dma_start3A_203 = tpu.memref_squeeze %dma_start3A_202 : memref<1x208x32xf32, #tpu.memory_space<vmem>> -> memref<208x32xf32, #tpu.memory_space<vmem>>
    %dma_start3A_204 = arith.constant 0 : i32
    %dma_start3A_205 = tpu.memref_slice %arg5[%dma_start3A_198, %dma_start3A_204] : memref<320x208xi32, #tpu.memory_space<vmem>> -> memref<1x208xi32, #tpu.memory_space<vmem>>
    %dma_start3A_206 = tpu.memref_squeeze %dma_start3A_205 : memref<1x208xi32, #tpu.memory_space<vmem>> -> memref<208xi32, #tpu.memory_space<vmem>>
    %dma_start3A_207 = arith.constant 0 : i32
    %dma_start3A_208 = arith.constant 0 : i32
    %dma_start3A_209 = tpu.memref_slice %arg3[%dma_start3A_207, %dma_start3A_208] : memref<100000x32xf32, #tpu.memory_space<hbm>> -> memref<100000x32xf32, #tpu.memory_space<hbm>>
    tpu.enqueue_indirect_dma source(%dma_start3A_209 : memref<100000x32xf32, #tpu.memory_space<hbm>>) target(%dma_start3A_203 : memref<208x32xf32, #tpu.memory_space<vmem>>) offsets(%dma_start3A_206 : memref<208xi32, #tpu.memory_space<vmem>>) semaphore(%arg8 : memref<!tpu.dma_semaphore, #tpu.memory_space<semaphore_mem>>) {add = true}
    %dma_start3A_210 = arith.constant 17 : i32
    %dma_start3A_211 = arith.constant 0 : i32
    %dma_start3A_212 = arith.constant 0 : i32
    %dma_start3A_213 = arith.constant 0 : i32
    %dma_start3A_214 = tpu.memref_slice %arg6[%dma_start3A_211, %dma_start3A_212, %dma_start3A_213] : memref<1x208x32xf32, #tpu.memory_space<vmem>> -> memref<1x208x32xf32, #tpu.memory_space<vmem>>
    %dma_start3A_215 = tpu.memref_squeeze %dma_start3A_214 : memref<1x208x32xf32, #tpu.memory_space<vmem>> -> memref<208x32xf32, #tpu.memory_space<vmem>>
    %dma_start3A_216 = arith.constant 0 : i32
    %dma_start3A_217 = tpu.memref_slice %arg5[%dma_start3A_210, %dma_start3A_216] : memref<320x208xi32, #tpu.memory_space<vmem>> -> memref<1x208xi32, #tpu.memory_space<vmem>>
    %dma_start3A_218 = tpu.memref_squeeze %dma_start3A_217 : memref<1x208xi32, #tpu.memory_space<vmem>> -> memref<208xi32, #tpu.memory_space<vmem>>
    %dma_start3A_219 = arith.constant 0 : i32
    %dma_start3A_220 = arith.constant 0 : i32
    %dma_start3A_221 = tpu.memref_slice %arg3[%dma_start3A_219, %dma_start3A_220] : memref<100000x32xf32, #tpu.memory_space<hbm>> -> memref<100000x32xf32, #tpu.memory_space<hbm>>
    tpu.enqueue_indirect_dma source(%dma_start3A_221 : memref<100000x32xf32, #tpu.memory_space<hbm>>) target(%dma_start3A_215 : memref<208x32xf32, #tpu.memory_space<vmem>>) offsets(%dma_start3A_218 : memref<208xi32, #tpu.memory_space<vmem>>) semaphore(%arg8 : memref<!tpu.dma_semaphore, #tpu.memory_space<semaphore_mem>>) {add = true}
    %dma_start3A_222 = arith.constant 18 : i32
    %dma_start3A_223 = arith.constant 0 : i32
    %dma_start3A_224 = arith.constant 0 : i32
    %dma_start3A_225 = arith.constant 0 : i32
    %dma_start3A_226 = tpu.memref_slice %arg6[%dma_start3A_223, %dma_start3A_224, %dma_start3A_225] : memref<1x208x32xf32, #tpu.memory_space<vmem>> -> memref<1x208x32xf32, #tpu.memory_space<vmem>>
    %dma_start3A_227 = tpu.memref_squeeze %dma_start3A_226 : memref<1x208x32xf32, #tpu.memory_space<vmem>> -> memref<208x32xf32, #tpu.memory_space<vmem>>
    %dma_start3A_228 = arith.constant 0 : i32
    %dma_start3A_229 = tpu.memref_slice %arg5[%dma_start3A_222, %dma_start3A_228] : memref<320x208xi32, #tpu.memory_space<vmem>> -> memref<1x208xi32, #tpu.memory_space<vmem>>
    %dma_start3A_230 = tpu.memref_squeeze %dma_start3A_229 : memref<1x208xi32, #tpu.memory_space<vmem>> -> memref<208xi32, #tpu.memory_space<vmem>>
    %dma_start3A_231 = arith.constant 0 : i32
    %dma_start3A_232 = arith.constant 0 : i32
    %dma_start3A_233 = tpu.memref_slice %arg3[%dma_start3A_231, %dma_start3A_232] : memref<100000x32xf32, #tpu.memory_space<hbm>> -> memref<100000x32xf32, #tpu.memory_space<hbm>>
    tpu.enqueue_indirect_dma source(%dma_start3A_233 : memref<100000x32xf32, #tpu.memory_space<hbm>>) target(%dma_start3A_227 : memref<208x32xf32, #tpu.memory_space<vmem>>) offsets(%dma_start3A_230 : memref<208xi32, #tpu.memory_space<vmem>>) semaphore(%arg8 : memref<!tpu.dma_semaphore, #tpu.memory_space<semaphore_mem>>) {add = true}
    %dma_start3A_234 = arith.constant 19 : i32
    %dma_start3A_235 = arith.constant 0 : i32
    %dma_start3A_236 = arith.constant 0 : i32
    %dma_start3A_237 = arith.constant 0 : i32
    %dma_start3A_238 = tpu.memref_slice %arg6[%dma_start3A_235, %dma_start3A_236, %dma_start3A_237] : memref<1x208x32xf32, #tpu.memory_space<vmem>> -> memref<1x208x32xf32, #tpu.memory_space<vmem>>
    %dma_start3A_239 = tpu.memref_squeeze %dma_start3A_238 : memref<1x208x32xf32, #tpu.memory_space<vmem>> -> memref<208x32xf32, #tpu.memory_space<vmem>>
    %dma_start3A_240 = arith.constant 0 : i32
    %dma_start3A_241 = tpu.memref_slice %arg5[%dma_start3A_234, %dma_start3A_240] : memref<320x208xi32, #tpu.memory_space<vmem>> -> memref<1x208xi32, #tpu.memory_space<vmem>>
    %dma_start3A_242 = tpu.memref_squeeze %dma_start3A_241 : memref<1x208xi32, #tpu.memory_space<vmem>> -> memref<208xi32, #tpu.memory_space<vmem>>
    %dma_start3A_243 = arith.constant 0 : i32
    %dma_start3A_244 = arith.constant 0 : i32
    %dma_start3A_245 = tpu.memref_slice %arg3[%dma_start3A_243, %dma_start3A_244] : memref<100000x32xf32, #tpu.memory_space<hbm>> -> memref<100000x32xf32, #tpu.memory_space<hbm>>
    tpu.enqueue_indirect_dma source(%dma_start3A_245 : memref<100000x32xf32, #tpu.memory_space<hbm>>) target(%dma_start3A_239 : memref<208x32xf32, #tpu.memory_space<vmem>>) offsets(%dma_start3A_242 : memref<208xi32, #tpu.memory_space<vmem>>) semaphore(%arg8 : memref<!tpu.dma_semaphore, #tpu.memory_space<semaphore_mem>>) {add = true}
    %scan3A = arith.constant 0 : i32
    %scan3A_246 = arith.constant 0 : i32
    %scan3A_247 = arith.constant 8 : i32
    %scan3A_248 = arith.addi %scan3A_246, %scan3A_247 : i32
    %scan3A_249 = arith.constant 1 : i32
    scf.for %scan3A_262 = %scan3A_246 to %scan3A_248 step %scan3A_249  : i32 {
      %mul3A_263 = arith.constant 2 : i32
      %mul3A_264 = arith.muli %mul3A_263, %scan3A_262 : i32
      %add3A_265 = arith.constant 0 : i32
      %add3A_266 = arith.addi %mul3A_264, %add3A_265 : i32
      %add3A_267 = arith.constant 1 : i32
      %add3A_268 = arith.addi %add3A_266, %add3A_267 : i32
      %lt3A = arith.constant 16 : i32
      %lt3A_269 = arith.cmpi slt, %add3A_268, %lt3A : i32
      %convert_element_type3A = arith.extui %lt3A_269 : i1 to i32
      %cond3A = arith.constant 0 : i32
      %cond3A_270 = arith.cmpi ne, %convert_element_type3A, %cond3A : i32
      scf.if %cond3A_270 {
        %ge3A = arith.constant 1 : i32
        %ge3A_896 = arith.cmpi sge, %add3A_266, %ge3A : i32
        %convert_element_type3A_897 = arith.extui %ge3A_896 : i1 to i32
        %cond3A_898 = arith.constant 0 : i32
        %cond3A_899 = arith.cmpi ne, %convert_element_type3A_897, %cond3A_898 : i32
        scf.if %cond3A_899 {
          %dma_wait3A_1205 = arith.constant 0 : i32
          %dma_wait3A_1206 = arith.constant 0 : i32
          %dma_wait3A_1207 = tpu.memref_slice %arg4[%mul3A_2, %dma_wait3A_1205, %dma_wait3A_1206] : memref<512x208x32xf32, #tpu.memory_space<hbm>> -> memref<1x208x32xf32, #tpu.memory_space<hbm>>
          %dma_wait3A_1208 = arith.constant 0 : i32
          %dma_wait3A_1209 = arith.constant 0 : i32
          %dma_wait3A_1210 = tpu.memref_slice %arg4[%mul3A_2, %dma_wait3A_1208, %dma_wait3A_1209] : memref<512x208x32xf32, #tpu.memory_space<hbm>> -> memref<1x208x32xf32, #tpu.memory_space<hbm>>
          tpu.wait_dma2 semaphore(%arg11 : memref<!tpu.dma_semaphore, #tpu.memory_space<semaphore_mem>>) src(%arg7 : memref<1x208x32xf32, #tpu.memory_space<vmem>>) dst(%dma_wait3A_1210 : memref<1x208x32xf32, #tpu.memory_space<hbm>>)
        } else {
        }
        %parallel_loop3A_900 = arith.constant 0 : i32
        %parallel_loop3A_901 = arith.constant 208 : i32
        %parallel_loop3A_902 = arith.constant 1 : i32
        scf.for %parallel_loop3A_1205 = %parallel_loop3A_900 to %parallel_loop3A_901 step %parallel_loop3A_902  : i32 {
          %parallel_loop3A_1206 = arith.constant 0.000000e+00 : f32
          %parallel_loop3A_1207 = vector.broadcast %parallel_loop3A_1206 : f32 to vector<16xf32>
          %parallel_loop3A_1208 = arith.constant 0 : i32
          %parallel_loop3A_1209 = arith.index_cast %parallel_loop3A_1208 : i32 to index
          %parallel_loop3A_1210 = arith.index_cast %parallel_loop3A_1205 : i32 to index
          %parallel_loop3A_1211 = arith.constant 0 : index
          %parallel_loop3A_1212 = tpu.vector_load %arg7[%parallel_loop3A_1209, %parallel_loop3A_1210, %parallel_loop3A_1211] {strides = array<i32>} : memref<1x208x32xf32, #tpu.memory_space<vmem>>, vector<1x1x16xf32>,
          %parallel_loop3A_1213 = vector.shape_cast %parallel_loop3A_1212 : vector<1x1x16xf32> to vector<16xf32>
          %parallel_loop3A_1214 = vector.shape_cast %parallel_loop3A_1207 : vector<16xf32> to vector<1x1x16xf32>
          tpu.vector_store %arg7[%parallel_loop3A_1209, %parallel_loop3A_1210, %parallel_loop3A_1211], %parallel_loop3A_1214 {strides = array<i32>} : memref<1x208x32xf32, #tpu.memory_space<vmem>>, vector<1x1x16xf32>,
          %parallel_loop3A_1215 = arith.constant 0 : i32
          %parallel_loop3A_1216 = arith.index_cast %parallel_loop3A_1215 : i32 to index
          %parallel_loop3A_1217 = arith.index_cast %parallel_loop3A_1205 : i32 to index
          %parallel_loop3A_1218 = arith.constant 16 : index
          %parallel_loop3A_1219 = tpu.vector_load %arg7[%parallel_loop3A_1216, %parallel_loop3A_1217, %parallel_loop3A_1218] {strides = array<i32>} : memref<1x208x32xf32, #tpu.memory_space<vmem>>, vector<1x1x16xf32>,
          %parallel_loop3A_1220 = vector.shape_cast %parallel_loop3A_1219 : vector<1x1x16xf32> to vector<16xf32>
          %parallel_loop3A_1221 = vector.shape_cast %parallel_loop3A_1207 : vector<16xf32> to vector<1x1x16xf32>
          tpu.vector_store %arg7[%parallel_loop3A_1216, %parallel_loop3A_1217, %parallel_loop3A_1218], %parallel_loop3A_1221 {strides = array<i32>} : memref<1x208x32xf32, #tpu.memory_space<vmem>>, vector<1x1x16xf32>,
        } {sc.loop_unroll_factor = 13 : i64, sc.parallel_access}
        %add3A_903 = arith.constant 1 : i32
        %add3A_904 = arith.addi %add3A_266, %add3A_903 : i32
        %mul3A_905 = arith.constant 20 : i32
        %mul3A_906 = arith.muli %add3A_904, %mul3A_905 : i32
        %add3A_907 = arith.constant 0 : i32
        %add3A_908 = arith.addi %mul3A_906, %add3A_907 : i32
        %dma_start3A_909 = arith.constant 0 : i32
        %dma_start3A_910 = arith.constant 0 : i32
        %dma_start3A_911 = arith.constant 0 : i32
        %dma_start3A_912 = tpu.memref_slice %arg7[%dma_start3A_909, %dma_start3A_910, %dma_start3A_911] : memref<1x208x32xf32, #tpu.memory_space<vmem>> -> memref<1x208x32xf32, #tpu.memory_space<vmem>>
        %dma_start3A_913 = tpu.memref_squeeze %dma_start3A_912 : memref<1x208x32xf32, #tpu.memory_space<vmem>> -> memref<208x32xf32, #tpu.memory_space<vmem>>
        %dma_start3A_914 = arith.constant 0 : i32
        %dma_start3A_915 = tpu.memref_slice %arg5[%add3A_908, %dma_start3A_914] : memref<320x208xi32, #tpu.memory_space<vmem>> -> memref<1x208xi32, #tpu.memory_space<vmem>>
        %dma_start3A_916 = tpu.memref_squeeze %dma_start3A_915 : memref<1x208xi32, #tpu.memory_space<vmem>> -> memref<208xi32, #tpu.memory_space<vmem>>
        %dma_start3A_917 = arith.constant 0 : i32
        %dma_start3A_918 = arith.constant 0 : i32
        %dma_start3A_919 = tpu.memref_slice %arg3[%dma_start3A_917, %dma_start3A_918] : memref<100000x32xf32, #tpu.memory_space<hbm>> -> memref<100000x32xf32, #tpu.memory_space<hbm>>
        tpu.enqueue_indirect_dma source(%dma_start3A_919 : memref<100000x32xf32, #tpu.memory_space<hbm>>) target(%dma_start3A_913 : memref<208x32xf32, #tpu.memory_space<vmem>>) offsets(%dma_start3A_916 : memref<208xi32, #tpu.memory_space<vmem>>) semaphore(%arg9 : memref<!tpu.dma_semaphore, #tpu.memory_space<semaphore_mem>>) {add = true}
        %mul3A_920 = arith.constant 20 : i32
        %mul3A_921 = arith.muli %add3A_904, %mul3A_920 : i32
        %add3A_922 = arith.constant 1 : i32
        %add3A_923 = arith.addi %mul3A_921, %add3A_922 : i32
        %dma_start3A_924 = arith.constant 0 : i32
        %dma_start3A_925 = arith.constant 0 : i32
        %dma_start3A_926 = arith.constant 0 : i32
        %dma_start3A_927 = tpu.memref_slice %arg7[%dma_start3A_924, %dma_start3A_925, %dma_start3A_926] : memref<1x208x32xf32, #tpu.memory_space<vmem>> -> memref<1x208x32xf32, #tpu.memory_space<vmem>>
        %dma_start3A_928 = tpu.memref_squeeze %dma_start3A_927 : memref<1x208x32xf32, #tpu.memory_space<vmem>> -> memref<208x32xf32, #tpu.memory_space<vmem>>
        %dma_start3A_929 = arith.constant 0 : i32
        %dma_start3A_930 = tpu.memref_slice %arg5[%add3A_923, %dma_start3A_929] : memref<320x208xi32, #tpu.memory_space<vmem>> -> memref<1x208xi32, #tpu.memory_space<vmem>>
        %dma_start3A_931 = tpu.memref_squeeze %dma_start3A_930 : memref<1x208xi32, #tpu.memory_space<vmem>> -> memref<208xi32, #tpu.memory_space<vmem>>
        %dma_start3A_932 = arith.constant 0 : i32
        %dma_start3A_933 = arith.constant 0 : i32
        %dma_start3A_934 = tpu.memref_slice %arg3[%dma_start3A_932, %dma_start3A_933] : memref<100000x32xf32, #tpu.memory_space<hbm>> -> memref<100000x32xf32, #tpu.memory_space<hbm>>
        tpu.enqueue_indirect_dma source(%dma_start3A_934 : memref<100000x32xf32, #tpu.memory_space<hbm>>) target(%dma_start3A_928 : memref<208x32xf32, #tpu.memory_space<vmem>>) offsets(%dma_start3A_931 : memref<208xi32, #tpu.memory_space<vmem>>) semaphore(%arg9 : memref<!tpu.dma_semaphore, #tpu.memory_space<semaphore_mem>>) {add = true}
        %mul3A_935 = arith.constant 20 : i32
        %mul3A_936 = arith.muli %add3A_904, %mul3A_935 : i32
        %add3A_937 = arith.constant 2 : i32
        %add3A_938 = arith.addi %mul3A_936, %add3A_937 : i32
        %dma_start3A_939 = arith.constant 0 : i32
        %dma_start3A_940 = arith.constant 0 : i32
        %dma_start3A_941 = arith.constant 0 : i32
        %dma_start3A_942 = tpu.memref_slice %arg7[%dma_start3A_939, %dma_start3A_940, %dma_start3A_941] : memref<1x208x32xf32, #tpu.memory_space<vmem>> -> memref<1x208x32xf32, #tpu.memory_space<vmem>>
        %dma_start3A_943 = tpu.memref_squeeze %dma_start3A_942 : memref<1x208x32xf32, #tpu.memory_space<vmem>> -> memref<208x32xf32, #tpu.memory_space<vmem>>
        %dma_start3A_944 = arith.constant 0 : i32
        %dma_start3A_945 = tpu.memref_slice %arg5[%add3A_938, %dma_start3A_944] : memref<320x208xi32, #tpu.memory_space<vmem>> -> memref<1x208xi32, #tpu.memory_space<vmem>>
        %dma_start3A_946 = tpu.memref_squeeze %dma_start3A_945 : memref<1x208xi32, #tpu.memory_space<vmem>> -> memref<208xi32, #tpu.memory_space<vmem>>
        %dma_start3A_947 = arith.constant 0 : i32
        %dma_start3A_948 = arith.constant 0 : i32
        %dma_start3A_949 = tpu.memref_slice %arg3[%dma_start3A_947, %dma_start3A_948] : memref<100000x32xf32, #tpu.memory_space<hbm>> -> memref<100000x32xf32, #tpu.memory_space<hbm>>
        tpu.enqueue_indirect_dma source(%dma_start3A_949 : memref<100000x32xf32, #tpu.memory_space<hbm>>) target(%dma_start3A_943 : memref<208x32xf32, #tpu.memory_space<vmem>>) offsets(%dma_start3A_946 : memref<208xi32, #tpu.memory_space<vmem>>) semaphore(%arg9 : memref<!tpu.dma_semaphore, #tpu.memory_space<semaphore_mem>>) {add = true}
        %mul3A_950 = arith.constant 20 : i32
        %mul3A_951 = arith.muli %add3A_904, %mul3A_950 : i32
        %add3A_952 = arith.constant 3 : i32
        %add3A_953 = arith.addi %mul3A_951, %add3A_952 : i32
        %dma_start3A_954 = arith.constant 0 : i32
        %dma_start3A_955 = arith.constant 0 : i32
        %dma_start3A_956 = arith.constant 0 : i32
        %dma_start3A_957 = tpu.memref_slice %arg7[%dma_start3A_954, %dma_start3A_955, %dma_start3A_956] : memref<1x208x32xf32, #tpu.memory_space<vmem>> -> memref<1x208x32xf32, #tpu.memory_space<vmem>>
        %dma_start3A_958 = tpu.memref_squeeze %dma_start3A_957 : memref<1x208x32xf32, #tpu.memory_space<vmem>> -> memref<208x32xf32, #tpu.memory_space<vmem>>
        %dma_start3A_959 = arith.constant 0 : i32
        %dma_start3A_960 = tpu.memref_slice %arg5[%add3A_953, %dma_start3A_959] : memref<320x208xi32, #tpu.memory_space<vmem>> -> memref<1x208xi32, #tpu.memory_space<vmem>>
        %dma_start3A_961 = tpu.memref_squeeze %dma_start3A_960 : memref<1x208xi32, #tpu.memory_space<vmem>> -> memref<208xi32, #tpu.memory_space<vmem>>
        %dma_start3A_962 = arith.constant 0 : i32
        %dma_start3A_963 = arith.constant 0 : i32
        %dma_start3A_964 = tpu.memref_slice %arg3[%dma_start3A_962, %dma_start3A_963] : memref<100000x32xf32, #tpu.memory_space<hbm>> -> memref<100000x32xf32, #tpu.memory_space<hbm>>
        tpu.enqueue_indirect_dma source(%dma_start3A_964 : memref<100000x32xf32, #tpu.memory_space<hbm>>) target(%dma_start3A_958 : memref<208x32xf32, #tpu.memory_space<vmem>>) offsets(%dma_start3A_961 : memref<208xi32, #tpu.memory_space<vmem>>) semaphore(%arg9 : memref<!tpu.dma_semaphore, #tpu.memory_space<semaphore_mem>>) {add = true}
        %mul3A_965 = arith.constant 20 : i32
        %mul3A_966 = arith.muli %add3A_904, %mul3A_965 : i32
        %add3A_967 = arith.constant 4 : i32
        %add3A_968 = arith.addi %mul3A_966, %add3A_967 : i32
        %dma_start3A_969 = arith.constant 0 : i32
        %dma_start3A_970 = arith.constant 0 : i32
        %dma_start3A_971 = arith.constant 0 : i32
        %dma_start3A_972 = tpu.memref_slice %arg7[%dma_start3A_969, %dma_start3A_970, %dma_start3A_971] : memref<1x208x32xf32, #tpu.memory_space<vmem>> -> memref<1x208x32xf32, #tpu.memory_space<vmem>>
        %dma_start3A_973 = tpu.memref_squeeze %dma_start3A_972 : memref<1x208x32xf32, #tpu.memory_space<vmem>> -> memref<208x32xf32, #tpu.memory_space<vmem>>
        %dma_start3A_974 = arith.constant 0 : i32
        %dma_start3A_975 = tpu.memref_slice %arg5[%add3A_968, %dma_start3A_974] : memref<320x208xi32, #tpu.memory_space<vmem>> -> memref<1x208xi32, #tpu.memory_space<vmem>>
        %dma_start3A_976 = tpu.memref_squeeze %dma_start3A_975 : memref<1x208xi32, #tpu.memory_space<vmem>> -> memref<208xi32, #tpu.memory_space<vmem>>
        %dma_start3A_977 = arith.constant 0 : i32
        %dma_start3A_978 = arith.constant 0 : i32
        %dma_start3A_979 = tpu.memref_slice %arg3[%dma_start3A_977, %dma_start3A_978] : memref<100000x32xf32, #tpu.memory_space<hbm>> -> memref<100000x32xf32, #tpu.memory_space<hbm>>
        tpu.enqueue_indirect_dma source(%dma_start3A_979 : memref<100000x32xf32, #tpu.memory_space<hbm>>) target(%dma_start3A_973 : memref<208x32xf32, #tpu.memory_space<vmem>>) offsets(%dma_start3A_976 : memref<208xi32, #tpu.memory_space<vmem>>) semaphore(%arg9 : memref<!tpu.dma_semaphore, #tpu.memory_space<semaphore_mem>>) {add = true}
        %mul3A_980 = arith.constant 20 : i32
        %mul3A_981 = arith.muli %add3A_904, %mul3A_980 : i32
        %add3A_982 = arith.constant 5 : i32
        %add3A_983 = arith.addi %mul3A_981, %add3A_982 : i32
        %dma_start3A_984 = arith.constant 0 : i32
        %dma_start3A_985 = arith.constant 0 : i32
        %dma_start3A_986 = arith.constant 0 : i32
        %dma_start3A_987 = tpu.memref_slice %arg7[%dma_start3A_984, %dma_start3A_985, %dma_start3A_986] : memref<1x208x32xf32, #tpu.memory_space<vmem>> -> memref<1x208x32xf32, #tpu.memory_space<vmem>>
        %dma_start3A_988 = tpu.memref_squeeze %dma_start3A_987 : memref<1x208x32xf32, #tpu.memory_space<vmem>> -> memref<208x32xf32, #tpu.memory_space<vmem>>
        %dma_start3A_989 = arith.constant 0 : i32
        %dma_start3A_990 = tpu.memref_slice %arg5[%add3A_983, %dma_start3A_989] : memref<320x208xi32, #tpu.memory_space<vmem>> -> memref<1x208xi32, #tpu.memory_space<vmem>>
        %dma_start3A_991 = tpu.memref_squeeze %dma_start3A_990 : memref<1x208xi32, #tpu.memory_space<vmem>> -> memref<208xi32, #tpu.memory_space<vmem>>
        %dma_start3A_992 = arith.constant 0 : i32
        %dma_start3A_993 = arith.constant 0 : i32
        %dma_start3A_994 = tpu.memref_slice %arg3[%dma_start3A_992, %dma_start3A_993] : memref<100000x32xf32, #tpu.memory_space<hbm>> -> memref<100000x32xf32, #tpu.memory_space<hbm>>
        tpu.enqueue_indirect_dma source(%dma_start3A_994 : memref<100000x32xf32, #tpu.memory_space<hbm>>) target(%dma_start3A_988 : memref<208x32xf32, #tpu.memory_space<vmem>>) offsets(%dma_start3A_991 : memref<208xi32, #tpu.memory_space<vmem>>) semaphore(%arg9 : memref<!tpu.dma_semaphore, #tpu.memory_space<semaphore_mem>>) {add = true}
        %mul3A_995 = arith.constant 20 : i32
        %mul3A_996 = arith.muli %add3A_904, %mul3A_995 : i32
        %add3A_997 = arith.constant 6 : i32
        %add3A_998 = arith.addi %mul3A_996, %add3A_997 : i32
        %dma_start3A_999 = arith.constant 0 : i32
        %dma_start3A_1000 = arith.constant 0 : i32
        %dma_start3A_1001 = arith.constant 0 : i32
        %dma_start3A_1002 = tpu.memref_slice %arg7[%dma_start3A_999, %dma_start3A_1000, %dma_start3A_1001] : memref<1x208x32xf32, #tpu.memory_space<vmem>> -> memref<1x208x32xf32, #tpu.memory_space<vmem>>
        %dma_start3A_1003 = tpu.memref_squeeze %dma_start3A_1002 : memref<1x208x32xf32, #tpu.memory_space<vmem>> -> memref<208x32xf32, #tpu.memory_space<vmem>>
        %dma_start3A_1004 = arith.constant 0 : i32
        %dma_start3A_1005 = tpu.memref_slice %arg5[%add3A_998, %dma_start3A_1004] : memref<320x208xi32, #tpu.memory_space<vmem>> -> memref<1x208xi32, #tpu.memory_space<vmem>>
        %dma_start3A_1006 = tpu.memref_squeeze %dma_start3A_1005 : memref<1x208xi32, #tpu.memory_space<vmem>> -> memref<208xi32, #tpu.memory_space<vmem>>
        %dma_start3A_1007 = arith.constant 0 : i32
        %dma_start3A_1008 = arith.constant 0 : i32
        %dma_start3A_1009 = tpu.memref_slice %arg3[%dma_start3A_1007, %dma_start3A_1008] : memref<100000x32xf32, #tpu.memory_space<hbm>> -> memref<100000x32xf32, #tpu.memory_space<hbm>>
        tpu.enqueue_indirect_dma source(%dma_start3A_1009 : memref<100000x32xf32, #tpu.memory_space<hbm>>) target(%dma_start3A_1003 : memref<208x32xf32, #tpu.memory_space<vmem>>) offsets(%dma_start3A_1006 : memref<208xi32, #tpu.memory_space<vmem>>) semaphore(%arg9 : memref<!tpu.dma_semaphore, #tpu.memory_space<semaphore_mem>>) {add = true}
        %mul3A_1010 = arith.constant 20 : i32
        %mul3A_1011 = arith.muli %add3A_904, %mul3A_1010 : i32
        %add3A_1012 = arith.constant 7 : i32
        %add3A_1013 = arith.addi %mul3A_1011, %add3A_1012 : i32
        %dma_start3A_1014 = arith.constant 0 : i32
        %dma_start3A_1015 = arith.constant 0 : i32
        %dma_start3A_1016 = arith.constant 0 : i32
        %dma_start3A_1017 = tpu.memref_slice %arg7[%dma_start3A_1014, %dma_start3A_1015, %dma_start3A_1016] : memref<1x208x32xf32, #tpu.memory_space<vmem>> -> memref<1x208x32xf32, #tpu.memory_space<vmem>>
        %dma_start3A_1018 = tpu.memref_squeeze %dma_start3A_1017 : memref<1x208x32xf32, #tpu.memory_space<vmem>> -> memref<208x32xf32, #tpu.memory_space<vmem>>
        %dma_start3A_1019 = arith.constant 0 : i32
        %dma_start3A_1020 = tpu.memref_slice %arg5[%add3A_1013, %dma_start3A_1019] : memref<320x208xi32, #tpu.memory_space<vmem>> -> memref<1x208xi32, #tpu.memory_space<vmem>>
        %dma_start3A_1021 = tpu.memref_squeeze %dma_start3A_1020 : memref<1x208xi32, #tpu.memory_space<vmem>> -> memref<208xi32, #tpu.memory_space<vmem>>
        %dma_start3A_1022 = arith.constant 0 : i32
        %dma_start3A_1023 = arith.constant 0 : i32
        %dma_start3A_1024 = tpu.memref_slice %arg3[%dma_start3A_1022, %dma_start3A_1023] : memref<100000x32xf32, #tpu.memory_space<hbm>> -> memref<100000x32xf32, #tpu.memory_space<hbm>>
        tpu.enqueue_indirect_dma source(%dma_start3A_1024 : memref<100000x32xf32, #tpu.memory_space<hbm>>) target(%dma_start3A_1018 : memref<208x32xf32, #tpu.memory_space<vmem>>) offsets(%dma_start3A_1021 : memref<208xi32, #tpu.memory_space<vmem>>) semaphore(%arg9 : memref<!tpu.dma_semaphore, #tpu.memory_space<semaphore_mem>>) {add = true}
        %mul3A_1025 = arith.constant 20 : i32
        %mul3A_1026 = arith.muli %add3A_904, %mul3A_1025 : i32
        %add3A_1027 = arith.constant 8 : i32
        %add3A_1028 = arith.addi %mul3A_1026, %add3A_1027 : i32
        %dma_start3A_1029 = arith.constant 0 : i32
        %dma_start3A_1030 = arith.constant 0 : i32
        %dma_start3A_1031 = arith.constant 0 : i32
        %dma_start3A_1032 = tpu.memref_slice %arg7[%dma_start3A_1029, %dma_start3A_1030, %dma_start3A_1031] : memref<1x208x32xf32, #tpu.memory_space<vmem>> -> memref<1x208x32xf32, #tpu.memory_space<vmem>>
        %dma_start3A_1033 = tpu.memref_squeeze %dma_start3A_1032 : memref<1x208x32xf32, #tpu.memory_space<vmem>> -> memref<208x32xf32, #tpu.memory_space<vmem>>
        %dma_start3A_1034 = arith.constant 0 : i32
        %dma_start3A_1035 = tpu.memref_slice %arg5[%add3A_1028, %dma_start3A_1034] : memref<320x208xi32, #tpu.memory_space<vmem>> -> memref<1x208xi32, #tpu.memory_space<vmem>>
        %dma_start3A_1036 = tpu.memref_squeeze %dma_start3A_1035 : memref<1x208xi32, #tpu.memory_space<vmem>> -> memref<208xi32, #tpu.memory_space<vmem>>
        %dma_start3A_1037 = arith.constant 0 : i32
        %dma_start3A_1038 = arith.constant 0 : i32
        %dma_start3A_1039 = tpu.memref_slice %arg3[%dma_start3A_1037, %dma_start3A_1038] : memref<100000x32xf32, #tpu.memory_space<hbm>> -> memref<100000x32xf32, #tpu.memory_space<hbm>>
        tpu.enqueue_indirect_dma source(%dma_start3A_1039 : memref<100000x32xf32, #tpu.memory_space<hbm>>) target(%dma_start3A_1033 : memref<208x32xf32, #tpu.memory_space<vmem>>) offsets(%dma_start3A_1036 : memref<208xi32, #tpu.memory_space<vmem>>) semaphore(%arg9 : memref<!tpu.dma_semaphore, #tpu.memory_space<semaphore_mem>>) {add = true}
        %mul3A_1040 = arith.constant 20 : i32
        %mul3A_1041 = arith.muli %add3A_904, %mul3A_1040 : i32
        %add3A_1042 = arith.constant 9 : i32
        %add3A_1043 = arith.addi %mul3A_1041, %add3A_1042 : i32
        %dma_start3A_1044 = arith.constant 0 : i32
        %dma_start3A_1045 = arith.constant 0 : i32
        %dma_start3A_1046 = arith.constant 0 : i32
        %dma_start3A_1047 = tpu.memref_slice %arg7[%dma_start3A_1044, %dma_start3A_1045, %dma_start3A_1046] : memref<1x208x32xf32, #tpu.memory_space<vmem>> -> memref<1x208x32xf32, #tpu.memory_space<vmem>>
        %dma_start3A_1048 = tpu.memref_squeeze %dma_start3A_1047 : memref<1x208x32xf32, #tpu.memory_space<vmem>> -> memref<208x32xf32, #tpu.memory_space<vmem>>
        %dma_start3A_1049 = arith.constant 0 : i32
        %dma_start3A_1050 = tpu.memref_slice %arg5[%add3A_1043, %dma_start3A_1049] : memref<320x208xi32, #tpu.memory_space<vmem>> -> memref<1x208xi32, #tpu.memory_space<vmem>>
        %dma_start3A_1051 = tpu.memref_squeeze %dma_start3A_1050 : memref<1x208xi32, #tpu.memory_space<vmem>> -> memref<208xi32, #tpu.memory_space<vmem>>
        %dma_start3A_1052 = arith.constant 0 : i32
        %dma_start3A_1053 = arith.constant 0 : i32
        %dma_start3A_1054 = tpu.memref_slice %arg3[%dma_start3A_1052, %dma_start3A_1053] : memref<100000x32xf32, #tpu.memory_space<hbm>> -> memref<100000x32xf32, #tpu.memory_space<hbm>>
        tpu.enqueue_indirect_dma source(%dma_start3A_1054 : memref<100000x32xf32, #tpu.memory_space<hbm>>) target(%dma_start3A_1048 : memref<208x32xf32, #tpu.memory_space<vmem>>) offsets(%dma_start3A_1051 : memref<208xi32, #tpu.memory_space<vmem>>) semaphore(%arg9 : memref<!tpu.dma_semaphore, #tpu.memory_space<semaphore_mem>>) {add = true}
        %mul3A_1055 = arith.constant 20 : i32
        %mul3A_1056 = arith.muli %add3A_904, %mul3A_1055 : i32
        %add3A_1057 = arith.constant 10 : i32
        %add3A_1058 = arith.addi %mul3A_1056, %add3A_1057 : i32
        %dma_start3A_1059 = arith.constant 0 : i32
        %dma_start3A_1060 = arith.constant 0 : i32
        %dma_start3A_1061 = arith.constant 0 : i32
        %dma_start3A_1062 = tpu.memref_slice %arg7[%dma_start3A_1059, %dma_start3A_1060, %dma_start3A_1061] : memref<1x208x32xf32, #tpu.memory_space<vmem>> -> memref<1x208x32xf32, #tpu.memory_space<vmem>>
        %dma_start3A_1063 = tpu.memref_squeeze %dma_start3A_1062 : memref<1x208x32xf32, #tpu.memory_space<vmem>> -> memref<208x32xf32, #tpu.memory_space<vmem>>
        %dma_start3A_1064 = arith.constant 0 : i32
        %dma_start3A_1065 = tpu.memref_slice %arg5[%add3A_1058, %dma_start3A_1064] : memref<320x208xi32, #tpu.memory_space<vmem>> -> memref<1x208xi32, #tpu.memory_space<vmem>>
        %dma_start3A_1066 = tpu.memref_squeeze %dma_start3A_1065 : memref<1x208xi32, #tpu.memory_space<vmem>> -> memref<208xi32, #tpu.memory_space<vmem>>
        %dma_start3A_1067 = arith.constant 0 : i32
        %dma_start3A_1068 = arith.constant 0 : i32
        %dma_start3A_1069 = tpu.memref_slice %arg3[%dma_start3A_1067, %dma_start3A_1068] : memref<100000x32xf32, #tpu.memory_space<hbm>> -> memref<100000x32xf32, #tpu.memory_space<hbm>>
        tpu.enqueue_indirect_dma source(%dma_start3A_1069 : memref<100000x32xf32, #tpu.memory_space<hbm>>) target(%dma_start3A_1063 : memref<208x32xf32, #tpu.memory_space<vmem>>) offsets(%dma_start3A_1066 : memref<208xi32, #tpu.memory_space<vmem>>) semaphore(%arg9 : memref<!tpu.dma_semaphore, #tpu.memory_space<semaphore_mem>>) {add = true}
        %mul3A_1070 = arith.constant 20 : i32
        %mul3A_1071 = arith.muli %add3A_904, %mul3A_1070 : i32
        %add3A_1072 = arith.constant 11 : i32
        %add3A_1073 = arith.addi %mul3A_1071, %add3A_1072 : i32
        %dma_start3A_1074 = arith.constant 0 : i32
        %dma_start3A_1075 = arith.constant 0 : i32
        %dma_start3A_1076 = arith.constant 0 : i32
        %dma_start3A_1077 = tpu.memref_slice %arg7[%dma_start3A_1074, %dma_start3A_1075, %dma_start3A_1076] : memref<1x208x32xf32, #tpu.memory_space<vmem>> -> memref<1x208x32xf32, #tpu.memory_space<vmem>>
        %dma_start3A_1078 = tpu.memref_squeeze %dma_start3A_1077 : memref<1x208x32xf32, #tpu.memory_space<vmem>> -> memref<208x32xf32, #tpu.memory_space<vmem>>
        %dma_start3A_1079 = arith.constant 0 : i32
        %dma_start3A_1080 = tpu.memref_slice %arg5[%add3A_1073, %dma_start3A_1079] : memref<320x208xi32, #tpu.memory_space<vmem>> -> memref<1x208xi32, #tpu.memory_space<vmem>>
        %dma_start3A_1081 = tpu.memref_squeeze %dma_start3A_1080 : memref<1x208xi32, #tpu.memory_space<vmem>> -> memref<208xi32, #tpu.memory_space<vmem>>
        %dma_start3A_1082 = arith.constant 0 : i32
        %dma_start3A_1083 = arith.constant 0 : i32
        %dma_start3A_1084 = tpu.memref_slice %arg3[%dma_start3A_1082, %dma_start3A_1083] : memref<100000x32xf32, #tpu.memory_space<hbm>> -> memref<100000x32xf32, #tpu.memory_space<hbm>>
        tpu.enqueue_indirect_dma source(%dma_start3A_1084 : memref<100000x32xf32, #tpu.memory_space<hbm>>) target(%dma_start3A_1078 : memref<208x32xf32, #tpu.memory_space<vmem>>) offsets(%dma_start3A_1081 : memref<208xi32, #tpu.memory_space<vmem>>) semaphore(%arg9 : memref<!tpu.dma_semaphore, #tpu.memory_space<semaphore_mem>>) {add = true}
        %mul3A_1085 = arith.constant 20 : i32
        %mul3A_1086 = arith.muli %add3A_904, %mul3A_1085 : i32
        %add3A_1087 = arith.constant 12 : i32
        %add3A_1088 = arith.addi %mul3A_1086, %add3A_1087 : i32
        %dma_start3A_1089 = arith.constant 0 : i32
        %dma_start3A_1090 = arith.constant 0 : i32
        %dma_start3A_1091 = arith.constant 0 : i32
        %dma_start3A_1092 = tpu.memref_slice %arg7[%dma_start3A_1089, %dma_start3A_1090, %dma_start3A_1091] : memref<1x208x32xf32, #tpu.memory_space<vmem>> -> memref<1x208x32xf32, #tpu.memory_space<vmem>>
        %dma_start3A_1093 = tpu.memref_squeeze %dma_start3A_1092 : memref<1x208x32xf32, #tpu.memory_space<vmem>> -> memref<208x32xf32, #tpu.memory_space<vmem>>
        %dma_start3A_1094 = arith.constant 0 : i32
        %dma_start3A_1095 = tpu.memref_slice %arg5[%add3A_1088, %dma_start3A_1094] : memref<320x208xi32, #tpu.memory_space<vmem>> -> memref<1x208xi32, #tpu.memory_space<vmem>>
        %dma_start3A_1096 = tpu.memref_squeeze %dma_start3A_1095 : memref<1x208xi32, #tpu.memory_space<vmem>> -> memref<208xi32, #tpu.memory_space<vmem>>
        %dma_start3A_1097 = arith.constant 0 : i32
        %dma_start3A_1098 = arith.constant 0 : i32
        %dma_start3A_1099 = tpu.memref_slice %arg3[%dma_start3A_1097, %dma_start3A_1098] : memref<100000x32xf32, #tpu.memory_space<hbm>> -> memref<100000x32xf32, #tpu.memory_space<hbm>>
        tpu.enqueue_indirect_dma source(%dma_start3A_1099 : memref<100000x32xf32, #tpu.memory_space<hbm>>) target(%dma_start3A_1093 : memref<208x32xf32, #tpu.memory_space<vmem>>) offsets(%dma_start3A_1096 : memref<208xi32, #tpu.memory_space<vmem>>) semaphore(%arg9 : memref<!tpu.dma_semaphore, #tpu.memory_space<semaphore_mem>>) {add = true}
        %mul3A_1100 = arith.constant 20 : i32
        %mul3A_1101 = arith.muli %add3A_904, %mul3A_1100 : i32
        %add3A_1102 = arith.constant 13 : i32
        %add3A_1103 = arith.addi %mul3A_1101, %add3A_1102 : i32
        %dma_start3A_1104 = arith.constant 0 : i32
        %dma_start3A_1105 = arith.constant 0 : i32
        %dma_start3A_1106 = arith.constant 0 : i32
        %dma_start3A_1107 = tpu.memref_slice %arg7[%dma_start3A_1104, %dma_start3A_1105, %dma_start3A_1106] : memref<1x208x32xf32, #tpu.memory_space<vmem>> -> memref<1x208x32xf32, #tpu.memory_space<vmem>>
        %dma_start3A_1108 = tpu.memref_squeeze %dma_start3A_1107 : memref<1x208x32xf32, #tpu.memory_space<vmem>> -> memref<208x32xf32, #tpu.memory_space<vmem>>
        %dma_start3A_1109 = arith.constant 0 : i32
        %dma_start3A_1110 = tpu.memref_slice %arg5[%add3A_1103, %dma_start3A_1109] : memref<320x208xi32, #tpu.memory_space<vmem>> -> memref<1x208xi32, #tpu.memory_space<vmem>>
        %dma_start3A_1111 = tpu.memref_squeeze %dma_start3A_1110 : memref<1x208xi32, #tpu.memory_space<vmem>> -> memref<208xi32, #tpu.memory_space<vmem>>
        %dma_start3A_1112 = arith.constant 0 : i32
        %dma_start3A_1113 = arith.constant 0 : i32
        %dma_start3A_1114 = tpu.memref_slice %arg3[%dma_start3A_1112, %dma_start3A_1113] : memref<100000x32xf32, #tpu.memory_space<hbm>> -> memref<100000x32xf32, #tpu.memory_space<hbm>>
        tpu.enqueue_indirect_dma source(%dma_start3A_1114 : memref<100000x32xf32, #tpu.memory_space<hbm>>) target(%dma_start3A_1108 : memref<208x32xf32, #tpu.memory_space<vmem>>) offsets(%dma_start3A_1111 : memref<208xi32, #tpu.memory_space<vmem>>) semaphore(%arg9 : memref<!tpu.dma_semaphore, #tpu.memory_space<semaphore_mem>>) {add = true}
        %mul3A_1115 = arith.constant 20 : i32
        %mul3A_1116 = arith.muli %add3A_904, %mul3A_1115 : i32
        %add3A_1117 = arith.constant 14 : i32
        %add3A_1118 = arith.addi %mul3A_1116, %add3A_1117 : i32
        %dma_start3A_1119 = arith.constant 0 : i32
        %dma_start3A_1120 = arith.constant 0 : i32
        %dma_start3A_1121 = arith.constant 0 : i32
        %dma_start3A_1122 = tpu.memref_slice %arg7[%dma_start3A_1119, %dma_start3A_1120, %dma_start3A_1121] : memref<1x208x32xf32, #tpu.memory_space<vmem>> -> memref<1x208x32xf32, #tpu.memory_space<vmem>>
        %dma_start3A_1123 = tpu.memref_squeeze %dma_start3A_1122 : memref<1x208x32xf32, #tpu.memory_space<vmem>> -> memref<208x32xf32, #tpu.memory_space<vmem>>
        %dma_start3A_1124 = arith.constant 0 : i32
        %dma_start3A_1125 = tpu.memref_slice %arg5[%add3A_1118, %dma_start3A_1124] : memref<320x208xi32, #tpu.memory_space<vmem>> -> memref<1x208xi32, #tpu.memory_space<vmem>>
        %dma_start3A_1126 = tpu.memref_squeeze %dma_start3A_1125 : memref<1x208xi32, #tpu.memory_space<vmem>> -> memref<208xi32, #tpu.memory_space<vmem>>
        %dma_start3A_1127 = arith.constant 0 : i32
        %dma_start3A_1128 = arith.constant 0 : i32
        %dma_start3A_1129 = tpu.memref_slice %arg3[%dma_start3A_1127, %dma_start3A_1128] : memref<100000x32xf32, #tpu.memory_space<hbm>> -> memref<100000x32xf32, #tpu.memory_space<hbm>>
        tpu.enqueue_indirect_dma source(%dma_start3A_1129 : memref<100000x32xf32, #tpu.memory_space<hbm>>) target(%dma_start3A_1123 : memref<208x32xf32, #tpu.memory_space<vmem>>) offsets(%dma_start3A_1126 : memref<208xi32, #tpu.memory_space<vmem>>) semaphore(%arg9 : memref<!tpu.dma_semaphore, #tpu.memory_space<semaphore_mem>>) {add = true}
        %mul3A_1130 = arith.constant 20 : i32
        %mul3A_1131 = arith.muli %add3A_904, %mul3A_1130 : i32
        %add3A_1132 = arith.constant 15 : i32
        %add3A_1133 = arith.addi %mul3A_1131, %add3A_1132 : i32
        %dma_start3A_1134 = arith.constant 0 : i32
        %dma_start3A_1135 = arith.constant 0 : i32
        %dma_start3A_1136 = arith.constant 0 : i32
        %dma_start3A_1137 = tpu.memref_slice %arg7[%dma_start3A_1134, %dma_start3A_1135, %dma_start3A_1136] : memref<1x208x32xf32, #tpu.memory_space<vmem>> -> memref<1x208x32xf32, #tpu.memory_space<vmem>>
        %dma_start3A_1138 = tpu.memref_squeeze %dma_start3A_1137 : memref<1x208x32xf32, #tpu.memory_space<vmem>> -> memref<208x32xf32, #tpu.memory_space<vmem>>
        %dma_start3A_1139 = arith.constant 0 : i32
        %dma_start3A_1140 = tpu.memref_slice %arg5[%add3A_1133, %dma_start3A_1139] : memref<320x208xi32, #tpu.memory_space<vmem>> -> memref<1x208xi32, #tpu.memory_space<vmem>>
        %dma_start3A_1141 = tpu.memref_squeeze %dma_start3A_1140 : memref<1x208xi32, #tpu.memory_space<vmem>> -> memref<208xi32, #tpu.memory_space<vmem>>
        %dma_start3A_1142 = arith.constant 0 : i32
        %dma_start3A_1143 = arith.constant 0 : i32
        %dma_start3A_1144 = tpu.memref_slice %arg3[%dma_start3A_1142, %dma_start3A_1143] : memref<100000x32xf32, #tpu.memory_space<hbm>> -> memref<100000x32xf32, #tpu.memory_space<hbm>>
        tpu.enqueue_indirect_dma source(%dma_start3A_1144 : memref<100000x32xf32, #tpu.memory_space<hbm>>) target(%dma_start3A_1138 : memref<208x32xf32, #tpu.memory_space<vmem>>) offsets(%dma_start3A_1141 : memref<208xi32, #tpu.memory_space<vmem>>) semaphore(%arg9 : memref<!tpu.dma_semaphore, #tpu.memory_space<semaphore_mem>>) {add = true}
        %mul3A_1145 = arith.constant 20 : i32
        %mul3A_1146 = arith.muli %add3A_904, %mul3A_1145 : i32
        %add3A_1147 = arith.constant 16 : i32
        %add3A_1148 = arith.addi %mul3A_1146, %add3A_1147 : i32
        %dma_start3A_1149 = arith.constant 0 : i32
        %dma_start3A_1150 = arith.constant 0 : i32
        %dma_start3A_1151 = arith.constant 0 : i32
        %dma_start3A_1152 = tpu.memref_slice %arg7[%dma_start3A_1149, %dma_start3A_1150, %dma_start3A_1151] : memref<1x208x32xf32, #tpu.memory_space<vmem>> -> memref<1x208x32xf32, #tpu.memory_space<vmem>>
        %dma_start3A_1153 = tpu.memref_squeeze %dma_start3A_1152 : memref<1x208x32xf32, #tpu.memory_space<vmem>> -> memref<208x32xf32, #tpu.memory_space<vmem>>
        %dma_start3A_1154 = arith.constant 0 : i32
        %dma_start3A_1155 = tpu.memref_slice %arg5[%add3A_1148, %dma_start3A_1154] : memref<320x208xi32, #tpu.memory_space<vmem>> -> memref<1x208xi32, #tpu.memory_space<vmem>>
        %dma_start3A_1156 = tpu.memref_squeeze %dma_start3A_1155 : memref<1x208xi32, #tpu.memory_space<vmem>> -> memref<208xi32, #tpu.memory_space<vmem>>
        %dma_start3A_1157 = arith.constant 0 : i32
        %dma_start3A_1158 = arith.constant 0 : i32
        %dma_start3A_1159 = tpu.memref_slice %arg3[%dma_start3A_1157, %dma_start3A_1158] : memref<100000x32xf32, #tpu.memory_space<hbm>> -> memref<100000x32xf32, #tpu.memory_space<hbm>>
        tpu.enqueue_indirect_dma source(%dma_start3A_1159 : memref<100000x32xf32, #tpu.memory_space<hbm>>) target(%dma_start3A_1153 : memref<208x32xf32, #tpu.memory_space<vmem>>) offsets(%dma_start3A_1156 : memref<208xi32, #tpu.memory_space<vmem>>) semaphore(%arg9 : memref<!tpu.dma_semaphore, #tpu.memory_space<semaphore_mem>>) {add = true}
        %mul3A_1160 = arith.constant 20 : i32
        %mul3A_1161 = arith.muli %add3A_904, %mul3A_1160 : i32
        %add3A_1162 = arith.constant 17 : i32
        %add3A_1163 = arith.addi %mul3A_1161, %add3A_1162 : i32
        %dma_start3A_1164 = arith.constant 0 : i32
        %dma_start3A_1165 = arith.constant 0 : i32
        %dma_start3A_1166 = arith.constant 0 : i32
        %dma_start3A_1167 = tpu.memref_slice %arg7[%dma_start3A_1164, %dma_start3A_1165, %dma_start3A_1166] : memref<1x208x32xf32, #tpu.memory_space<vmem>> -> memref<1x208x32xf32, #tpu.memory_space<vmem>>
        %dma_start3A_1168 = tpu.memref_squeeze %dma_start3A_1167 : memref<1x208x32xf32, #tpu.memory_space<vmem>> -> memref<208x32xf32, #tpu.memory_space<vmem>>
        %dma_start3A_1169 = arith.constant 0 : i32
        %dma_start3A_1170 = tpu.memref_slice %arg5[%add3A_1163, %dma_start3A_1169] : memref<320x208xi32, #tpu.memory_space<vmem>> -> memref<1x208xi32, #tpu.memory_space<vmem>>
        %dma_start3A_1171 = tpu.memref_squeeze %dma_start3A_1170 : memref<1x208xi32, #tpu.memory_space<vmem>> -> memref<208xi32, #tpu.memory_space<vmem>>
        %dma_start3A_1172 = arith.constant 0 : i32
        %dma_start3A_1173 = arith.constant 0 : i32
        %dma_start3A_1174 = tpu.memref_slice %arg3[%dma_start3A_1172, %dma_start3A_1173] : memref<100000x32xf32, #tpu.memory_space<hbm>> -> memref<100000x32xf32, #tpu.memory_space<hbm>>
        tpu.enqueue_indirect_dma source(%dma_start3A_1174 : memref<100000x32xf32, #tpu.memory_space<hbm>>) target(%dma_start3A_1168 : memref<208x32xf32, #tpu.memory_space<vmem>>) offsets(%dma_start3A_1171 : memref<208xi32, #tpu.memory_space<vmem>>) semaphore(%arg9 : memref<!tpu.dma_semaphore, #tpu.memory_space<semaphore_mem>>) {add = true}
        %mul3A_1175 = arith.constant 20 : i32
        %mul3A_1176 = arith.muli %add3A_904, %mul3A_1175 : i32
        %add3A_1177 = arith.constant 18 : i32
        %add3A_1178 = arith.addi %mul3A_1176, %add3A_1177 : i32
        %dma_start3A_1179 = arith.constant 0 : i32
        %dma_start3A_1180 = arith.constant 0 : i32
        %dma_start3A_1181 = arith.constant 0 : i32
        %dma_start3A_1182 = tpu.memref_slice %arg7[%dma_start3A_1179, %dma_start3A_1180, %dma_start3A_1181] : memref<1x208x32xf32, #tpu.memory_space<vmem>> -> memref<1x208x32xf32, #tpu.memory_space<vmem>>
        %dma_start3A_1183 = tpu.memref_squeeze %dma_start3A_1182 : memref<1x208x32xf32, #tpu.memory_space<vmem>> -> memref<208x32xf32, #tpu.memory_space<vmem>>
        %dma_start3A_1184 = arith.constant 0 : i32
        %dma_start3A_1185 = tpu.memref_slice %arg5[%add3A_1178, %dma_start3A_1184] : memref<320x208xi32, #tpu.memory_space<vmem>> -> memref<1x208xi32, #tpu.memory_space<vmem>>
        %dma_start3A_1186 = tpu.memref_squeeze %dma_start3A_1185 : memref<1x208xi32, #tpu.memory_space<vmem>> -> memref<208xi32, #tpu.memory_space<vmem>>
        %dma_start3A_1187 = arith.constant 0 : i32
        %dma_start3A_1188 = arith.constant 0 : i32
        %dma_start3A_1189 = tpu.memref_slice %arg3[%dma_start3A_1187, %dma_start3A_1188] : memref<100000x32xf32, #tpu.memory_space<hbm>> -> memref<100000x32xf32, #tpu.memory_space<hbm>>
        tpu.enqueue_indirect_dma source(%dma_start3A_1189 : memref<100000x32xf32, #tpu.memory_space<hbm>>) target(%dma_start3A_1183 : memref<208x32xf32, #tpu.memory_space<vmem>>) offsets(%dma_start3A_1186 : memref<208xi32, #tpu.memory_space<vmem>>) semaphore(%arg9 : memref<!tpu.dma_semaphore, #tpu.memory_space<semaphore_mem>>) {add = true}
        %mul3A_1190 = arith.constant 20 : i32
        %mul3A_1191 = arith.muli %add3A_904, %mul3A_1190 : i32
        %add3A_1192 = arith.constant 19 : i32
        %add3A_1193 = arith.addi %mul3A_1191, %add3A_1192 : i32
        %dma_start3A_1194 = arith.constant 0 : i32
        %dma_start3A_1195 = arith.constant 0 : i32
        %dma_start3A_1196 = arith.constant 0 : i32
        %dma_start3A_1197 = tpu.memref_slice %arg7[%dma_start3A_1194, %dma_start3A_1195, %dma_start3A_1196] : memref<1x208x32xf32, #tpu.memory_space<vmem>> -> memref<1x208x32xf32, #tpu.memory_space<vmem>>
        %dma_start3A_1198 = tpu.memref_squeeze %dma_start3A_1197 : memref<1x208x32xf32, #tpu.memory_space<vmem>> -> memref<208x32xf32, #tpu.memory_space<vmem>>
        %dma_start3A_1199 = arith.constant 0 : i32
        %dma_start3A_1200 = tpu.memref_slice %arg5[%add3A_1193, %dma_start3A_1199] : memref<320x208xi32, #tpu.memory_space<vmem>> -> memref<1x208xi32, #tpu.memory_space<vmem>>
        %dma_start3A_1201 = tpu.memref_squeeze %dma_start3A_1200 : memref<1x208xi32, #tpu.memory_space<vmem>> -> memref<208xi32, #tpu.memory_space<vmem>>
        %dma_start3A_1202 = arith.constant 0 : i32
        %dma_start3A_1203 = arith.constant 0 : i32
        %dma_start3A_1204 = tpu.memref_slice %arg3[%dma_start3A_1202, %dma_start3A_1203] : memref<100000x32xf32, #tpu.memory_space<hbm>> -> memref<100000x32xf32, #tpu.memory_space<hbm>>
        tpu.enqueue_indirect_dma source(%dma_start3A_1204 : memref<100000x32xf32, #tpu.memory_space<hbm>>) target(%dma_start3A_1198 : memref<208x32xf32, #tpu.memory_space<vmem>>) offsets(%dma_start3A_1201 : memref<208xi32, #tpu.memory_space<vmem>>) semaphore(%arg9 : memref<!tpu.dma_semaphore, #tpu.memory_space<semaphore_mem>>) {add = true}
      } else {
      }
      %dma_wait3A_271 = arith.constant 0 : i32
      %dma_wait3A_272 = arith.constant 0 : i32
      %dma_wait3A_273 = arith.constant 0 : i32
      %dma_wait3A_274 = tpu.memref_slice %arg6[%dma_wait3A_271, %dma_wait3A_272, %dma_wait3A_273] : memref<1x208x32xf32, #tpu.memory_space<vmem>> -> memref<1x208x32xf32, #tpu.memory_space<vmem>>
      %dma_wait3A_275 = tpu.memref_squeeze %dma_wait3A_274 : memref<1x208x32xf32, #tpu.memory_space<vmem>> -> memref<208x32xf32, #tpu.memory_space<vmem>>
      %dma_wait3A_276 = arith.constant 0 : i32
      %dma_wait3A_277 = arith.constant 0 : i32
      %dma_wait3A_278 = tpu.memref_slice %arg3[%dma_wait3A_276, %dma_wait3A_277] : memref<100000x32xf32, #tpu.memory_space<hbm>> -> memref<208x32xf32, #tpu.memory_space<hbm>>
      %dma_wait3A_279 = arith.constant 0 : i32
      %dma_wait3A_280 = arith.constant 0 : i32
      %dma_wait3A_281 = tpu.memref_slice %arg6[%dma_wait3A_271, %dma_wait3A_279, %dma_wait3A_280] : memref<1x208x32xf32, #tpu.memory_space<vmem>> -> memref<1x208x32xf32, #tpu.memory_space<vmem>>
      %dma_wait3A_282 = tpu.memref_squeeze %dma_wait3A_281 : memref<1x208x32xf32, #tpu.memory_space<vmem>> -> memref<208x32xf32, #tpu.memory_space<vmem>>
      %dma_wait3A_283 = arith.constant 0 : i32
      %dma_wait3A_284 = arith.constant 0 : i32
      %dma_wait3A_285 = tpu.memref_slice %arg3[%dma_wait3A_283, %dma_wait3A_284] : memref<100000x32xf32, #tpu.memory_space<hbm>> -> memref<208x32xf32, #tpu.memory_space<hbm>>
      tpu.wait_dma2 semaphore(%arg8 : memref<!tpu.dma_semaphore, #tpu.memory_space<semaphore_mem>>) src(%dma_wait3A_285 : memref<208x32xf32, #tpu.memory_space<hbm>>) dst(%dma_wait3A_282 : memref<208x32xf32, #tpu.memory_space<vmem>>)
      %dma_wait3A_286 = arith.constant 0 : i32
      %dma_wait3A_287 = arith.constant 0 : i32
      %dma_wait3A_288 = arith.constant 0 : i32
      %dma_wait3A_289 = tpu.memref_slice %arg6[%dma_wait3A_286, %dma_wait3A_287, %dma_wait3A_288] : memref<1x208x32xf32, #tpu.memory_space<vmem>> -> memref<1x208x32xf32, #tpu.memory_space<vmem>>
      %dma_wait3A_290 = tpu.memref_squeeze %dma_wait3A_289 : memref<1x208x32xf32, #tpu.memory_space<vmem>> -> memref<208x32xf32, #tpu.memory_space<vmem>>
      %dma_wait3A_291 = arith.constant 0 : i32
      %dma_wait3A_292 = arith.constant 0 : i32
      %dma_wait3A_293 = tpu.memref_slice %arg3[%dma_wait3A_291, %dma_wait3A_292] : memref<100000x32xf32, #tpu.memory_space<hbm>> -> memref<208x32xf32, #tpu.memory_space<hbm>>
      %dma_wait3A_294 = arith.constant 0 : i32
      %dma_wait3A_295 = arith.constant 0 : i32
      %dma_wait3A_296 = tpu.memref_slice %arg6[%dma_wait3A_286, %dma_wait3A_294, %dma_wait3A_295] : memref<1x208x32xf32, #tpu.memory_space<vmem>> -> memref<1x208x32xf32, #tpu.memory_space<vmem>>
      %dma_wait3A_297 = tpu.memref_squeeze %dma_wait3A_296 : memref<1x208x32xf32, #tpu.memory_space<vmem>> -> memref<208x32xf32, #tpu.memory_space<vmem>>
      %dma_wait3A_298 = arith.constant 0 : i32
      %dma_wait3A_299 = arith.constant 0 : i32
      %dma_wait3A_300 = tpu.memref_slice %arg3[%dma_wait3A_298, %dma_wait3A_299] : memref<100000x32xf32, #tpu.memory_space<hbm>> -> memref<208x32xf32, #tpu.memory_space<hbm>>
      tpu.wait_dma2 semaphore(%arg8 : memref<!tpu.dma_semaphore, #tpu.memory_space<semaphore_mem>>) src(%dma_wait3A_300 : memref<208x32xf32, #tpu.memory_space<hbm>>) dst(%dma_wait3A_297 : memref<208x32xf32, #tpu.memory_space<vmem>>)
      %dma_wait3A_301 = arith.constant 0 : i32
      %dma_wait3A_302 = arith.constant 0 : i32
      %dma_wait3A_303 = arith.constant 0 : i32
      %dma_wait3A_304 = tpu.memref_slice %arg6[%dma_wait3A_301, %dma_wait3A_302, %dma_wait3A_303] : memref<1x208x32xf32, #tpu.memory_space<vmem>> -> memref<1x208x32xf32, #tpu.memory_space<vmem>>
      %dma_wait3A_305 = tpu.memref_squeeze %dma_wait3A_304 : memref<1x208x32xf32, #tpu.memory_space<vmem>> -> memref<208x32xf32, #tpu.memory_space<vmem>>
      %dma_wait3A_306 = arith.constant 0 : i32
      %dma_wait3A_307 = arith.constant 0 : i32
      %dma_wait3A_308 = tpu.memref_slice %arg3[%dma_wait3A_306, %dma_wait3A_307] : memref<100000x32xf32, #tpu.memory_space<hbm>> -> memref<208x32xf32, #tpu.memory_space<hbm>>
      %dma_wait3A_309 = arith.constant 0 : i32
      %dma_wait3A_310 = arith.constant 0 : i32
      %dma_wait3A_311 = tpu.memref_slice %arg6[%dma_wait3A_301, %dma_wait3A_309, %dma_wait3A_310] : memref<1x208x32xf32, #tpu.memory_space<vmem>> -> memref<1x208x32xf32, #tpu.memory_space<vmem>>
      %dma_wait3A_312 = tpu.memref_squeeze %dma_wait3A_311 : memref<1x208x32xf32, #tpu.memory_space<vmem>> -> memref<208x32xf32, #tpu.memory_space<vmem>>
      %dma_wait3A_313 = arith.constant 0 : i32
      %dma_wait3A_314 = arith.constant 0 : i32
      %dma_wait3A_315 = tpu.memref_slice %arg3[%dma_wait3A_313, %dma_wait3A_314] : memref<100000x32xf32, #tpu.memory_space<hbm>> -> memref<208x32xf32, #tpu.memory_space<hbm>>
      tpu.wait_dma2 semaphore(%arg8 : memref<!tpu.dma_semaphore, #tpu.memory_space<semaphore_mem>>) src(%dma_wait3A_315 : memref<208x32xf32, #tpu.memory_space<hbm>>) dst(%dma_wait3A_312 : memref<208x32xf32, #tpu.memory_space<vmem>>)
      %dma_wait3A_316 = arith.constant 0 : i32
      %dma_wait3A_317 = arith.constant 0 : i32
      %dma_wait3A_318 = arith.constant 0 : i32
      %dma_wait3A_319 = tpu.memref_slice %arg6[%dma_wait3A_316, %dma_wait3A_317, %dma_wait3A_318] : memref<1x208x32xf32, #tpu.memory_space<vmem>> -> memref<1x208x32xf32, #tpu.memory_space<vmem>>
      %dma_wait3A_320 = tpu.memref_squeeze %dma_wait3A_319 : memref<1x208x32xf32, #tpu.memory_space<vmem>> -> memref<208x32xf32, #tpu.memory_space<vmem>>
      %dma_wait3A_321 = arith.constant 0 : i32
      %dma_wait3A_322 = arith.constant 0 : i32
      %dma_wait3A_323 = tpu.memref_slice %arg3[%dma_wait3A_321, %dma_wait3A_322] : memref<100000x32xf32, #tpu.memory_space<hbm>> -> memref<208x32xf32, #tpu.memory_space<hbm>>
      %dma_wait3A_324 = arith.constant 0 : i32
      %dma_wait3A_325 = arith.constant 0 : i32
      %dma_wait3A_326 = tpu.memref_slice %arg6[%dma_wait3A_316, %dma_wait3A_324, %dma_wait3A_325] : memref<1x208x32xf32, #tpu.memory_space<vmem>> -> memref<1x208x32xf32, #tpu.memory_space<vmem>>
      %dma_wait3A_327 = tpu.memref_squeeze %dma_wait3A_326 : memref<1x208x32xf32, #tpu.memory_space<vmem>> -> memref<208x32xf32, #tpu.memory_space<vmem>>
      %dma_wait3A_328 = arith.constant 0 : i32
      %dma_wait3A_329 = arith.constant 0 : i32
      %dma_wait3A_330 = tpu.memref_slice %arg3[%dma_wait3A_328, %dma_wait3A_329] : memref<100000x32xf32, #tpu.memory_space<hbm>> -> memref<208x32xf32, #tpu.memory_space<hbm>>
      tpu.wait_dma2 semaphore(%arg8 : memref<!tpu.dma_semaphore, #tpu.memory_space<semaphore_mem>>) src(%dma_wait3A_330 : memref<208x32xf32, #tpu.memory_space<hbm>>) dst(%dma_wait3A_327 : memref<208x32xf32, #tpu.memory_space<vmem>>)
      %dma_wait3A_331 = arith.constant 0 : i32
      %dma_wait3A_332 = arith.constant 0 : i32
      %dma_wait3A_333 = arith.constant 0 : i32
      %dma_wait3A_334 = tpu.memref_slice %arg6[%dma_wait3A_331, %dma_wait3A_332, %dma_wait3A_333] : memref<1x208x32xf32, #tpu.memory_space<vmem>> -> memref<1x208x32xf32, #tpu.memory_space<vmem>>
      %dma_wait3A_335 = tpu.memref_squeeze %dma_wait3A_334 : memref<1x208x32xf32, #tpu.memory_space<vmem>> -> memref<208x32xf32, #tpu.memory_space<vmem>>
      %dma_wait3A_336 = arith.constant 0 : i32
      %dma_wait3A_337 = arith.constant 0 : i32
      %dma_wait3A_338 = tpu.memref_slice %arg3[%dma_wait3A_336, %dma_wait3A_337] : memref<100000x32xf32, #tpu.memory_space<hbm>> -> memref<208x32xf32, #tpu.memory_space<hbm>>
      %dma_wait3A_339 = arith.constant 0 : i32
      %dma_wait3A_340 = arith.constant 0 : i32
      %dma_wait3A_341 = tpu.memref_slice %arg6[%dma_wait3A_331, %dma_wait3A_339, %dma_wait3A_340] : memref<1x208x32xf32, #tpu.memory_space<vmem>> -> memref<1x208x32xf32, #tpu.memory_space<vmem>>
      %dma_wait3A_342 = tpu.memref_squeeze %dma_wait3A_341 : memref<1x208x32xf32, #tpu.memory_space<vmem>> -> memref<208x32xf32, #tpu.memory_space<vmem>>
      %dma_wait3A_343 = arith.constant 0 : i32
      %dma_wait3A_344 = arith.constant 0 : i32
      %dma_wait3A_345 = tpu.memref_slice %arg3[%dma_wait3A_343, %dma_wait3A_344] : memref<100000x32xf32, #tpu.memory_space<hbm>> -> memref<208x32xf32, #tpu.memory_space<hbm>>
      tpu.wait_dma2 semaphore(%arg8 : memref<!tpu.dma_semaphore, #tpu.memory_space<semaphore_mem>>) src(%dma_wait3A_345 : memref<208x32xf32, #tpu.memory_space<hbm>>) dst(%dma_wait3A_342 : memref<208x32xf32, #tpu.memory_space<vmem>>)
      %dma_wait3A_346 = arith.constant 0 : i32
      %dma_wait3A_347 = arith.constant 0 : i32
      %dma_wait3A_348 = arith.constant 0 : i32
      %dma_wait3A_349 = tpu.memref_slice %arg6[%dma_wait3A_346, %dma_wait3A_347, %dma_wait3A_348] : memref<1x208x32xf32, #tpu.memory_space<vmem>> -> memref<1x208x32xf32, #tpu.memory_space<vmem>>
      %dma_wait3A_350 = tpu.memref_squeeze %dma_wait3A_349 : memref<1x208x32xf32, #tpu.memory_space<vmem>> -> memref<208x32xf32, #tpu.memory_space<vmem>>
      %dma_wait3A_351 = arith.constant 0 : i32
      %dma_wait3A_352 = arith.constant 0 : i32
      %dma_wait3A_353 = tpu.memref_slice %arg3[%dma_wait3A_351, %dma_wait3A_352] : memref<100000x32xf32, #tpu.memory_space<hbm>> -> memref<208x32xf32, #tpu.memory_space<hbm>>
      %dma_wait3A_354 = arith.constant 0 : i32
      %dma_wait3A_355 = arith.constant 0 : i32
      %dma_wait3A_356 = tpu.memref_slice %arg6[%dma_wait3A_346, %dma_wait3A_354, %dma_wait3A_355] : memref<1x208x32xf32, #tpu.memory_space<vmem>> -> memref<1x208x32xf32, #tpu.memory_space<vmem>>
      %dma_wait3A_357 = tpu.memref_squeeze %dma_wait3A_356 : memref<1x208x32xf32, #tpu.memory_space<vmem>> -> memref<208x32xf32, #tpu.memory_space<vmem>>
      %dma_wait3A_358 = arith.constant 0 : i32
      %dma_wait3A_359 = arith.constant 0 : i32
      %dma_wait3A_360 = tpu.memref_slice %arg3[%dma_wait3A_358, %dma_wait3A_359] : memref<100000x32xf32, #tpu.memory_space<hbm>> -> memref<208x32xf32, #tpu.memory_space<hbm>>
      tpu.wait_dma2 semaphore(%arg8 : memref<!tpu.dma_semaphore, #tpu.memory_space<semaphore_mem>>) src(%dma_wait3A_360 : memref<208x32xf32, #tpu.memory_space<hbm>>) dst(%dma_wait3A_357 : memref<208x32xf32, #tpu.memory_space<vmem>>)
      %dma_wait3A_361 = arith.constant 0 : i32
      %dma_wait3A_362 = arith.constant 0 : i32
      %dma_wait3A_363 = arith.constant 0 : i32
      %dma_wait3A_364 = tpu.memref_slice %arg6[%dma_wait3A_361, %dma_wait3A_362, %dma_wait3A_363] : memref<1x208x32xf32, #tpu.memory_space<vmem>> -> memref<1x208x32xf32, #tpu.memory_space<vmem>>
      %dma_wait3A_365 = tpu.memref_squeeze %dma_wait3A_364 : memref<1x208x32xf32, #tpu.memory_space<vmem>> -> memref<208x32xf32, #tpu.memory_space<vmem>>
      %dma_wait3A_366 = arith.constant 0 : i32
      %dma_wait3A_367 = arith.constant 0 : i32
      %dma_wait3A_368 = tpu.memref_slice %arg3[%dma_wait3A_366, %dma_wait3A_367] : memref<100000x32xf32, #tpu.memory_space<hbm>> -> memref<208x32xf32, #tpu.memory_space<hbm>>
      %dma_wait3A_369 = arith.constant 0 : i32
      %dma_wait3A_370 = arith.constant 0 : i32
      %dma_wait3A_371 = tpu.memref_slice %arg6[%dma_wait3A_361, %dma_wait3A_369, %dma_wait3A_370] : memref<1x208x32xf32, #tpu.memory_space<vmem>> -> memref<1x208x32xf32, #tpu.memory_space<vmem>>
      %dma_wait3A_372 = tpu.memref_squeeze %dma_wait3A_371 : memref<1x208x32xf32, #tpu.memory_space<vmem>> -> memref<208x32xf32, #tpu.memory_space<vmem>>
      %dma_wait3A_373 = arith.constant 0 : i32
      %dma_wait3A_374 = arith.constant 0 : i32
      %dma_wait3A_375 = tpu.memref_slice %arg3[%dma_wait3A_373, %dma_wait3A_374] : memref<100000x32xf32, #tpu.memory_space<hbm>> -> memref<208x32xf32, #tpu.memory_space<hbm>>
      tpu.wait_dma2 semaphore(%arg8 : memref<!tpu.dma_semaphore, #tpu.memory_space<semaphore_mem>>) src(%dma_wait3A_375 : memref<208x32xf32, #tpu.memory_space<hbm>>) dst(%dma_wait3A_372 : memref<208x32xf32, #tpu.memory_space<vmem>>)
      %dma_wait3A_376 = arith.constant 0 : i32
      %dma_wait3A_377 = arith.constant 0 : i32
      %dma_wait3A_378 = arith.constant 0 : i32
      %dma_wait3A_379 = tpu.memref_slice %arg6[%dma_wait3A_376, %dma_wait3A_377, %dma_wait3A_378] : memref<1x208x32xf32, #tpu.memory_space<vmem>> -> memref<1x208x32xf32, #tpu.memory_space<vmem>>
      %dma_wait3A_380 = tpu.memref_squeeze %dma_wait3A_379 : memref<1x208x32xf32, #tpu.memory_space<vmem>> -> memref<208x32xf32, #tpu.memory_space<vmem>>
      %dma_wait3A_381 = arith.constant 0 : i32
      %dma_wait3A_382 = arith.constant 0 : i32
      %dma_wait3A_383 = tpu.memref_slice %arg3[%dma_wait3A_381, %dma_wait3A_382] : memref<100000x32xf32, #tpu.memory_space<hbm>> -> memref<208x32xf32, #tpu.memory_space<hbm>>
      %dma_wait3A_384 = arith.constant 0 : i32
      %dma_wait3A_385 = arith.constant 0 : i32
      %dma_wait3A_386 = tpu.memref_slice %arg6[%dma_wait3A_376, %dma_wait3A_384, %dma_wait3A_385] : memref<1x208x32xf32, #tpu.memory_space<vmem>> -> memref<1x208x32xf32, #tpu.memory_space<vmem>>
      %dma_wait3A_387 = tpu.memref_squeeze %dma_wait3A_386 : memref<1x208x32xf32, #tpu.memory_space<vmem>> -> memref<208x32xf32, #tpu.memory_space<vmem>>
      %dma_wait3A_388 = arith.constant 0 : i32
      %dma_wait3A_389 = arith.constant 0 : i32
      %dma_wait3A_390 = tpu.memref_slice %arg3[%dma_wait3A_388, %dma_wait3A_389] : memref<100000x32xf32, #tpu.memory_space<hbm>> -> memref<208x32xf32, #tpu.memory_space<hbm>>
      tpu.wait_dma2 semaphore(%arg8 : memref<!tpu.dma_semaphore, #tpu.memory_space<semaphore_mem>>) src(%dma_wait3A_390 : memref<208x32xf32, #tpu.memory_space<hbm>>) dst(%dma_wait3A_387 : memref<208x32xf32, #tpu.memory_space<vmem>>)
      %dma_wait3A_391 = arith.constant 0 : i32
      %dma_wait3A_392 = arith.constant 0 : i32
      %dma_wait3A_393 = arith.constant 0 : i32
      %dma_wait3A_394 = tpu.memref_slice %arg6[%dma_wait3A_391, %dma_wait3A_392, %dma_wait3A_393] : memref<1x208x32xf32, #tpu.memory_space<vmem>> -> memref<1x208x32xf32, #tpu.memory_space<vmem>>
      %dma_wait3A_395 = tpu.memref_squeeze %dma_wait3A_394 : memref<1x208x32xf32, #tpu.memory_space<vmem>> -> memref<208x32xf32, #tpu.memory_space<vmem>>
      %dma_wait3A_396 = arith.constant 0 : i32
      %dma_wait3A_397 = arith.constant 0 : i32
      %dma_wait3A_398 = tpu.memref_slice %arg3[%dma_wait3A_396, %dma_wait3A_397] : memref<100000x32xf32, #tpu.memory_space<hbm>> -> memref<208x32xf32, #tpu.memory_space<hbm>>
      %dma_wait3A_399 = arith.constant 0 : i32
      %dma_wait3A_400 = arith.constant 0 : i32
      %dma_wait3A_401 = tpu.memref_slice %arg6[%dma_wait3A_391, %dma_wait3A_399, %dma_wait3A_400] : memref<1x208x32xf32, #tpu.memory_space<vmem>> -> memref<1x208x32xf32, #tpu.memory_space<vmem>>
      %dma_wait3A_402 = tpu.memref_squeeze %dma_wait3A_401 : memref<1x208x32xf32, #tpu.memory_space<vmem>> -> memref<208x32xf32, #tpu.memory_space<vmem>>
      %dma_wait3A_403 = arith.constant 0 : i32
      %dma_wait3A_404 = arith.constant 0 : i32
      %dma_wait3A_405 = tpu.memref_slice %arg3[%dma_wait3A_403, %dma_wait3A_404] : memref<100000x32xf32, #tpu.memory_space<hbm>> -> memref<208x32xf32, #tpu.memory_space<hbm>>
      tpu.wait_dma2 semaphore(%arg8 : memref<!tpu.dma_semaphore, #tpu.memory_space<semaphore_mem>>) src(%dma_wait3A_405 : memref<208x32xf32, #tpu.memory_space<hbm>>) dst(%dma_wait3A_402 : memref<208x32xf32, #tpu.memory_space<vmem>>)
      %dma_wait3A_406 = arith.constant 0 : i32
      %dma_wait3A_407 = arith.constant 0 : i32
      %dma_wait3A_408 = arith.constant 0 : i32
      %dma_wait3A_409 = tpu.memref_slice %arg6[%dma_wait3A_406, %dma_wait3A_407, %dma_wait3A_408] : memref<1x208x32xf32, #tpu.memory_space<vmem>> -> memref<1x208x32xf32, #tpu.memory_space<vmem>>
      %dma_wait3A_410 = tpu.memref_squeeze %dma_wait3A_409 : memref<1x208x32xf32, #tpu.memory_space<vmem>> -> memref<208x32xf32, #tpu.memory_space<vmem>>
      %dma_wait3A_411 = arith.constant 0 : i32
      %dma_wait3A_412 = arith.constant 0 : i32
      %dma_wait3A_413 = tpu.memref_slice %arg3[%dma_wait3A_411, %dma_wait3A_412] : memref<100000x32xf32, #tpu.memory_space<hbm>> -> memref<208x32xf32, #tpu.memory_space<hbm>>
      %dma_wait3A_414 = arith.constant 0 : i32
      %dma_wait3A_415 = arith.constant 0 : i32
      %dma_wait3A_416 = tpu.memref_slice %arg6[%dma_wait3A_406, %dma_wait3A_414, %dma_wait3A_415] : memref<1x208x32xf32, #tpu.memory_space<vmem>> -> memref<1x208x32xf32, #tpu.memory_space<vmem>>
      %dma_wait3A_417 = tpu.memref_squeeze %dma_wait3A_416 : memref<1x208x32xf32, #tpu.memory_space<vmem>> -> memref<208x32xf32, #tpu.memory_space<vmem>>
      %dma_wait3A_418 = arith.constant 0 : i32
      %dma_wait3A_419 = arith.constant 0 : i32
      %dma_wait3A_420 = tpu.memref_slice %arg3[%dma_wait3A_418, %dma_wait3A_419] : memref<100000x32xf32, #tpu.memory_space<hbm>> -> memref<208x32xf32, #tpu.memory_space<hbm>>
      tpu.wait_dma2 semaphore(%arg8 : memref<!tpu.dma_semaphore, #tpu.memory_space<semaphore_mem>>) src(%dma_wait3A_420 : memref<208x32xf32, #tpu.memory_space<hbm>>) dst(%dma_wait3A_417 : memref<208x32xf32, #tpu.memory_space<vmem>>)
      %dma_wait3A_421 = arith.constant 0 : i32
      %dma_wait3A_422 = arith.constant 0 : i32
      %dma_wait3A_423 = arith.constant 0 : i32
      %dma_wait3A_424 = tpu.memref_slice %arg6[%dma_wait3A_421, %dma_wait3A_422, %dma_wait3A_423] : memref<1x208x32xf32, #tpu.memory_space<vmem>> -> memref<1x208x32xf32, #tpu.memory_space<vmem>>
      %dma_wait3A_425 = tpu.memref_squeeze %dma_wait3A_424 : memref<1x208x32xf32, #tpu.memory_space<vmem>> -> memref<208x32xf32, #tpu.memory_space<vmem>>
      %dma_wait3A_426 = arith.constant 0 : i32
      %dma_wait3A_427 = arith.constant 0 : i32
      %dma_wait3A_428 = tpu.memref_slice %arg3[%dma_wait3A_426, %dma_wait3A_427] : memref<100000x32xf32, #tpu.memory_space<hbm>> -> memref<208x32xf32, #tpu.memory_space<hbm>>
      %dma_wait3A_429 = arith.constant 0 : i32
      %dma_wait3A_430 = arith.constant 0 : i32
      %dma_wait3A_431 = tpu.memref_slice %arg6[%dma_wait3A_421, %dma_wait3A_429, %dma_wait3A_430] : memref<1x208x32xf32, #tpu.memory_space<vmem>> -> memref<1x208x32xf32, #tpu.memory_space<vmem>>
      %dma_wait3A_432 = tpu.memref_squeeze %dma_wait3A_431 : memref<1x208x32xf32, #tpu.memory_space<vmem>> -> memref<208x32xf32, #tpu.memory_space<vmem>>
      %dma_wait3A_433 = arith.constant 0 : i32
      %dma_wait3A_434 = arith.constant 0 : i32
      %dma_wait3A_435 = tpu.memref_slice %arg3[%dma_wait3A_433, %dma_wait3A_434] : memref<100000x32xf32, #tpu.memory_space<hbm>> -> memref<208x32xf32, #tpu.memory_space<hbm>>
      tpu.wait_dma2 semaphore(%arg8 : memref<!tpu.dma_semaphore, #tpu.memory_space<semaphore_mem>>) src(%dma_wait3A_435 : memref<208x32xf32, #tpu.memory_space<hbm>>) dst(%dma_wait3A_432 : memref<208x32xf32, #tpu.memory_space<vmem>>)
      %dma_wait3A_436 = arith.constant 0 : i32
      %dma_wait3A_437 = arith.constant 0 : i32
      %dma_wait3A_438 = arith.constant 0 : i32
      %dma_wait3A_439 = tpu.memref_slice %arg6[%dma_wait3A_436, %dma_wait3A_437, %dma_wait3A_438] : memref<1x208x32xf32, #tpu.memory_space<vmem>> -> memref<1x208x32xf32, #tpu.memory_space<vmem>>
      %dma_wait3A_440 = tpu.memref_squeeze %dma_wait3A_439 : memref<1x208x32xf32, #tpu.memory_space<vmem>> -> memref<208x32xf32, #tpu.memory_space<vmem>>
      %dma_wait3A_441 = arith.constant 0 : i32
      %dma_wait3A_442 = arith.constant 0 : i32
      %dma_wait3A_443 = tpu.memref_slice %arg3[%dma_wait3A_441, %dma_wait3A_442] : memref<100000x32xf32, #tpu.memory_space<hbm>> -> memref<208x32xf32, #tpu.memory_space<hbm>>
      %dma_wait3A_444 = arith.constant 0 : i32
      %dma_wait3A_445 = arith.constant 0 : i32
      %dma_wait3A_446 = tpu.memref_slice %arg6[%dma_wait3A_436, %dma_wait3A_444, %dma_wait3A_445] : memref<1x208x32xf32, #tpu.memory_space<vmem>> -> memref<1x208x32xf32, #tpu.memory_space<vmem>>
      %dma_wait3A_447 = tpu.memref_squeeze %dma_wait3A_446 : memref<1x208x32xf32, #tpu.memory_space<vmem>> -> memref<208x32xf32, #tpu.memory_space<vmem>>
      %dma_wait3A_448 = arith.constant 0 : i32
      %dma_wait3A_449 = arith.constant 0 : i32
      %dma_wait3A_450 = tpu.memref_slice %arg3[%dma_wait3A_448, %dma_wait3A_449] : memref<100000x32xf32, #tpu.memory_space<hbm>> -> memref<208x32xf32, #tpu.memory_space<hbm>>
      tpu.wait_dma2 semaphore(%arg8 : memref<!tpu.dma_semaphore, #tpu.memory_space<semaphore_mem>>) src(%dma_wait3A_450 : memref<208x32xf32, #tpu.memory_space<hbm>>) dst(%dma_wait3A_447 : memref<208x32xf32, #tpu.memory_space<vmem>>)
      %dma_wait3A_451 = arith.constant 0 : i32
      %dma_wait3A_452 = arith.constant 0 : i32
      %dma_wait3A_453 = arith.constant 0 : i32
      %dma_wait3A_454 = tpu.memref_slice %arg6[%dma_wait3A_451, %dma_wait3A_452, %dma_wait3A_453] : memref<1x208x32xf32, #tpu.memory_space<vmem>> -> memref<1x208x32xf32, #tpu.memory_space<vmem>>
      %dma_wait3A_455 = tpu.memref_squeeze %dma_wait3A_454 : memref<1x208x32xf32, #tpu.memory_space<vmem>> -> memref<208x32xf32, #tpu.memory_space<vmem>>
      %dma_wait3A_456 = arith.constant 0 : i32
      %dma_wait3A_457 = arith.constant 0 : i32
      %dma_wait3A_458 = tpu.memref_slice %arg3[%dma_wait3A_456, %dma_wait3A_457] : memref<100000x32xf32, #tpu.memory_space<hbm>> -> memref<208x32xf32, #tpu.memory_space<hbm>>
      %dma_wait3A_459 = arith.constant 0 : i32
      %dma_wait3A_460 = arith.constant 0 : i32
      %dma_wait3A_461 = tpu.memref_slice %arg6[%dma_wait3A_451, %dma_wait3A_459, %dma_wait3A_460] : memref<1x208x32xf32, #tpu.memory_space<vmem>> -> memref<1x208x32xf32, #tpu.memory_space<vmem>>
      %dma_wait3A_462 = tpu.memref_squeeze %dma_wait3A_461 : memref<1x208x32xf32, #tpu.memory_space<vmem>> -> memref<208x32xf32, #tpu.memory_space<vmem>>
      %dma_wait3A_463 = arith.constant 0 : i32
      %dma_wait3A_464 = arith.constant 0 : i32
      %dma_wait3A_465 = tpu.memref_slice %arg3[%dma_wait3A_463, %dma_wait3A_464] : memref<100000x32xf32, #tpu.memory_space<hbm>> -> memref<208x32xf32, #tpu.memory_space<hbm>>
      tpu.wait_dma2 semaphore(%arg8 : memref<!tpu.dma_semaphore, #tpu.memory_space<semaphore_mem>>) src(%dma_wait3A_465 : memref<208x32xf32, #tpu.memory_space<hbm>>) dst(%dma_wait3A_462 : memref<208x32xf32, #tpu.memory_space<vmem>>)
      %dma_wait3A_466 = arith.constant 0 : i32
      %dma_wait3A_467 = arith.constant 0 : i32
      %dma_wait3A_468 = arith.constant 0 : i32
      %dma_wait3A_469 = tpu.memref_slice %arg6[%dma_wait3A_466, %dma_wait3A_467, %dma_wait3A_468] : memref<1x208x32xf32, #tpu.memory_space<vmem>> -> memref<1x208x32xf32, #tpu.memory_space<vmem>>
      %dma_wait3A_470 = tpu.memref_squeeze %dma_wait3A_469 : memref<1x208x32xf32, #tpu.memory_space<vmem>> -> memref<208x32xf32, #tpu.memory_space<vmem>>
      %dma_wait3A_471 = arith.constant 0 : i32
      %dma_wait3A_472 = arith.constant 0 : i32
      %dma_wait3A_473 = tpu.memref_slice %arg3[%dma_wait3A_471, %dma_wait3A_472] : memref<100000x32xf32, #tpu.memory_space<hbm>> -> memref<208x32xf32, #tpu.memory_space<hbm>>
      %dma_wait3A_474 = arith.constant 0 : i32
      %dma_wait3A_475 = arith.constant 0 : i32
      %dma_wait3A_476 = tpu.memref_slice %arg6[%dma_wait3A_466, %dma_wait3A_474, %dma_wait3A_475] : memref<1x208x32xf32, #tpu.memory_space<vmem>> -> memref<1x208x32xf32, #tpu.memory_space<vmem>>
      %dma_wait3A_477 = tpu.memref_squeeze %dma_wait3A_476 : memref<1x208x32xf32, #tpu.memory_space<vmem>> -> memref<208x32xf32, #tpu.memory_space<vmem>>
      %dma_wait3A_478 = arith.constant 0 : i32
      %dma_wait3A_479 = arith.constant 0 : i32
      %dma_wait3A_480 = tpu.memref_slice %arg3[%dma_wait3A_478, %dma_wait3A_479] : memref<100000x32xf32, #tpu.memory_space<hbm>> -> memref<208x32xf32, #tpu.memory_space<hbm>>
      tpu.wait_dma2 semaphore(%arg8 : memref<!tpu.dma_semaphore, #tpu.memory_space<semaphore_mem>>) src(%dma_wait3A_480 : memref<208x32xf32, #tpu.memory_space<hbm>>) dst(%dma_wait3A_477 : memref<208x32xf32, #tpu.memory_space<vmem>>)
      %dma_wait3A_481 = arith.constant 0 : i32
      %dma_wait3A_482 = arith.constant 0 : i32
      %dma_wait3A_483 = arith.constant 0 : i32
      %dma_wait3A_484 = tpu.memref_slice %arg6[%dma_wait3A_481, %dma_wait3A_482, %dma_wait3A_483] : memref<1x208x32xf32, #tpu.memory_space<vmem>> -> memref<1x208x32xf32, #tpu.memory_space<vmem>>
      %dma_wait3A_485 = tpu.memref_squeeze %dma_wait3A_484 : memref<1x208x32xf32, #tpu.memory_space<vmem>> -> memref<208x32xf32, #tpu.memory_space<vmem>>
      %dma_wait3A_486 = arith.constant 0 : i32
      %dma_wait3A_487 = arith.constant 0 : i32
      %dma_wait3A_488 = tpu.memref_slice %arg3[%dma_wait3A_486, %dma_wait3A_487] : memref<100000x32xf32, #tpu.memory_space<hbm>> -> memref<208x32xf32, #tpu.memory_space<hbm>>
      %dma_wait3A_489 = arith.constant 0 : i32
      %dma_wait3A_490 = arith.constant 0 : i32
      %dma_wait3A_491 = tpu.memref_slice %arg6[%dma_wait3A_481, %dma_wait3A_489, %dma_wait3A_490] : memref<1x208x32xf32, #tpu.memory_space<vmem>> -> memref<1x208x32xf32, #tpu.memory_space<vmem>>
      %dma_wait3A_492 = tpu.memref_squeeze %dma_wait3A_491 : memref<1x208x32xf32, #tpu.memory_space<vmem>> -> memref<208x32xf32, #tpu.memory_space<vmem>>
      %dma_wait3A_493 = arith.constant 0 : i32
      %dma_wait3A_494 = arith.constant 0 : i32
      %dma_wait3A_495 = tpu.memref_slice %arg3[%dma_wait3A_493, %dma_wait3A_494] : memref<100000x32xf32, #tpu.memory_space<hbm>> -> memref<208x32xf32, #tpu.memory_space<hbm>>
      tpu.wait_dma2 semaphore(%arg8 : memref<!tpu.dma_semaphore, #tpu.memory_space<semaphore_mem>>) src(%dma_wait3A_495 : memref<208x32xf32, #tpu.memory_space<hbm>>) dst(%dma_wait3A_492 : memref<208x32xf32, #tpu.memory_space<vmem>>)
      %dma_wait3A_496 = arith.constant 0 : i32
      %dma_wait3A_497 = arith.constant 0 : i32
      %dma_wait3A_498 = arith.constant 0 : i32
      %dma_wait3A_499 = tpu.memref_slice %arg6[%dma_wait3A_496, %dma_wait3A_497, %dma_wait3A_498] : memref<1x208x32xf32, #tpu.memory_space<vmem>> -> memref<1x208x32xf32, #tpu.memory_space<vmem>>
      %dma_wait3A_500 = tpu.memref_squeeze %dma_wait3A_499 : memref<1x208x32xf32, #tpu.memory_space<vmem>> -> memref<208x32xf32, #tpu.memory_space<vmem>>
      %dma_wait3A_501 = arith.constant 0 : i32
      %dma_wait3A_502 = arith.constant 0 : i32
      %dma_wait3A_503 = tpu.memref_slice %arg3[%dma_wait3A_501, %dma_wait3A_502] : memref<100000x32xf32, #tpu.memory_space<hbm>> -> memref<208x32xf32, #tpu.memory_space<hbm>>
      %dma_wait3A_504 = arith.constant 0 : i32
      %dma_wait3A_505 = arith.constant 0 : i32
      %dma_wait3A_506 = tpu.memref_slice %arg6[%dma_wait3A_496, %dma_wait3A_504, %dma_wait3A_505] : memref<1x208x32xf32, #tpu.memory_space<vmem>> -> memref<1x208x32xf32, #tpu.memory_space<vmem>>
      %dma_wait3A_507 = tpu.memref_squeeze %dma_wait3A_506 : memref<1x208x32xf32, #tpu.memory_space<vmem>> -> memref<208x32xf32, #tpu.memory_space<vmem>>
      %dma_wait3A_508 = arith.constant 0 : i32
      %dma_wait3A_509 = arith.constant 0 : i32
      %dma_wait3A_510 = tpu.memref_slice %arg3[%dma_wait3A_508, %dma_wait3A_509] : memref<100000x32xf32, #tpu.memory_space<hbm>> -> memref<208x32xf32, #tpu.memory_space<hbm>>
      tpu.wait_dma2 semaphore(%arg8 : memref<!tpu.dma_semaphore, #tpu.memory_space<semaphore_mem>>) src(%dma_wait3A_510 : memref<208x32xf32, #tpu.memory_space<hbm>>) dst(%dma_wait3A_507 : memref<208x32xf32, #tpu.memory_space<vmem>>)
      %dma_wait3A_511 = arith.constant 0 : i32
      %dma_wait3A_512 = arith.constant 0 : i32
      %dma_wait3A_513 = arith.constant 0 : i32
      %dma_wait3A_514 = tpu.memref_slice %arg6[%dma_wait3A_511, %dma_wait3A_512, %dma_wait3A_513] : memref<1x208x32xf32, #tpu.memory_space<vmem>> -> memref<1x208x32xf32, #tpu.memory_space<vmem>>
      %dma_wait3A_515 = tpu.memref_squeeze %dma_wait3A_514 : memref<1x208x32xf32, #tpu.memory_space<vmem>> -> memref<208x32xf32, #tpu.memory_space<vmem>>
      %dma_wait3A_516 = arith.constant 0 : i32
      %dma_wait3A_517 = arith.constant 0 : i32
      %dma_wait3A_518 = tpu.memref_slice %arg3[%dma_wait3A_516, %dma_wait3A_517] : memref<100000x32xf32, #tpu.memory_space<hbm>> -> memref<208x32xf32, #tpu.memory_space<hbm>>
      %dma_wait3A_519 = arith.constant 0 : i32
      %dma_wait3A_520 = arith.constant 0 : i32
      %dma_wait3A_521 = tpu.memref_slice %arg6[%dma_wait3A_511, %dma_wait3A_519, %dma_wait3A_520] : memref<1x208x32xf32, #tpu.memory_space<vmem>> -> memref<1x208x32xf32, #tpu.memory_space<vmem>>
      %dma_wait3A_522 = tpu.memref_squeeze %dma_wait3A_521 : memref<1x208x32xf32, #tpu.memory_space<vmem>> -> memref<208x32xf32, #tpu.memory_space<vmem>>
      %dma_wait3A_523 = arith.constant 0 : i32
      %dma_wait3A_524 = arith.constant 0 : i32
      %dma_wait3A_525 = tpu.memref_slice %arg3[%dma_wait3A_523, %dma_wait3A_524] : memref<100000x32xf32, #tpu.memory_space<hbm>> -> memref<208x32xf32, #tpu.memory_space<hbm>>
      tpu.wait_dma2 semaphore(%arg8 : memref<!tpu.dma_semaphore, #tpu.memory_space<semaphore_mem>>) src(%dma_wait3A_525 : memref<208x32xf32, #tpu.memory_space<hbm>>) dst(%dma_wait3A_522 : memref<208x32xf32, #tpu.memory_space<vmem>>)
      %dma_wait3A_526 = arith.constant 0 : i32
      %dma_wait3A_527 = arith.constant 0 : i32
      %dma_wait3A_528 = arith.constant 0 : i32
      %dma_wait3A_529 = tpu.memref_slice %arg6[%dma_wait3A_526, %dma_wait3A_527, %dma_wait3A_528] : memref<1x208x32xf32, #tpu.memory_space<vmem>> -> memref<1x208x32xf32, #tpu.memory_space<vmem>>
      %dma_wait3A_530 = tpu.memref_squeeze %dma_wait3A_529 : memref<1x208x32xf32, #tpu.memory_space<vmem>> -> memref<208x32xf32, #tpu.memory_space<vmem>>
      %dma_wait3A_531 = arith.constant 0 : i32
      %dma_wait3A_532 = arith.constant 0 : i32
      %dma_wait3A_533 = tpu.memref_slice %arg3[%dma_wait3A_531, %dma_wait3A_532] : memref<100000x32xf32, #tpu.memory_space<hbm>> -> memref<208x32xf32, #tpu.memory_space<hbm>>
      %dma_wait3A_534 = arith.constant 0 : i32
      %dma_wait3A_535 = arith.constant 0 : i32
      %dma_wait3A_536 = tpu.memref_slice %arg6[%dma_wait3A_526, %dma_wait3A_534, %dma_wait3A_535] : memref<1x208x32xf32, #tpu.memory_space<vmem>> -> memref<1x208x32xf32, #tpu.memory_space<vmem>>
      %dma_wait3A_537 = tpu.memref_squeeze %dma_wait3A_536 : memref<1x208x32xf32, #tpu.memory_space<vmem>> -> memref<208x32xf32, #tpu.memory_space<vmem>>
      %dma_wait3A_538 = arith.constant 0 : i32
      %dma_wait3A_539 = arith.constant 0 : i32
      %dma_wait3A_540 = tpu.memref_slice %arg3[%dma_wait3A_538, %dma_wait3A_539] : memref<100000x32xf32, #tpu.memory_space<hbm>> -> memref<208x32xf32, #tpu.memory_space<hbm>>
      tpu.wait_dma2 semaphore(%arg8 : memref<!tpu.dma_semaphore, #tpu.memory_space<semaphore_mem>>) src(%dma_wait3A_540 : memref<208x32xf32, #tpu.memory_space<hbm>>) dst(%dma_wait3A_537 : memref<208x32xf32, #tpu.memory_space<vmem>>)
      %dma_wait3A_541 = arith.constant 0 : i32
      %dma_wait3A_542 = arith.constant 0 : i32
      %dma_wait3A_543 = arith.constant 0 : i32
      %dma_wait3A_544 = tpu.memref_slice %arg6[%dma_wait3A_541, %dma_wait3A_542, %dma_wait3A_543] : memref<1x208x32xf32, #tpu.memory_space<vmem>> -> memref<1x208x32xf32, #tpu.memory_space<vmem>>
      %dma_wait3A_545 = tpu.memref_squeeze %dma_wait3A_544 : memref<1x208x32xf32, #tpu.memory_space<vmem>> -> memref<208x32xf32, #tpu.memory_space<vmem>>
      %dma_wait3A_546 = arith.constant 0 : i32
      %dma_wait3A_547 = arith.constant 0 : i32
      %dma_wait3A_548 = tpu.memref_slice %arg3[%dma_wait3A_546, %dma_wait3A_547] : memref<100000x32xf32, #tpu.memory_space<hbm>> -> memref<208x32xf32, #tpu.memory_space<hbm>>
      %dma_wait3A_549 = arith.constant 0 : i32
      %dma_wait3A_550 = arith.constant 0 : i32
      %dma_wait3A_551 = tpu.memref_slice %arg6[%dma_wait3A_541, %dma_wait3A_549, %dma_wait3A_550] : memref<1x208x32xf32, #tpu.memory_space<vmem>> -> memref<1x208x32xf32, #tpu.memory_space<vmem>>
      %dma_wait3A_552 = tpu.memref_squeeze %dma_wait3A_551 : memref<1x208x32xf32, #tpu.memory_space<vmem>> -> memref<208x32xf32, #tpu.memory_space<vmem>>
      %dma_wait3A_553 = arith.constant 0 : i32
      %dma_wait3A_554 = arith.constant 0 : i32
      %dma_wait3A_555 = tpu.memref_slice %arg3[%dma_wait3A_553, %dma_wait3A_554] : memref<100000x32xf32, #tpu.memory_space<hbm>> -> memref<208x32xf32, #tpu.memory_space<hbm>>
      tpu.wait_dma2 semaphore(%arg8 : memref<!tpu.dma_semaphore, #tpu.memory_space<semaphore_mem>>) src(%dma_wait3A_555 : memref<208x32xf32, #tpu.memory_space<hbm>>) dst(%dma_wait3A_552 : memref<208x32xf32, #tpu.memory_space<vmem>>)
      %dma_wait3A_556 = arith.constant 0 : i32
      %dma_wait3A_557 = arith.constant 0 : i32
      %dma_wait3A_558 = arith.constant 0 : i32
      %dma_wait3A_559 = tpu.memref_slice %arg6[%dma_wait3A_556, %dma_wait3A_557, %dma_wait3A_558] : memref<1x208x32xf32, #tpu.memory_space<vmem>> -> memref<1x208x32xf32, #tpu.memory_space<vmem>>
      %dma_wait3A_560 = tpu.memref_squeeze %dma_wait3A_559 : memref<1x208x32xf32, #tpu.memory_space<vmem>> -> memref<208x32xf32, #tpu.memory_space<vmem>>
      %dma_wait3A_561 = arith.constant 0 : i32
      %dma_wait3A_562 = arith.constant 0 : i32
      %dma_wait3A_563 = tpu.memref_slice %arg3[%dma_wait3A_561, %dma_wait3A_562] : memref<100000x32xf32, #tpu.memory_space<hbm>> -> memref<208x32xf32, #tpu.memory_space<hbm>>
      %dma_wait3A_564 = arith.constant 0 : i32
      %dma_wait3A_565 = arith.constant 0 : i32
      %dma_wait3A_566 = tpu.memref_slice %arg6[%dma_wait3A_556, %dma_wait3A_564, %dma_wait3A_565] : memref<1x208x32xf32, #tpu.memory_space<vmem>> -> memref<1x208x32xf32, #tpu.memory_space<vmem>>
      %dma_wait3A_567 = tpu.memref_squeeze %dma_wait3A_566 : memref<1x208x32xf32, #tpu.memory_space<vmem>> -> memref<208x32xf32, #tpu.memory_space<vmem>>
      %dma_wait3A_568 = arith.constant 0 : i32
      %dma_wait3A_569 = arith.constant 0 : i32
      %dma_wait3A_570 = tpu.memref_slice %arg3[%dma_wait3A_568, %dma_wait3A_569] : memref<100000x32xf32, #tpu.memory_space<hbm>> -> memref<208x32xf32, #tpu.memory_space<hbm>>
      tpu.wait_dma2 semaphore(%arg8 : memref<!tpu.dma_semaphore, #tpu.memory_space<semaphore_mem>>) src(%dma_wait3A_570 : memref<208x32xf32, #tpu.memory_space<hbm>>) dst(%dma_wait3A_567 : memref<208x32xf32, #tpu.memory_space<vmem>>)
      %add3A_571 = arith.addi %mul3A_2, %add3A_266 : i32
      %dma_start3A_572 = arith.constant 0 : i32
      %dma_start3A_573 = arith.constant 0 : i32
      %dma_start3A_574 = tpu.memref_slice %arg4[%add3A_571, %dma_start3A_572, %dma_start3A_573] : memref<512x208x32xf32, #tpu.memory_space<hbm>> -> memref<1x208x32xf32, #tpu.memory_space<hbm>>
      %dma_start3A_575 = arith.constant 0 : i32
      %dma_start3A_576 = arith.constant 0 : i32
      %dma_start3A_577 = tpu.memref_slice %arg4[%add3A_571, %dma_start3A_575, %dma_start3A_576] : memref<512x208x32xf32, #tpu.memory_space<hbm>> -> memref<1x208x32xf32, #tpu.memory_space<hbm>>
      tpu.enqueue_dma source(%arg6 : memref<1x208x32xf32, #tpu.memory_space<vmem>>) target(%dma_start3A_577 : memref<1x208x32xf32, #tpu.memory_space<hbm>>) target_semaphore(%arg10 : memref<!tpu.dma_semaphore, #tpu.memory_space<semaphore_mem>>)
      %mul3A_578 = arith.constant 2 : i32
      %mul3A_579 = arith.muli %mul3A_578, %scan3A_262 : i32
      %add3A_580 = arith.constant 1 : i32
      %add3A_581 = arith.addi %mul3A_579, %add3A_580 : i32
      %add3A_582 = arith.constant 1 : i32
      %add3A_583 = arith.addi %add3A_581, %add3A_582 : i32
      %lt3A_584 = arith.constant 16 : i32
      %lt3A_585 = arith.cmpi slt, %add3A_583, %lt3A_584 : i32
      %convert_element_type3A_586 = arith.extui %lt3A_585 : i1 to i32
      %cond3A_587 = arith.constant 0 : i32
      %cond3A_588 = arith.cmpi ne, %convert_element_type3A_586, %cond3A_587 : i32
      scf.if %cond3A_588 {
        %ge3A = arith.constant 1 : i32
        %ge3A_896 = arith.cmpi sge, %add3A_581, %ge3A : i32
        %convert_element_type3A_897 = arith.extui %ge3A_896 : i1 to i32
        %cond3A_898 = arith.constant 0 : i32
        %cond3A_899 = arith.cmpi ne, %convert_element_type3A_897, %cond3A_898 : i32
        scf.if %cond3A_899 {
          %dma_wait3A_1205 = arith.constant 0 : i32
          %dma_wait3A_1206 = arith.constant 0 : i32
          %dma_wait3A_1207 = tpu.memref_slice %arg4[%mul3A_2, %dma_wait3A_1205, %dma_wait3A_1206] : memref<512x208x32xf32, #tpu.memory_space<hbm>> -> memref<1x208x32xf32, #tpu.memory_space<hbm>>
          %dma_wait3A_1208 = arith.constant 0 : i32
          %dma_wait3A_1209 = arith.constant 0 : i32
          %dma_wait3A_1210 = tpu.memref_slice %arg4[%mul3A_2, %dma_wait3A_1208, %dma_wait3A_1209] : memref<512x208x32xf32, #tpu.memory_space<hbm>> -> memref<1x208x32xf32, #tpu.memory_space<hbm>>
          tpu.wait_dma2 semaphore(%arg10 : memref<!tpu.dma_semaphore, #tpu.memory_space<semaphore_mem>>) src(%arg6 : memref<1x208x32xf32, #tpu.memory_space<vmem>>) dst(%dma_wait3A_1210 : memref<1x208x32xf32, #tpu.memory_space<hbm>>)
        } else {
        }
        %parallel_loop3A_900 = arith.constant 0 : i32
        %parallel_loop3A_901 = arith.constant 208 : i32
        %parallel_loop3A_902 = arith.constant 1 : i32
        scf.for %parallel_loop3A_1205 = %parallel_loop3A_900 to %parallel_loop3A_901 step %parallel_loop3A_902  : i32 {
          %parallel_loop3A_1206 = arith.constant 0.000000e+00 : f32
          %parallel_loop3A_1207 = vector.broadcast %parallel_loop3A_1206 : f32 to vector<16xf32>
          %parallel_loop3A_1208 = arith.constant 0 : i32
          %parallel_loop3A_1209 = arith.index_cast %parallel_loop3A_1208 : i32 to index
          %parallel_loop3A_1210 = arith.index_cast %parallel_loop3A_1205 : i32 to index
          %parallel_loop3A_1211 = arith.constant 0 : index
          %parallel_loop3A_1212 = tpu.vector_load %arg6[%parallel_loop3A_1209, %parallel_loop3A_1210, %parallel_loop3A_1211] {strides = array<i32>} : memref<1x208x32xf32, #tpu.memory_space<vmem>>, vector<1x1x16xf32>,
          %parallel_loop3A_1213 = vector.shape_cast %parallel_loop3A_1212 : vector<1x1x16xf32> to vector<16xf32>
          %parallel_loop3A_1214 = vector.shape_cast %parallel_loop3A_1207 : vector<16xf32> to vector<1x1x16xf32>
          tpu.vector_store %arg6[%parallel_loop3A_1209, %parallel_loop3A_1210, %parallel_loop3A_1211], %parallel_loop3A_1214 {strides = array<i32>} : memref<1x208x32xf32, #tpu.memory_space<vmem>>, vector<1x1x16xf32>,
          %parallel_loop3A_1215 = arith.constant 0 : i32
          %parallel_loop3A_1216 = arith.index_cast %parallel_loop3A_1215 : i32 to index
          %parallel_loop3A_1217 = arith.index_cast %parallel_loop3A_1205 : i32 to index
          %parallel_loop3A_1218 = arith.constant 16 : index
          %parallel_loop3A_1219 = tpu.vector_load %arg6[%parallel_loop3A_1216, %parallel_loop3A_1217, %parallel_loop3A_1218] {strides = array<i32>} : memref<1x208x32xf32, #tpu.memory_space<vmem>>, vector<1x1x16xf32>,
          %parallel_loop3A_1220 = vector.shape_cast %parallel_loop3A_1219 : vector<1x1x16xf32> to vector<16xf32>
          %parallel_loop3A_1221 = vector.shape_cast %parallel_loop3A_1207 : vector<16xf32> to vector<1x1x16xf32>
          tpu.vector_store %arg6[%parallel_loop3A_1216, %parallel_loop3A_1217, %parallel_loop3A_1218], %parallel_loop3A_1221 {strides = array<i32>} : memref<1x208x32xf32, #tpu.memory_space<vmem>>, vector<1x1x16xf32>,
        } {sc.loop_unroll_factor = 13 : i64, sc.parallel_access}
        %add3A_903 = arith.constant 1 : i32
        %add3A_904 = arith.addi %add3A_581, %add3A_903 : i32
        %mul3A_905 = arith.constant 20 : i32
        %mul3A_906 = arith.muli %add3A_904, %mul3A_905 : i32
        %add3A_907 = arith.constant 0 : i32
        %add3A_908 = arith.addi %mul3A_906, %add3A_907 : i32
        %dma_start3A_909 = arith.constant 0 : i32
        %dma_start3A_910 = arith.constant 0 : i32
        %dma_start3A_911 = arith.constant 0 : i32
        %dma_start3A_912 = tpu.memref_slice %arg6[%dma_start3A_909, %dma_start3A_910, %dma_start3A_911] : memref<1x208x32xf32, #tpu.memory_space<vmem>> -> memref<1x208x32xf32, #tpu.memory_space<vmem>>
        %dma_start3A_913 = tpu.memref_squeeze %dma_start3A_912 : memref<1x208x32xf32, #tpu.memory_space<vmem>> -> memref<208x32xf32, #tpu.memory_space<vmem>>
        %dma_start3A_914 = arith.constant 0 : i32
        %dma_start3A_915 = tpu.memref_slice %arg5[%add3A_908, %dma_start3A_914] : memref<320x208xi32, #tpu.memory_space<vmem>> -> memref<1x208xi32, #tpu.memory_space<vmem>>
        %dma_start3A_916 = tpu.memref_squeeze %dma_start3A_915 : memref<1x208xi32, #tpu.memory_space<vmem>> -> memref<208xi32, #tpu.memory_space<vmem>>
        %dma_start3A_917 = arith.constant 0 : i32
        %dma_start3A_918 = arith.constant 0 : i32
        %dma_start3A_919 = tpu.memref_slice %arg3[%dma_start3A_917, %dma_start3A_918] : memref<100000x32xf32, #tpu.memory_space<hbm>> -> memref<100000x32xf32, #tpu.memory_space<hbm>>
        tpu.enqueue_indirect_dma source(%dma_start3A_919 : memref<100000x32xf32, #tpu.memory_space<hbm>>) target(%dma_start3A_913 : memref<208x32xf32, #tpu.memory_space<vmem>>) offsets(%dma_start3A_916 : memref<208xi32, #tpu.memory_space<vmem>>) semaphore(%arg8 : memref<!tpu.dma_semaphore, #tpu.memory_space<semaphore_mem>>) {add = true}
        %mul3A_920 = arith.constant 20 : i32
        %mul3A_921 = arith.muli %add3A_904, %mul3A_920 : i32
        %add3A_922 = arith.constant 1 : i32
        %add3A_923 = arith.addi %mul3A_921, %add3A_922 : i32
        %dma_start3A_924 = arith.constant 0 : i32
        %dma_start3A_925 = arith.constant 0 : i32
        %dma_start3A_926 = arith.constant 0 : i32
        %dma_start3A_927 = tpu.memref_slice %arg6[%dma_start3A_924, %dma_start3A_925, %dma_start3A_926] : memref<1x208x32xf32, #tpu.memory_space<vmem>> -> memref<1x208x32xf32, #tpu.memory_space<vmem>>
        %dma_start3A_928 = tpu.memref_squeeze %dma_start3A_927 : memref<1x208x32xf32, #tpu.memory_space<vmem>> -> memref<208x32xf32, #tpu.memory_space<vmem>>
        %dma_start3A_929 = arith.constant 0 : i32
        %dma_start3A_930 = tpu.memref_slice %arg5[%add3A_923, %dma_start3A_929] : memref<320x208xi32, #tpu.memory_space<vmem>> -> memref<1x208xi32, #tpu.memory_space<vmem>>
        %dma_start3A_931 = tpu.memref_squeeze %dma_start3A_930 : memref<1x208xi32, #tpu.memory_space<vmem>> -> memref<208xi32, #tpu.memory_space<vmem>>
        %dma_start3A_932 = arith.constant 0 : i32
        %dma_start3A_933 = arith.constant 0 : i32
        %dma_start3A_934 = tpu.memref_slice %arg3[%dma_start3A_932, %dma_start3A_933] : memref<100000x32xf32, #tpu.memory_space<hbm>> -> memref<100000x32xf32, #tpu.memory_space<hbm>>
        tpu.enqueue_indirect_dma source(%dma_start3A_934 : memref<100000x32xf32, #tpu.memory_space<hbm>>) target(%dma_start3A_928 : memref<208x32xf32, #tpu.memory_space<vmem>>) offsets(%dma_start3A_931 : memref<208xi32, #tpu.memory_space<vmem>>) semaphore(%arg8 : memref<!tpu.dma_semaphore, #tpu.memory_space<semaphore_mem>>) {add = true}
        %mul3A_935 = arith.constant 20 : i32
        %mul3A_936 = arith.muli %add3A_904, %mul3A_935 : i32
        %add3A_937 = arith.constant 2 : i32
        %add3A_938 = arith.addi %mul3A_936, %add3A_937 : i32
        %dma_start3A_939 = arith.constant 0 : i32
        %dma_start3A_940 = arith.constant 0 : i32
        %dma_start3A_941 = arith.constant 0 : i32
        %dma_start3A_942 = tpu.memref_slice %arg6[%dma_start3A_939, %dma_start3A_940, %dma_start3A_941] : memref<1x208x32xf32, #tpu.memory_space<vmem>> -> memref<1x208x32xf32, #tpu.memory_space<vmem>>
        %dma_start3A_943 = tpu.memref_squeeze %dma_start3A_942 : memref<1x208x32xf32, #tpu.memory_space<vmem>> -> memref<208x32xf32, #tpu.memory_space<vmem>>
        %dma_start3A_944 = arith.constant 0 : i32
        %dma_start3A_945 = tpu.memref_slice %arg5[%add3A_938, %dma_start3A_944] : memref<320x208xi32, #tpu.memory_space<vmem>> -> memref<1x208xi32, #tpu.memory_space<vmem>>
        %dma_start3A_946 = tpu.memref_squeeze %dma_start3A_945 : memref<1x208xi32, #tpu.memory_space<vmem>> -> memref<208xi32, #tpu.memory_space<vmem>>
        %dma_start3A_947 = arith.constant 0 : i32
        %dma_start3A_948 = arith.constant 0 : i32
        %dma_start3A_949 = tpu.memref_slice %arg3[%dma_start3A_947, %dma_start3A_948] : memref<100000x32xf32, #tpu.memory_space<hbm>> -> memref<100000x32xf32, #tpu.memory_space<hbm>>
        tpu.enqueue_indirect_dma source(%dma_start3A_949 : memref<100000x32xf32, #tpu.memory_space<hbm>>) target(%dma_start3A_943 : memref<208x32xf32, #tpu.memory_space<vmem>>) offsets(%dma_start3A_946 : memref<208xi32, #tpu.memory_space<vmem>>) semaphore(%arg8 : memref<!tpu.dma_semaphore, #tpu.memory_space<semaphore_mem>>) {add = true}
        %mul3A_950 = arith.constant 20 : i32
        %mul3A_951 = arith.muli %add3A_904, %mul3A_950 : i32
        %add3A_952 = arith.constant 3 : i32
        %add3A_953 = arith.addi %mul3A_951, %add3A_952 : i32
        %dma_start3A_954 = arith.constant 0 : i32
        %dma_start3A_955 = arith.constant 0 : i32
        %dma_start3A_956 = arith.constant 0 : i32
        %dma_start3A_957 = tpu.memref_slice %arg6[%dma_start3A_954, %dma_start3A_955, %dma_start3A_956] : memref<1x208x32xf32, #tpu.memory_space<vmem>> -> memref<1x208x32xf32, #tpu.memory_space<vmem>>
        %dma_start3A_958 = tpu.memref_squeeze %dma_start3A_957 : memref<1x208x32xf32, #tpu.memory_space<vmem>> -> memref<208x32xf32, #tpu.memory_space<vmem>>
        %dma_start3A_959 = arith.constant 0 : i32
        %dma_start3A_960 = tpu.memref_slice %arg5[%add3A_953, %dma_start3A_959] : memref<320x208xi32, #tpu.memory_space<vmem>> -> memref<1x208xi32, #tpu.memory_space<vmem>>
        %dma_start3A_961 = tpu.memref_squeeze %dma_start3A_960 : memref<1x208xi32, #tpu.memory_space<vmem>> -> memref<208xi32, #tpu.memory_space<vmem>>
        %dma_start3A_962 = arith.constant 0 : i32
        %dma_start3A_963 = arith.constant 0 : i32
        %dma_start3A_964 = tpu.memref_slice %arg3[%dma_start3A_962, %dma_start3A_963] : memref<100000x32xf32, #tpu.memory_space<hbm>> -> memref<100000x32xf32, #tpu.memory_space<hbm>>
        tpu.enqueue_indirect_dma source(%dma_start3A_964 : memref<100000x32xf32, #tpu.memory_space<hbm>>) target(%dma_start3A_958 : memref<208x32xf32, #tpu.memory_space<vmem>>) offsets(%dma_start3A_961 : memref<208xi32, #tpu.memory_space<vmem>>) semaphore(%arg8 : memref<!tpu.dma_semaphore, #tpu.memory_space<semaphore_mem>>) {add = true}
        %mul3A_965 = arith.constant 20 : i32
        %mul3A_966 = arith.muli %add3A_904, %mul3A_965 : i32
        %add3A_967 = arith.constant 4 : i32
        %add3A_968 = arith.addi %mul3A_966, %add3A_967 : i32
        %dma_start3A_969 = arith.constant 0 : i32
        %dma_start3A_970 = arith.constant 0 : i32
        %dma_start3A_971 = arith.constant 0 : i32
        %dma_start3A_972 = tpu.memref_slice %arg6[%dma_start3A_969, %dma_start3A_970, %dma_start3A_971] : memref<1x208x32xf32, #tpu.memory_space<vmem>> -> memref<1x208x32xf32, #tpu.memory_space<vmem>>
        %dma_start3A_973 = tpu.memref_squeeze %dma_start3A_972 : memref<1x208x32xf32, #tpu.memory_space<vmem>> -> memref<208x32xf32, #tpu.memory_space<vmem>>
        %dma_start3A_974 = arith.constant 0 : i32
        %dma_start3A_975 = tpu.memref_slice %arg5[%add3A_968, %dma_start3A_974] : memref<320x208xi32, #tpu.memory_space<vmem>> -> memref<1x208xi32, #tpu.memory_space<vmem>>
        %dma_start3A_976 = tpu.memref_squeeze %dma_start3A_975 : memref<1x208xi32, #tpu.memory_space<vmem>> -> memref<208xi32, #tpu.memory_space<vmem>>
        %dma_start3A_977 = arith.constant 0 : i32
        %dma_start3A_978 = arith.constant 0 : i32
        %dma_start3A_979 = tpu.memref_slice %arg3[%dma_start3A_977, %dma_start3A_978] : memref<100000x32xf32, #tpu.memory_space<hbm>> -> memref<100000x32xf32, #tpu.memory_space<hbm>>
        tpu.enqueue_indirect_dma source(%dma_start3A_979 : memref<100000x32xf32, #tpu.memory_space<hbm>>) target(%dma_start3A_973 : memref<208x32xf32, #tpu.memory_space<vmem>>) offsets(%dma_start3A_976 : memref<208xi32, #tpu.memory_space<vmem>>) semaphore(%arg8 : memref<!tpu.dma_semaphore, #tpu.memory_space<semaphore_mem>>) {add = true}
        %mul3A_980 = arith.constant 20 : i32
        %mul3A_981 = arith.muli %add3A_904, %mul3A_980 : i32
        %add3A_982 = arith.constant 5 : i32
        %add3A_983 = arith.addi %mul3A_981, %add3A_982 : i32
        %dma_start3A_984 = arith.constant 0 : i32
        %dma_start3A_985 = arith.constant 0 : i32
        %dma_start3A_986 = arith.constant 0 : i32
        %dma_start3A_987 = tpu.memref_slice %arg6[%dma_start3A_984, %dma_start3A_985, %dma_start3A_986] : memref<1x208x32xf32, #tpu.memory_space<vmem>> -> memref<1x208x32xf32, #tpu.memory_space<vmem>>
        %dma_start3A_988 = tpu.memref_squeeze %dma_start3A_987 : memref<1x208x32xf32, #tpu.memory_space<vmem>> -> memref<208x32xf32, #tpu.memory_space<vmem>>
        %dma_start3A_989 = arith.constant 0 : i32
        %dma_start3A_990 = tpu.memref_slice %arg5[%add3A_983, %dma_start3A_989] : memref<320x208xi32, #tpu.memory_space<vmem>> -> memref<1x208xi32, #tpu.memory_space<vmem>>
        %dma_start3A_991 = tpu.memref_squeeze %dma_start3A_990 : memref<1x208xi32, #tpu.memory_space<vmem>> -> memref<208xi32, #tpu.memory_space<vmem>>
        %dma_start3A_992 = arith.constant 0 : i32
        %dma_start3A_993 = arith.constant 0 : i32
        %dma_start3A_994 = tpu.memref_slice %arg3[%dma_start3A_992, %dma_start3A_993] : memref<100000x32xf32, #tpu.memory_space<hbm>> -> memref<100000x32xf32, #tpu.memory_space<hbm>>
        tpu.enqueue_indirect_dma source(%dma_start3A_994 : memref<100000x32xf32, #tpu.memory_space<hbm>>) target(%dma_start3A_988 : memref<208x32xf32, #tpu.memory_space<vmem>>) offsets(%dma_start3A_991 : memref<208xi32, #tpu.memory_space<vmem>>) semaphore(%arg8 : memref<!tpu.dma_semaphore, #tpu.memory_space<semaphore_mem>>) {add = true}
        %mul3A_995 = arith.constant 20 : i32
        %mul3A_996 = arith.muli %add3A_904, %mul3A_995 : i32
        %add3A_997 = arith.constant 6 : i32
        %add3A_998 = arith.addi %mul3A_996, %add3A_997 : i32
        %dma_start3A_999 = arith.constant 0 : i32
        %dma_start3A_1000 = arith.constant 0 : i32
        %dma_start3A_1001 = arith.constant 0 : i32
        %dma_start3A_1002 = tpu.memref_slice %arg6[%dma_start3A_999, %dma_start3A_1000, %dma_start3A_1001] : memref<1x208x32xf32, #tpu.memory_space<vmem>> -> memref<1x208x32xf32, #tpu.memory_space<vmem>>
        %dma_start3A_1003 = tpu.memref_squeeze %dma_start3A_1002 : memref<1x208x32xf32, #tpu.memory_space<vmem>> -> memref<208x32xf32, #tpu.memory_space<vmem>>
        %dma_start3A_1004 = arith.constant 0 : i32
        %dma_start3A_1005 = tpu.memref_slice %arg5[%add3A_998, %dma_start3A_1004] : memref<320x208xi32, #tpu.memory_space<vmem>> -> memref<1x208xi32, #tpu.memory_space<vmem>>
        %dma_start3A_1006 = tpu.memref_squeeze %dma_start3A_1005 : memref<1x208xi32, #tpu.memory_space<vmem>> -> memref<208xi32, #tpu.memory_space<vmem>>
        %dma_start3A_1007 = arith.constant 0 : i32
        %dma_start3A_1008 = arith.constant 0 : i32
        %dma_start3A_1009 = tpu.memref_slice %arg3[%dma_start3A_1007, %dma_start3A_1008] : memref<100000x32xf32, #tpu.memory_space<hbm>> -> memref<100000x32xf32, #tpu.memory_space<hbm>>
        tpu.enqueue_indirect_dma source(%dma_start3A_1009 : memref<100000x32xf32, #tpu.memory_space<hbm>>) target(%dma_start3A_1003 : memref<208x32xf32, #tpu.memory_space<vmem>>) offsets(%dma_start3A_1006 : memref<208xi32, #tpu.memory_space<vmem>>) semaphore(%arg8 : memref<!tpu.dma_semaphore, #tpu.memory_space<semaphore_mem>>) {add = true}
        %mul3A_1010 = arith.constant 20 : i32
        %mul3A_1011 = arith.muli %add3A_904, %mul3A_1010 : i32
        %add3A_1012 = arith.constant 7 : i32
        %add3A_1013 = arith.addi %mul3A_1011, %add3A_1012 : i32
        %dma_start3A_1014 = arith.constant 0 : i32
        %dma_start3A_1015 = arith.constant 0 : i32
        %dma_start3A_1016 = arith.constant 0 : i32
        %dma_start3A_1017 = tpu.memref_slice %arg6[%dma_start3A_1014, %dma_start3A_1015, %dma_start3A_1016] : memref<1x208x32xf32, #tpu.memory_space<vmem>> -> memref<1x208x32xf32, #tpu.memory_space<vmem>>
        %dma_start3A_1018 = tpu.memref_squeeze %dma_start3A_1017 : memref<1x208x32xf32, #tpu.memory_space<vmem>> -> memref<208x32xf32, #tpu.memory_space<vmem>>
        %dma_start3A_1019 = arith.constant 0 : i32
        %dma_start3A_1020 = tpu.memref_slice %arg5[%add3A_1013, %dma_start3A_1019] : memref<320x208xi32, #tpu.memory_space<vmem>> -> memref<1x208xi32, #tpu.memory_space<vmem>>
        %dma_start3A_1021 = tpu.memref_squeeze %dma_start3A_1020 : memref<1x208xi32, #tpu.memory_space<vmem>> -> memref<208xi32, #tpu.memory_space<vmem>>
        %dma_start3A_1022 = arith.constant 0 : i32
        %dma_start3A_1023 = arith.constant 0 : i32
        %dma_start3A_1024 = tpu.memref_slice %arg3[%dma_start3A_1022, %dma_start3A_1023] : memref<100000x32xf32, #tpu.memory_space<hbm>> -> memref<100000x32xf32, #tpu.memory_space<hbm>>
        tpu.enqueue_indirect_dma source(%dma_start3A_1024 : memref<100000x32xf32, #tpu.memory_space<hbm>>) target(%dma_start3A_1018 : memref<208x32xf32, #tpu.memory_space<vmem>>) offsets(%dma_start3A_1021 : memref<208xi32, #tpu.memory_space<vmem>>) semaphore(%arg8 : memref<!tpu.dma_semaphore, #tpu.memory_space<semaphore_mem>>) {add = true}
        %mul3A_1025 = arith.constant 20 : i32
        %mul3A_1026 = arith.muli %add3A_904, %mul3A_1025 : i32
        %add3A_1027 = arith.constant 8 : i32
        %add3A_1028 = arith.addi %mul3A_1026, %add3A_1027 : i32
        %dma_start3A_1029 = arith.constant 0 : i32
        %dma_start3A_1030 = arith.constant 0 : i32
        %dma_start3A_1031 = arith.constant 0 : i32
        %dma_start3A_1032 = tpu.memref_slice %arg6[%dma_start3A_1029, %dma_start3A_1030, %dma_start3A_1031] : memref<1x208x32xf32, #tpu.memory_space<vmem>> -> memref<1x208x32xf32, #tpu.memory_space<vmem>>
        %dma_start3A_1033 = tpu.memref_squeeze %dma_start3A_1032 : memref<1x208x32xf32, #tpu.memory_space<vmem>> -> memref<208x32xf32, #tpu.memory_space<vmem>>
        %dma_start3A_1034 = arith.constant 0 : i32
        %dma_start3A_1035 = tpu.memref_slice %arg5[%add3A_1028, %dma_start3A_1034] : memref<320x208xi32, #tpu.memory_space<vmem>> -> memref<1x208xi32, #tpu.memory_space<vmem>>
        %dma_start3A_1036 = tpu.memref_squeeze %dma_start3A_1035 : memref<1x208xi32, #tpu.memory_space<vmem>> -> memref<208xi32, #tpu.memory_space<vmem>>
        %dma_start3A_1037 = arith.constant 0 : i32
        %dma_start3A_1038 = arith.constant 0 : i32
        %dma_start3A_1039 = tpu.memref_slice %arg3[%dma_start3A_1037, %dma_start3A_1038] : memref<100000x32xf32, #tpu.memory_space<hbm>> -> memref<100000x32xf32, #tpu.memory_space<hbm>>
        tpu.enqueue_indirect_dma source(%dma_start3A_1039 : memref<100000x32xf32, #tpu.memory_space<hbm>>) target(%dma_start3A_1033 : memref<208x32xf32, #tpu.memory_space<vmem>>) offsets(%dma_start3A_1036 : memref<208xi32, #tpu.memory_space<vmem>>) semaphore(%arg8 : memref<!tpu.dma_semaphore, #tpu.memory_space<semaphore_mem>>) {add = true}
        %mul3A_1040 = arith.constant 20 : i32
        %mul3A_1041 = arith.muli %add3A_904, %mul3A_1040 : i32
        %add3A_1042 = arith.constant 9 : i32
        %add3A_1043 = arith.addi %mul3A_1041, %add3A_1042 : i32
        %dma_start3A_1044 = arith.constant 0 : i32
        %dma_start3A_1045 = arith.constant 0 : i32
        %dma_start3A_1046 = arith.constant 0 : i32
        %dma_start3A_1047 = tpu.memref_slice %arg6[%dma_start3A_1044, %dma_start3A_1045, %dma_start3A_1046] : memref<1x208x32xf32, #tpu.memory_space<vmem>> -> memref<1x208x32xf32, #tpu.memory_space<vmem>>
        %dma_start3A_1048 = tpu.memref_squeeze %dma_start3A_1047 : memref<1x208x32xf32, #tpu.memory_space<vmem>> -> memref<208x32xf32, #tpu.memory_space<vmem>>
        %dma_start3A_1049 = arith.constant 0 : i32
        %dma_start3A_1050 = tpu.memref_slice %arg5[%add3A_1043, %dma_start3A_1049] : memref<320x208xi32, #tpu.memory_space<vmem>> -> memref<1x208xi32, #tpu.memory_space<vmem>>
        %dma_start3A_1051 = tpu.memref_squeeze %dma_start3A_1050 : memref<1x208xi32, #tpu.memory_space<vmem>> -> memref<208xi32, #tpu.memory_space<vmem>>
        %dma_start3A_1052 = arith.constant 0 : i32
        %dma_start3A_1053 = arith.constant 0 : i32
        %dma_start3A_1054 = tpu.memref_slice %arg3[%dma_start3A_1052, %dma_start3A_1053] : memref<100000x32xf32, #tpu.memory_space<hbm>> -> memref<100000x32xf32, #tpu.memory_space<hbm>>
        tpu.enqueue_indirect_dma source(%dma_start3A_1054 : memref<100000x32xf32, #tpu.memory_space<hbm>>) target(%dma_start3A_1048 : memref<208x32xf32, #tpu.memory_space<vmem>>) offsets(%dma_start3A_1051 : memref<208xi32, #tpu.memory_space<vmem>>) semaphore(%arg8 : memref<!tpu.dma_semaphore, #tpu.memory_space<semaphore_mem>>) {add = true}
        %mul3A_1055 = arith.constant 20 : i32
        %mul3A_1056 = arith.muli %add3A_904, %mul3A_1055 : i32
        %add3A_1057 = arith.constant 10 : i32
        %add3A_1058 = arith.addi %mul3A_1056, %add3A_1057 : i32
        %dma_start3A_1059 = arith.constant 0 : i32
        %dma_start3A_1060 = arith.constant 0 : i32
        %dma_start3A_1061 = arith.constant 0 : i32
        %dma_start3A_1062 = tpu.memref_slice %arg6[%dma_start3A_1059, %dma_start3A_1060, %dma_start3A_1061] : memref<1x208x32xf32, #tpu.memory_space<vmem>> -> memref<1x208x32xf32, #tpu.memory_space<vmem>>
        %dma_start3A_1063 = tpu.memref_squeeze %dma_start3A_1062 : memref<1x208x32xf32, #tpu.memory_space<vmem>> -> memref<208x32xf32, #tpu.memory_space<vmem>>
        %dma_start3A_1064 = arith.constant 0 : i32
        %dma_start3A_1065 = tpu.memref_slice %arg5[%add3A_1058, %dma_start3A_1064] : memref<320x208xi32, #tpu.memory_space<vmem>> -> memref<1x208xi32, #tpu.memory_space<vmem>>
        %dma_start3A_1066 = tpu.memref_squeeze %dma_start3A_1065 : memref<1x208xi32, #tpu.memory_space<vmem>> -> memref<208xi32, #tpu.memory_space<vmem>>
        %dma_start3A_1067 = arith.constant 0 : i32
        %dma_start3A_1068 = arith.constant 0 : i32
        %dma_start3A_1069 = tpu.memref_slice %arg3[%dma_start3A_1067, %dma_start3A_1068] : memref<100000x32xf32, #tpu.memory_space<hbm>> -> memref<100000x32xf32, #tpu.memory_space<hbm>>
        tpu.enqueue_indirect_dma source(%dma_start3A_1069 : memref<100000x32xf32, #tpu.memory_space<hbm>>) target(%dma_start3A_1063 : memref<208x32xf32, #tpu.memory_space<vmem>>) offsets(%dma_start3A_1066 : memref<208xi32, #tpu.memory_space<vmem>>) semaphore(%arg8 : memref<!tpu.dma_semaphore, #tpu.memory_space<semaphore_mem>>) {add = true}
        %mul3A_1070 = arith.constant 20 : i32
        %mul3A_1071 = arith.muli %add3A_904, %mul3A_1070 : i32
        %add3A_1072 = arith.constant 11 : i32
        %add3A_1073 = arith.addi %mul3A_1071, %add3A_1072 : i32
        %dma_start3A_1074 = arith.constant 0 : i32
        %dma_start3A_1075 = arith.constant 0 : i32
        %dma_start3A_1076 = arith.constant 0 : i32
        %dma_start3A_1077 = tpu.memref_slice %arg6[%dma_start3A_1074, %dma_start3A_1075, %dma_start3A_1076] : memref<1x208x32xf32, #tpu.memory_space<vmem>> -> memref<1x208x32xf32, #tpu.memory_space<vmem>>
        %dma_start3A_1078 = tpu.memref_squeeze %dma_start3A_1077 : memref<1x208x32xf32, #tpu.memory_space<vmem>> -> memref<208x32xf32, #tpu.memory_space<vmem>>
        %dma_start3A_1079 = arith.constant 0 : i32
        %dma_start3A_1080 = tpu.memref_slice %arg5[%add3A_1073, %dma_start3A_1079] : memref<320x208xi32, #tpu.memory_space<vmem>> -> memref<1x208xi32, #tpu.memory_space<vmem>>
        %dma_start3A_1081 = tpu.memref_squeeze %dma_start3A_1080 : memref<1x208xi32, #tpu.memory_space<vmem>> -> memref<208xi32, #tpu.memory_space<vmem>>
        %dma_start3A_1082 = arith.constant 0 : i32
        %dma_start3A_1083 = arith.constant 0 : i32
        %dma_start3A_1084 = tpu.memref_slice %arg3[%dma_start3A_1082, %dma_start3A_1083] : memref<100000x32xf32, #tpu.memory_space<hbm>> -> memref<100000x32xf32, #tpu.memory_space<hbm>>
        tpu.enqueue_indirect_dma source(%dma_start3A_1084 : memref<100000x32xf32, #tpu.memory_space<hbm>>) target(%dma_start3A_1078 : memref<208x32xf32, #tpu.memory_space<vmem>>) offsets(%dma_start3A_1081 : memref<208xi32, #tpu.memory_space<vmem>>) semaphore(%arg8 : memref<!tpu.dma_semaphore, #tpu.memory_space<semaphore_mem>>) {add = true}
        %mul3A_1085 = arith.constant 20 : i32
        %mul3A_1086 = arith.muli %add3A_904, %mul3A_1085 : i32
        %add3A_1087 = arith.constant 12 : i32
        %add3A_1088 = arith.addi %mul3A_1086, %add3A_1087 : i32
        %dma_start3A_1089 = arith.constant 0 : i32
        %dma_start3A_1090 = arith.constant 0 : i32
        %dma_start3A_1091 = arith.constant 0 : i32
        %dma_start3A_1092 = tpu.memref_slice %arg6[%dma_start3A_1089, %dma_start3A_1090, %dma_start3A_1091] : memref<1x208x32xf32, #tpu.memory_space<vmem>> -> memref<1x208x32xf32, #tpu.memory_space<vmem>>
        %dma_start3A_1093 = tpu.memref_squeeze %dma_start3A_1092 : memref<1x208x32xf32, #tpu.memory_space<vmem>> -> memref<208x32xf32, #tpu.memory_space<vmem>>
        %dma_start3A_1094 = arith.constant 0 : i32
        %dma_start3A_1095 = tpu.memref_slice %arg5[%add3A_1088, %dma_start3A_1094] : memref<320x208xi32, #tpu.memory_space<vmem>> -> memref<1x208xi32, #tpu.memory_space<vmem>>
        %dma_start3A_1096 = tpu.memref_squeeze %dma_start3A_1095 : memref<1x208xi32, #tpu.memory_space<vmem>> -> memref<208xi32, #tpu.memory_space<vmem>>
        %dma_start3A_1097 = arith.constant 0 : i32
        %dma_start3A_1098 = arith.constant 0 : i32
        %dma_start3A_1099 = tpu.memref_slice %arg3[%dma_start3A_1097, %dma_start3A_1098] : memref<100000x32xf32, #tpu.memory_space<hbm>> -> memref<100000x32xf32, #tpu.memory_space<hbm>>
        tpu.enqueue_indirect_dma source(%dma_start3A_1099 : memref<100000x32xf32, #tpu.memory_space<hbm>>) target(%dma_start3A_1093 : memref<208x32xf32, #tpu.memory_space<vmem>>) offsets(%dma_start3A_1096 : memref<208xi32, #tpu.memory_space<vmem>>) semaphore(%arg8 : memref<!tpu.dma_semaphore, #tpu.memory_space<semaphore_mem>>) {add = true}
        %mul3A_1100 = arith.constant 20 : i32
        %mul3A_1101 = arith.muli %add3A_904, %mul3A_1100 : i32
        %add3A_1102 = arith.constant 13 : i32
        %add3A_1103 = arith.addi %mul3A_1101, %add3A_1102 : i32
        %dma_start3A_1104 = arith.constant 0 : i32
        %dma_start3A_1105 = arith.constant 0 : i32
        %dma_start3A_1106 = arith.constant 0 : i32
        %dma_start3A_1107 = tpu.memref_slice %arg6[%dma_start3A_1104, %dma_start3A_1105, %dma_start3A_1106] : memref<1x208x32xf32, #tpu.memory_space<vmem>> -> memref<1x208x32xf32, #tpu.memory_space<vmem>>
        %dma_start3A_1108 = tpu.memref_squeeze %dma_start3A_1107 : memref<1x208x32xf32, #tpu.memory_space<vmem>> -> memref<208x32xf32, #tpu.memory_space<vmem>>
        %dma_start3A_1109 = arith.constant 0 : i32
        %dma_start3A_1110 = tpu.memref_slice %arg5[%add3A_1103, %dma_start3A_1109] : memref<320x208xi32, #tpu.memory_space<vmem>> -> memref<1x208xi32, #tpu.memory_space<vmem>>
        %dma_start3A_1111 = tpu.memref_squeeze %dma_start3A_1110 : memref<1x208xi32, #tpu.memory_space<vmem>> -> memref<208xi32, #tpu.memory_space<vmem>>
        %dma_start3A_1112 = arith.constant 0 : i32
        %dma_start3A_1113 = arith.constant 0 : i32
        %dma_start3A_1114 = tpu.memref_slice %arg3[%dma_start3A_1112, %dma_start3A_1113] : memref<100000x32xf32, #tpu.memory_space<hbm>> -> memref<100000x32xf32, #tpu.memory_space<hbm>>
        tpu.enqueue_indirect_dma source(%dma_start3A_1114 : memref<100000x32xf32, #tpu.memory_space<hbm>>) target(%dma_start3A_1108 : memref<208x32xf32, #tpu.memory_space<vmem>>) offsets(%dma_start3A_1111 : memref<208xi32, #tpu.memory_space<vmem>>) semaphore(%arg8 : memref<!tpu.dma_semaphore, #tpu.memory_space<semaphore_mem>>) {add = true}
        %mul3A_1115 = arith.constant 20 : i32
        %mul3A_1116 = arith.muli %add3A_904, %mul3A_1115 : i32
        %add3A_1117 = arith.constant 14 : i32
        %add3A_1118 = arith.addi %mul3A_1116, %add3A_1117 : i32
        %dma_start3A_1119 = arith.constant 0 : i32
        %dma_start3A_1120 = arith.constant 0 : i32
        %dma_start3A_1121 = arith.constant 0 : i32
        %dma_start3A_1122 = tpu.memref_slice %arg6[%dma_start3A_1119, %dma_start3A_1120, %dma_start3A_1121] : memref<1x208x32xf32, #tpu.memory_space<vmem>> -> memref<1x208x32xf32, #tpu.memory_space<vmem>>
        %dma_start3A_1123 = tpu.memref_squeeze %dma_start3A_1122 : memref<1x208x32xf32, #tpu.memory_space<vmem>> -> memref<208x32xf32, #tpu.memory_space<vmem>>
        %dma_start3A_1124 = arith.constant 0 : i32
        %dma_start3A_1125 = tpu.memref_slice %arg5[%add3A_1118, %dma_start3A_1124] : memref<320x208xi32, #tpu.memory_space<vmem>> -> memref<1x208xi32, #tpu.memory_space<vmem>>
        %dma_start3A_1126 = tpu.memref_squeeze %dma_start3A_1125 : memref<1x208xi32, #tpu.memory_space<vmem>> -> memref<208xi32, #tpu.memory_space<vmem>>
        %dma_start3A_1127 = arith.constant 0 : i32
        %dma_start3A_1128 = arith.constant 0 : i32
        %dma_start3A_1129 = tpu.memref_slice %arg3[%dma_start3A_1127, %dma_start3A_1128] : memref<100000x32xf32, #tpu.memory_space<hbm>> -> memref<100000x32xf32, #tpu.memory_space<hbm>>
        tpu.enqueue_indirect_dma source(%dma_start3A_1129 : memref<100000x32xf32, #tpu.memory_space<hbm>>) target(%dma_start3A_1123 : memref<208x32xf32, #tpu.memory_space<vmem>>) offsets(%dma_start3A_1126 : memref<208xi32, #tpu.memory_space<vmem>>) semaphore(%arg8 : memref<!tpu.dma_semaphore, #tpu.memory_space<semaphore_mem>>) {add = true}
        %mul3A_1130 = arith.constant 20 : i32
        %mul3A_1131 = arith.muli %add3A_904, %mul3A_1130 : i32
        %add3A_1132 = arith.constant 15 : i32
        %add3A_1133 = arith.addi %mul3A_1131, %add3A_1132 : i32
        %dma_start3A_1134 = arith.constant 0 : i32
        %dma_start3A_1135 = arith.constant 0 : i32
        %dma_start3A_1136 = arith.constant 0 : i32
        %dma_start3A_1137 = tpu.memref_slice %arg6[%dma_start3A_1134, %dma_start3A_1135, %dma_start3A_1136] : memref<1x208x32xf32, #tpu.memory_space<vmem>> -> memref<1x208x32xf32, #tpu.memory_space<vmem>>
        %dma_start3A_1138 = tpu.memref_squeeze %dma_start3A_1137 : memref<1x208x32xf32, #tpu.memory_space<vmem>> -> memref<208x32xf32, #tpu.memory_space<vmem>>
        %dma_start3A_1139 = arith.constant 0 : i32
        %dma_start3A_1140 = tpu.memref_slice %arg5[%add3A_1133, %dma_start3A_1139] : memref<320x208xi32, #tpu.memory_space<vmem>> -> memref<1x208xi32, #tpu.memory_space<vmem>>
        %dma_start3A_1141 = tpu.memref_squeeze %dma_start3A_1140 : memref<1x208xi32, #tpu.memory_space<vmem>> -> memref<208xi32, #tpu.memory_space<vmem>>
        %dma_start3A_1142 = arith.constant 0 : i32
        %dma_start3A_1143 = arith.constant 0 : i32
        %dma_start3A_1144 = tpu.memref_slice %arg3[%dma_start3A_1142, %dma_start3A_1143] : memref<100000x32xf32, #tpu.memory_space<hbm>> -> memref<100000x32xf32, #tpu.memory_space<hbm>>
        tpu.enqueue_indirect_dma source(%dma_start3A_1144 : memref<100000x32xf32, #tpu.memory_space<hbm>>) target(%dma_start3A_1138 : memref<208x32xf32, #tpu.memory_space<vmem>>) offsets(%dma_start3A_1141 : memref<208xi32, #tpu.memory_space<vmem>>) semaphore(%arg8 : memref<!tpu.dma_semaphore, #tpu.memory_space<semaphore_mem>>) {add = true}
        %mul3A_1145 = arith.constant 20 : i32
        %mul3A_1146 = arith.muli %add3A_904, %mul3A_1145 : i32
        %add3A_1147 = arith.constant 16 : i32
        %add3A_1148 = arith.addi %mul3A_1146, %add3A_1147 : i32
        %dma_start3A_1149 = arith.constant 0 : i32
        %dma_start3A_1150 = arith.constant 0 : i32
        %dma_start3A_1151 = arith.constant 0 : i32
        %dma_start3A_1152 = tpu.memref_slice %arg6[%dma_start3A_1149, %dma_start3A_1150, %dma_start3A_1151] : memref<1x208x32xf32, #tpu.memory_space<vmem>> -> memref<1x208x32xf32, #tpu.memory_space<vmem>>
        %dma_start3A_1153 = tpu.memref_squeeze %dma_start3A_1152 : memref<1x208x32xf32, #tpu.memory_space<vmem>> -> memref<208x32xf32, #tpu.memory_space<vmem>>
        %dma_start3A_1154 = arith.constant 0 : i32
        %dma_start3A_1155 = tpu.memref_slice %arg5[%add3A_1148, %dma_start3A_1154] : memref<320x208xi32, #tpu.memory_space<vmem>> -> memref<1x208xi32, #tpu.memory_space<vmem>>
        %dma_start3A_1156 = tpu.memref_squeeze %dma_start3A_1155 : memref<1x208xi32, #tpu.memory_space<vmem>> -> memref<208xi32, #tpu.memory_space<vmem>>
        %dma_start3A_1157 = arith.constant 0 : i32
        %dma_start3A_1158 = arith.constant 0 : i32
        %dma_start3A_1159 = tpu.memref_slice %arg3[%dma_start3A_1157, %dma_start3A_1158] : memref<100000x32xf32, #tpu.memory_space<hbm>> -> memref<100000x32xf32, #tpu.memory_space<hbm>>
        tpu.enqueue_indirect_dma source(%dma_start3A_1159 : memref<100000x32xf32, #tpu.memory_space<hbm>>) target(%dma_start3A_1153 : memref<208x32xf32, #tpu.memory_space<vmem>>) offsets(%dma_start3A_1156 : memref<208xi32, #tpu.memory_space<vmem>>) semaphore(%arg8 : memref<!tpu.dma_semaphore, #tpu.memory_space<semaphore_mem>>) {add = true}
        %mul3A_1160 = arith.constant 20 : i32
        %mul3A_1161 = arith.muli %add3A_904, %mul3A_1160 : i32
        %add3A_1162 = arith.constant 17 : i32
        %add3A_1163 = arith.addi %mul3A_1161, %add3A_1162 : i32
        %dma_start3A_1164 = arith.constant 0 : i32
        %dma_start3A_1165 = arith.constant 0 : i32
        %dma_start3A_1166 = arith.constant 0 : i32
        %dma_start3A_1167 = tpu.memref_slice %arg6[%dma_start3A_1164, %dma_start3A_1165, %dma_start3A_1166] : memref<1x208x32xf32, #tpu.memory_space<vmem>> -> memref<1x208x32xf32, #tpu.memory_space<vmem>>
        %dma_start3A_1168 = tpu.memref_squeeze %dma_start3A_1167 : memref<1x208x32xf32, #tpu.memory_space<vmem>> -> memref<208x32xf32, #tpu.memory_space<vmem>>
        %dma_start3A_1169 = arith.constant 0 : i32
        %dma_start3A_1170 = tpu.memref_slice %arg5[%add3A_1163, %dma_start3A_1169] : memref<320x208xi32, #tpu.memory_space<vmem>> -> memref<1x208xi32, #tpu.memory_space<vmem>>
        %dma_start3A_1171 = tpu.memref_squeeze %dma_start3A_1170 : memref<1x208xi32, #tpu.memory_space<vmem>> -> memref<208xi32, #tpu.memory_space<vmem>>
        %dma_start3A_1172 = arith.constant 0 : i32
        %dma_start3A_1173 = arith.constant 0 : i32
        %dma_start3A_1174 = tpu.memref_slice %arg3[%dma_start3A_1172, %dma_start3A_1173] : memref<100000x32xf32, #tpu.memory_space<hbm>> -> memref<100000x32xf32, #tpu.memory_space<hbm>>
        tpu.enqueue_indirect_dma source(%dma_start3A_1174 : memref<100000x32xf32, #tpu.memory_space<hbm>>) target(%dma_start3A_1168 : memref<208x32xf32, #tpu.memory_space<vmem>>) offsets(%dma_start3A_1171 : memref<208xi32, #tpu.memory_space<vmem>>) semaphore(%arg8 : memref<!tpu.dma_semaphore, #tpu.memory_space<semaphore_mem>>) {add = true}
        %mul3A_1175 = arith.constant 20 : i32
        %mul3A_1176 = arith.muli %add3A_904, %mul3A_1175 : i32
        %add3A_1177 = arith.constant 18 : i32
        %add3A_1178 = arith.addi %mul3A_1176, %add3A_1177 : i32
        %dma_start3A_1179 = arith.constant 0 : i32
        %dma_start3A_1180 = arith.constant 0 : i32
        %dma_start3A_1181 = arith.constant 0 : i32
        %dma_start3A_1182 = tpu.memref_slice %arg6[%dma_start3A_1179, %dma_start3A_1180, %dma_start3A_1181] : memref<1x208x32xf32, #tpu.memory_space<vmem>> -> memref<1x208x32xf32, #tpu.memory_space<vmem>>
        %dma_start3A_1183 = tpu.memref_squeeze %dma_start3A_1182 : memref<1x208x32xf32, #tpu.memory_space<vmem>> -> memref<208x32xf32, #tpu.memory_space<vmem>>
        %dma_start3A_1184 = arith.constant 0 : i32
        %dma_start3A_1185 = tpu.memref_slice %arg5[%add3A_1178, %dma_start3A_1184] : memref<320x208xi32, #tpu.memory_space<vmem>> -> memref<1x208xi32, #tpu.memory_space<vmem>>
        %dma_start3A_1186 = tpu.memref_squeeze %dma_start3A_1185 : memref<1x208xi32, #tpu.memory_space<vmem>> -> memref<208xi32, #tpu.memory_space<vmem>>
        %dma_start3A_1187 = arith.constant 0 : i32
        %dma_start3A_1188 = arith.constant 0 : i32
        %dma_start3A_1189 = tpu.memref_slice %arg3[%dma_start3A_1187, %dma_start3A_1188] : memref<100000x32xf32, #tpu.memory_space<hbm>> -> memref<100000x32xf32, #tpu.memory_space<hbm>>
        tpu.enqueue_indirect_dma source(%dma_start3A_1189 : memref<100000x32xf32, #tpu.memory_space<hbm>>) target(%dma_start3A_1183 : memref<208x32xf32, #tpu.memory_space<vmem>>) offsets(%dma_start3A_1186 : memref<208xi32, #tpu.memory_space<vmem>>) semaphore(%arg8 : memref<!tpu.dma_semaphore, #tpu.memory_space<semaphore_mem>>) {add = true}
        %mul3A_1190 = arith.constant 20 : i32
        %mul3A_1191 = arith.muli %add3A_904, %mul3A_1190 : i32
        %add3A_1192 = arith.constant 19 : i32
        %add3A_1193 = arith.addi %mul3A_1191, %add3A_1192 : i32
        %dma_start3A_1194 = arith.constant 0 : i32
        %dma_start3A_1195 = arith.constant 0 : i32
        %dma_start3A_1196 = arith.constant 0 : i32
        %dma_start3A_1197 = tpu.memref_slice %arg6[%dma_start3A_1194, %dma_start3A_1195, %dma_start3A_1196] : memref<1x208x32xf32, #tpu.memory_space<vmem>> -> memref<1x208x32xf32, #tpu.memory_space<vmem>>
        %dma_start3A_1198 = tpu.memref_squeeze %dma_start3A_1197 : memref<1x208x32xf32, #tpu.memory_space<vmem>> -> memref<208x32xf32, #tpu.memory_space<vmem>>
        %dma_start3A_1199 = arith.constant 0 : i32
        %dma_start3A_1200 = tpu.memref_slice %arg5[%add3A_1193, %dma_start3A_1199] : memref<320x208xi32, #tpu.memory_space<vmem>> -> memref<1x208xi32, #tpu.memory_space<vmem>>
        %dma_start3A_1201 = tpu.memref_squeeze %dma_start3A_1200 : memref<1x208xi32, #tpu.memory_space<vmem>> -> memref<208xi32, #tpu.memory_space<vmem>>
        %dma_start3A_1202 = arith.constant 0 : i32
        %dma_start3A_1203 = arith.constant 0 : i32
        %dma_start3A_1204 = tpu.memref_slice %arg3[%dma_start3A_1202, %dma_start3A_1203] : memref<100000x32xf32, #tpu.memory_space<hbm>> -> memref<100000x32xf32, #tpu.memory_space<hbm>>
        tpu.enqueue_indirect_dma source(%dma_start3A_1204 : memref<100000x32xf32, #tpu.memory_space<hbm>>) target(%dma_start3A_1198 : memref<208x32xf32, #tpu.memory_space<vmem>>) offsets(%dma_start3A_1201 : memref<208xi32, #tpu.memory_space<vmem>>) semaphore(%arg8 : memref<!tpu.dma_semaphore, #tpu.memory_space<semaphore_mem>>) {add = true}
      } else {
      }
      %dma_wait3A_589 = arith.constant 0 : i32
      %dma_wait3A_590 = arith.constant 0 : i32
      %dma_wait3A_591 = arith.constant 0 : i32
      %dma_wait3A_592 = tpu.memref_slice %arg7[%dma_wait3A_589, %dma_wait3A_590, %dma_wait3A_591] : memref<1x208x32xf32, #tpu.memory_space<vmem>> -> memref<1x208x32xf32, #tpu.memory_space<vmem>>
      %dma_wait3A_593 = tpu.memref_squeeze %dma_wait3A_592 : memref<1x208x32xf32, #tpu.memory_space<vmem>> -> memref<208x32xf32, #tpu.memory_space<vmem>>
      %dma_wait3A_594 = arith.constant 0 : i32
      %dma_wait3A_595 = arith.constant 0 : i32
      %dma_wait3A_596 = tpu.memref_slice %arg3[%dma_wait3A_594, %dma_wait3A_595] : memref<100000x32xf32, #tpu.memory_space<hbm>> -> memref<208x32xf32, #tpu.memory_space<hbm>>
      %dma_wait3A_597 = arith.constant 0 : i32
      %dma_wait3A_598 = arith.constant 0 : i32
      %dma_wait3A_599 = tpu.memref_slice %arg7[%dma_wait3A_589, %dma_wait3A_597, %dma_wait3A_598] : memref<1x208x32xf32, #tpu.memory_space<vmem>> -> memref<1x208x32xf32, #tpu.memory_space<vmem>>
      %dma_wait3A_600 = tpu.memref_squeeze %dma_wait3A_599 : memref<1x208x32xf32, #tpu.memory_space<vmem>> -> memref<208x32xf32, #tpu.memory_space<vmem>>
      %dma_wait3A_601 = arith.constant 0 : i32
      %dma_wait3A_602 = arith.constant 0 : i32
      %dma_wait3A_603 = tpu.memref_slice %arg3[%dma_wait3A_601, %dma_wait3A_602] : memref<100000x32xf32, #tpu.memory_space<hbm>> -> memref<208x32xf32, #tpu.memory_space<hbm>>
      tpu.wait_dma2 semaphore(%arg9 : memref<!tpu.dma_semaphore, #tpu.memory_space<semaphore_mem>>) src(%dma_wait3A_603 : memref<208x32xf32, #tpu.memory_space<hbm>>) dst(%dma_wait3A_600 : memref<208x32xf32, #tpu.memory_space<vmem>>)
      %dma_wait3A_604 = arith.constant 0 : i32
      %dma_wait3A_605 = arith.constant 0 : i32
      %dma_wait3A_606 = arith.constant 0 : i32
      %dma_wait3A_607 = tpu.memref_slice %arg7[%dma_wait3A_604, %dma_wait3A_605, %dma_wait3A_606] : memref<1x208x32xf32, #tpu.memory_space<vmem>> -> memref<1x208x32xf32, #tpu.memory_space<vmem>>
      %dma_wait3A_608 = tpu.memref_squeeze %dma_wait3A_607 : memref<1x208x32xf32, #tpu.memory_space<vmem>> -> memref<208x32xf32, #tpu.memory_space<vmem>>
      %dma_wait3A_609 = arith.constant 0 : i32
      %dma_wait3A_610 = arith.constant 0 : i32
      %dma_wait3A_611 = tpu.memref_slice %arg3[%dma_wait3A_609, %dma_wait3A_610] : memref<100000x32xf32, #tpu.memory_space<hbm>> -> memref<208x32xf32, #tpu.memory_space<hbm>>
      %dma_wait3A_612 = arith.constant 0 : i32
      %dma_wait3A_613 = arith.constant 0 : i32
      %dma_wait3A_614 = tpu.memref_slice %arg7[%dma_wait3A_604, %dma_wait3A_612, %dma_wait3A_613] : memref<1x208x32xf32, #tpu.memory_space<vmem>> -> memref<1x208x32xf32, #tpu.memory_space<vmem>>
      %dma_wait3A_615 = tpu.memref_squeeze %dma_wait3A_614 : memref<1x208x32xf32, #tpu.memory_space<vmem>> -> memref<208x32xf32, #tpu.memory_space<vmem>>
      %dma_wait3A_616 = arith.constant 0 : i32
      %dma_wait3A_617 = arith.constant 0 : i32
      %dma_wait3A_618 = tpu.memref_slice %arg3[%dma_wait3A_616, %dma_wait3A_617] : memref<100000x32xf32, #tpu.memory_space<hbm>> -> memref<208x32xf32, #tpu.memory_space<hbm>>
      tpu.wait_dma2 semaphore(%arg9 : memref<!tpu.dma_semaphore, #tpu.memory_space<semaphore_mem>>) src(%dma_wait3A_618 : memref<208x32xf32, #tpu.memory_space<hbm>>) dst(%dma_wait3A_615 : memref<208x32xf32, #tpu.memory_space<vmem>>)
      %dma_wait3A_619 = arith.constant 0 : i32
      %dma_wait3A_620 = arith.constant 0 : i32
      %dma_wait3A_621 = arith.constant 0 : i32
      %dma_wait3A_622 = tpu.memref_slice %arg7[%dma_wait3A_619, %dma_wait3A_620, %dma_wait3A_621] : memref<1x208x32xf32, #tpu.memory_space<vmem>> -> memref<1x208x32xf32, #tpu.memory_space<vmem>>
      %dma_wait3A_623 = tpu.memref_squeeze %dma_wait3A_622 : memref<1x208x32xf32, #tpu.memory_space<vmem>> -> memref<208x32xf32, #tpu.memory_space<vmem>>
      %dma_wait3A_624 = arith.constant 0 : i32
      %dma_wait3A_625 = arith.constant 0 : i32
      %dma_wait3A_626 = tpu.memref_slice %arg3[%dma_wait3A_624, %dma_wait3A_625] : memref<100000x32xf32, #tpu.memory_space<hbm>> -> memref<208x32xf32, #tpu.memory_space<hbm>>
      %dma_wait3A_627 = arith.constant 0 : i32
      %dma_wait3A_628 = arith.constant 0 : i32
      %dma_wait3A_629 = tpu.memref_slice %arg7[%dma_wait3A_619, %dma_wait3A_627, %dma_wait3A_628] : memref<1x208x32xf32, #tpu.memory_space<vmem>> -> memref<1x208x32xf32, #tpu.memory_space<vmem>>
      %dma_wait3A_630 = tpu.memref_squeeze %dma_wait3A_629 : memref<1x208x32xf32, #tpu.memory_space<vmem>> -> memref<208x32xf32, #tpu.memory_space<vmem>>
      %dma_wait3A_631 = arith.constant 0 : i32
      %dma_wait3A_632 = arith.constant 0 : i32
      %dma_wait3A_633 = tpu.memref_slice %arg3[%dma_wait3A_631, %dma_wait3A_632] : memref<100000x32xf32, #tpu.memory_space<hbm>> -> memref<208x32xf32, #tpu.memory_space<hbm>>
      tpu.wait_dma2 semaphore(%arg9 : memref<!tpu.dma_semaphore, #tpu.memory_space<semaphore_mem>>) src(%dma_wait3A_633 : memref<208x32xf32, #tpu.memory_space<hbm>>) dst(%dma_wait3A_630 : memref<208x32xf32, #tpu.memory_space<vmem>>)
      %dma_wait3A_634 = arith.constant 0 : i32
      %dma_wait3A_635 = arith.constant 0 : i32
      %dma_wait3A_636 = arith.constant 0 : i32
      %dma_wait3A_637 = tpu.memref_slice %arg7[%dma_wait3A_634, %dma_wait3A_635, %dma_wait3A_636] : memref<1x208x32xf32, #tpu.memory_space<vmem>> -> memref<1x208x32xf32, #tpu.memory_space<vmem>>
      %dma_wait3A_638 = tpu.memref_squeeze %dma_wait3A_637 : memref<1x208x32xf32, #tpu.memory_space<vmem>> -> memref<208x32xf32, #tpu.memory_space<vmem>>
      %dma_wait3A_639 = arith.constant 0 : i32
      %dma_wait3A_640 = arith.constant 0 : i32
      %dma_wait3A_641 = tpu.memref_slice %arg3[%dma_wait3A_639, %dma_wait3A_640] : memref<100000x32xf32, #tpu.memory_space<hbm>> -> memref<208x32xf32, #tpu.memory_space<hbm>>
      %dma_wait3A_642 = arith.constant 0 : i32
      %dma_wait3A_643 = arith.constant 0 : i32
      %dma_wait3A_644 = tpu.memref_slice %arg7[%dma_wait3A_634, %dma_wait3A_642, %dma_wait3A_643] : memref<1x208x32xf32, #tpu.memory_space<vmem>> -> memref<1x208x32xf32, #tpu.memory_space<vmem>>
      %dma_wait3A_645 = tpu.memref_squeeze %dma_wait3A_644 : memref<1x208x32xf32, #tpu.memory_space<vmem>> -> memref<208x32xf32, #tpu.memory_space<vmem>>
      %dma_wait3A_646 = arith.constant 0 : i32
      %dma_wait3A_647 = arith.constant 0 : i32
      %dma_wait3A_648 = tpu.memref_slice %arg3[%dma_wait3A_646, %dma_wait3A_647] : memref<100000x32xf32, #tpu.memory_space<hbm>> -> memref<208x32xf32, #tpu.memory_space<hbm>>
      tpu.wait_dma2 semaphore(%arg9 : memref<!tpu.dma_semaphore, #tpu.memory_space<semaphore_mem>>) src(%dma_wait3A_648 : memref<208x32xf32, #tpu.memory_space<hbm>>) dst(%dma_wait3A_645 : memref<208x32xf32, #tpu.memory_space<vmem>>)
      %dma_wait3A_649 = arith.constant 0 : i32
      %dma_wait3A_650 = arith.constant 0 : i32
      %dma_wait3A_651 = arith.constant 0 : i32
      %dma_wait3A_652 = tpu.memref_slice %arg7[%dma_wait3A_649, %dma_wait3A_650, %dma_wait3A_651] : memref<1x208x32xf32, #tpu.memory_space<vmem>> -> memref<1x208x32xf32, #tpu.memory_space<vmem>>
      %dma_wait3A_653 = tpu.memref_squeeze %dma_wait3A_652 : memref<1x208x32xf32, #tpu.memory_space<vmem>> -> memref<208x32xf32, #tpu.memory_space<vmem>>
      %dma_wait3A_654 = arith.constant 0 : i32
      %dma_wait3A_655 = arith.constant 0 : i32
      %dma_wait3A_656 = tpu.memref_slice %arg3[%dma_wait3A_654, %dma_wait3A_655] : memref<100000x32xf32, #tpu.memory_space<hbm>> -> memref<208x32xf32, #tpu.memory_space<hbm>>
      %dma_wait3A_657 = arith.constant 0 : i32
      %dma_wait3A_658 = arith.constant 0 : i32
      %dma_wait3A_659 = tpu.memref_slice %arg7[%dma_wait3A_649, %dma_wait3A_657, %dma_wait3A_658] : memref<1x208x32xf32, #tpu.memory_space<vmem>> -> memref<1x208x32xf32, #tpu.memory_space<vmem>>
      %dma_wait3A_660 = tpu.memref_squeeze %dma_wait3A_659 : memref<1x208x32xf32, #tpu.memory_space<vmem>> -> memref<208x32xf32, #tpu.memory_space<vmem>>
      %dma_wait3A_661 = arith.constant 0 : i32
      %dma_wait3A_662 = arith.constant 0 : i32
      %dma_wait3A_663 = tpu.memref_slice %arg3[%dma_wait3A_661, %dma_wait3A_662] : memref<100000x32xf32, #tpu.memory_space<hbm>> -> memref<208x32xf32, #tpu.memory_space<hbm>>
      tpu.wait_dma2 semaphore(%arg9 : memref<!tpu.dma_semaphore, #tpu.memory_space<semaphore_mem>>) src(%dma_wait3A_663 : memref<208x32xf32, #tpu.memory_space<hbm>>) dst(%dma_wait3A_660 : memref<208x32xf32, #tpu.memory_space<vmem>>)
      %dma_wait3A_664 = arith.constant 0 : i32
      %dma_wait3A_665 = arith.constant 0 : i32
      %dma_wait3A_666 = arith.constant 0 : i32
      %dma_wait3A_667 = tpu.memref_slice %arg7[%dma_wait3A_664, %dma_wait3A_665, %dma_wait3A_666] : memref<1x208x32xf32, #tpu.memory_space<vmem>> -> memref<1x208x32xf32, #tpu.memory_space<vmem>>
      %dma_wait3A_668 = tpu.memref_squeeze %dma_wait3A_667 : memref<1x208x32xf32, #tpu.memory_space<vmem>> -> memref<208x32xf32, #tpu.memory_space<vmem>>
      %dma_wait3A_669 = arith.constant 0 : i32
      %dma_wait3A_670 = arith.constant 0 : i32
      %dma_wait3A_671 = tpu.memref_slice %arg3[%dma_wait3A_669, %dma_wait3A_670] : memref<100000x32xf32, #tpu.memory_space<hbm>> -> memref<208x32xf32, #tpu.memory_space<hbm>>
      %dma_wait3A_672 = arith.constant 0 : i32
      %dma_wait3A_673 = arith.constant 0 : i32
      %dma_wait3A_674 = tpu.memref_slice %arg7[%dma_wait3A_664, %dma_wait3A_672, %dma_wait3A_673] : memref<1x208x32xf32, #tpu.memory_space<vmem>> -> memref<1x208x32xf32, #tpu.memory_space<vmem>>
      %dma_wait3A_675 = tpu.memref_squeeze %dma_wait3A_674 : memref<1x208x32xf32, #tpu.memory_space<vmem>> -> memref<208x32xf32, #tpu.memory_space<vmem>>
      %dma_wait3A_676 = arith.constant 0 : i32
      %dma_wait3A_677 = arith.constant 0 : i32
      %dma_wait3A_678 = tpu.memref_slice %arg3[%dma_wait3A_676, %dma_wait3A_677] : memref<100000x32xf32, #tpu.memory_space<hbm>> -> memref<208x32xf32, #tpu.memory_space<hbm>>
      tpu.wait_dma2 semaphore(%arg9 : memref<!tpu.dma_semaphore, #tpu.memory_space<semaphore_mem>>) src(%dma_wait3A_678 : memref<208x32xf32, #tpu.memory_space<hbm>>) dst(%dma_wait3A_675 : memref<208x32xf32, #tpu.memory_space<vmem>>)
      %dma_wait3A_679 = arith.constant 0 : i32
      %dma_wait3A_680 = arith.constant 0 : i32
      %dma_wait3A_681 = arith.constant 0 : i32
      %dma_wait3A_682 = tpu.memref_slice %arg7[%dma_wait3A_679, %dma_wait3A_680, %dma_wait3A_681] : memref<1x208x32xf32, #tpu.memory_space<vmem>> -> memref<1x208x32xf32, #tpu.memory_space<vmem>>
      %dma_wait3A_683 = tpu.memref_squeeze %dma_wait3A_682 : memref<1x208x32xf32, #tpu.memory_space<vmem>> -> memref<208x32xf32, #tpu.memory_space<vmem>>
      %dma_wait3A_684 = arith.constant 0 : i32
      %dma_wait3A_685 = arith.constant 0 : i32
      %dma_wait3A_686 = tpu.memref_slice %arg3[%dma_wait3A_684, %dma_wait3A_685] : memref<100000x32xf32, #tpu.memory_space<hbm>> -> memref<208x32xf32, #tpu.memory_space<hbm>>
      %dma_wait3A_687 = arith.constant 0 : i32
      %dma_wait3A_688 = arith.constant 0 : i32
      %dma_wait3A_689 = tpu.memref_slice %arg7[%dma_wait3A_679, %dma_wait3A_687, %dma_wait3A_688] : memref<1x208x32xf32, #tpu.memory_space<vmem>> -> memref<1x208x32xf32, #tpu.memory_space<vmem>>
      %dma_wait3A_690 = tpu.memref_squeeze %dma_wait3A_689 : memref<1x208x32xf32, #tpu.memory_space<vmem>> -> memref<208x32xf32, #tpu.memory_space<vmem>>
      %dma_wait3A_691 = arith.constant 0 : i32
      %dma_wait3A_692 = arith.constant 0 : i32
      %dma_wait3A_693 = tpu.memref_slice %arg3[%dma_wait3A_691, %dma_wait3A_692] : memref<100000x32xf32, #tpu.memory_space<hbm>> -> memref<208x32xf32, #tpu.memory_space<hbm>>
      tpu.wait_dma2 semaphore(%arg9 : memref<!tpu.dma_semaphore, #tpu.memory_space<semaphore_mem>>) src(%dma_wait3A_693 : memref<208x32xf32, #tpu.memory_space<hbm>>) dst(%dma_wait3A_690 : memref<208x32xf32, #tpu.memory_space<vmem>>)
      %dma_wait3A_694 = arith.constant 0 : i32
      %dma_wait3A_695 = arith.constant 0 : i32
      %dma_wait3A_696 = arith.constant 0 : i32
      %dma_wait3A_697 = tpu.memref_slice %arg7[%dma_wait3A_694, %dma_wait3A_695, %dma_wait3A_696] : memref<1x208x32xf32, #tpu.memory_space<vmem>> -> memref<1x208x32xf32, #tpu.memory_space<vmem>>
      %dma_wait3A_698 = tpu.memref_squeeze %dma_wait3A_697 : memref<1x208x32xf32, #tpu.memory_space<vmem>> -> memref<208x32xf32, #tpu.memory_space<vmem>>
      %dma_wait3A_699 = arith.constant 0 : i32
      %dma_wait3A_700 = arith.constant 0 : i32
      %dma_wait3A_701 = tpu.memref_slice %arg3[%dma_wait3A_699, %dma_wait3A_700] : memref<100000x32xf32, #tpu.memory_space<hbm>> -> memref<208x32xf32, #tpu.memory_space<hbm>>
      %dma_wait3A_702 = arith.constant 0 : i32
      %dma_wait3A_703 = arith.constant 0 : i32
      %dma_wait3A_704 = tpu.memref_slice %arg7[%dma_wait3A_694, %dma_wait3A_702, %dma_wait3A_703] : memref<1x208x32xf32, #tpu.memory_space<vmem>> -> memref<1x208x32xf32, #tpu.memory_space<vmem>>
      %dma_wait3A_705 = tpu.memref_squeeze %dma_wait3A_704 : memref<1x208x32xf32, #tpu.memory_space<vmem>> -> memref<208x32xf32, #tpu.memory_space<vmem>>
      %dma_wait3A_706 = arith.constant 0 : i32
      %dma_wait3A_707 = arith.constant 0 : i32
      %dma_wait3A_708 = tpu.memref_slice %arg3[%dma_wait3A_706, %dma_wait3A_707] : memref<100000x32xf32, #tpu.memory_space<hbm>> -> memref<208x32xf32, #tpu.memory_space<hbm>>
      tpu.wait_dma2 semaphore(%arg9 : memref<!tpu.dma_semaphore, #tpu.memory_space<semaphore_mem>>) src(%dma_wait3A_708 : memref<208x32xf32, #tpu.memory_space<hbm>>) dst(%dma_wait3A_705 : memref<208x32xf32, #tpu.memory_space<vmem>>)
      %dma_wait3A_709 = arith.constant 0 : i32
      %dma_wait3A_710 = arith.constant 0 : i32
      %dma_wait3A_711 = arith.constant 0 : i32
      %dma_wait3A_712 = tpu.memref_slice %arg7[%dma_wait3A_709, %dma_wait3A_710, %dma_wait3A_711] : memref<1x208x32xf32, #tpu.memory_space<vmem>> -> memref<1x208x32xf32, #tpu.memory_space<vmem>>
      %dma_wait3A_713 = tpu.memref_squeeze %dma_wait3A_712 : memref<1x208x32xf32, #tpu.memory_space<vmem>> -> memref<208x32xf32, #tpu.memory_space<vmem>>
      %dma_wait3A_714 = arith.constant 0 : i32
      %dma_wait3A_715 = arith.constant 0 : i32
      %dma_wait3A_716 = tpu.memref_slice %arg3[%dma_wait3A_714, %dma_wait3A_715] : memref<100000x32xf32, #tpu.memory_space<hbm>> -> memref<208x32xf32, #tpu.memory_space<hbm>>
      %dma_wait3A_717 = arith.constant 0 : i32
      %dma_wait3A_718 = arith.constant 0 : i32
      %dma_wait3A_719 = tpu.memref_slice %arg7[%dma_wait3A_709, %dma_wait3A_717, %dma_wait3A_718] : memref<1x208x32xf32, #tpu.memory_space<vmem>> -> memref<1x208x32xf32, #tpu.memory_space<vmem>>
      %dma_wait3A_720 = tpu.memref_squeeze %dma_wait3A_719 : memref<1x208x32xf32, #tpu.memory_space<vmem>> -> memref<208x32xf32, #tpu.memory_space<vmem>>
      %dma_wait3A_721 = arith.constant 0 : i32
      %dma_wait3A_722 = arith.constant 0 : i32
      %dma_wait3A_723 = tpu.memref_slice %arg3[%dma_wait3A_721, %dma_wait3A_722] : memref<100000x32xf32, #tpu.memory_space<hbm>> -> memref<208x32xf32, #tpu.memory_space<hbm>>
      tpu.wait_dma2 semaphore(%arg9 : memref<!tpu.dma_semaphore, #tpu.memory_space<semaphore_mem>>) src(%dma_wait3A_723 : memref<208x32xf32, #tpu.memory_space<hbm>>) dst(%dma_wait3A_720 : memref<208x32xf32, #tpu.memory_space<vmem>>)
      %dma_wait3A_724 = arith.constant 0 : i32
      %dma_wait3A_725 = arith.constant 0 : i32
      %dma_wait3A_726 = arith.constant 0 : i32
      %dma_wait3A_727 = tpu.memref_slice %arg7[%dma_wait3A_724, %dma_wait3A_725, %dma_wait3A_726] : memref<1x208x32xf32, #tpu.memory_space<vmem>> -> memref<1x208x32xf32, #tpu.memory_space<vmem>>
      %dma_wait3A_728 = tpu.memref_squeeze %dma_wait3A_727 : memref<1x208x32xf32, #tpu.memory_space<vmem>> -> memref<208x32xf32, #tpu.memory_space<vmem>>
      %dma_wait3A_729 = arith.constant 0 : i32
      %dma_wait3A_730 = arith.constant 0 : i32
      %dma_wait3A_731 = tpu.memref_slice %arg3[%dma_wait3A_729, %dma_wait3A_730] : memref<100000x32xf32, #tpu.memory_space<hbm>> -> memref<208x32xf32, #tpu.memory_space<hbm>>
      %dma_wait3A_732 = arith.constant 0 : i32
      %dma_wait3A_733 = arith.constant 0 : i32
      %dma_wait3A_734 = tpu.memref_slice %arg7[%dma_wait3A_724, %dma_wait3A_732, %dma_wait3A_733] : memref<1x208x32xf32, #tpu.memory_space<vmem>> -> memref<1x208x32xf32, #tpu.memory_space<vmem>>
      %dma_wait3A_735 = tpu.memref_squeeze %dma_wait3A_734 : memref<1x208x32xf32, #tpu.memory_space<vmem>> -> memref<208x32xf32, #tpu.memory_space<vmem>>
      %dma_wait3A_736 = arith.constant 0 : i32
      %dma_wait3A_737 = arith.constant 0 : i32
      %dma_wait3A_738 = tpu.memref_slice %arg3[%dma_wait3A_736, %dma_wait3A_737] : memref<100000x32xf32, #tpu.memory_space<hbm>> -> memref<208x32xf32, #tpu.memory_space<hbm>>
      tpu.wait_dma2 semaphore(%arg9 : memref<!tpu.dma_semaphore, #tpu.memory_space<semaphore_mem>>) src(%dma_wait3A_738 : memref<208x32xf32, #tpu.memory_space<hbm>>) dst(%dma_wait3A_735 : memref<208x32xf32, #tpu.memory_space<vmem>>)
      %dma_wait3A_739 = arith.constant 0 : i32
      %dma_wait3A_740 = arith.constant 0 : i32
      %dma_wait3A_741 = arith.constant 0 : i32
      %dma_wait3A_742 = tpu.memref_slice %arg7[%dma_wait3A_739, %dma_wait3A_740, %dma_wait3A_741] : memref<1x208x32xf32, #tpu.memory_space<vmem>> -> memref<1x208x32xf32, #tpu.memory_space<vmem>>
      %dma_wait3A_743 = tpu.memref_squeeze %dma_wait3A_742 : memref<1x208x32xf32, #tpu.memory_space<vmem>> -> memref<208x32xf32, #tpu.memory_space<vmem>>
      %dma_wait3A_744 = arith.constant 0 : i32
      %dma_wait3A_745 = arith.constant 0 : i32
      %dma_wait3A_746 = tpu.memref_slice %arg3[%dma_wait3A_744, %dma_wait3A_745] : memref<100000x32xf32, #tpu.memory_space<hbm>> -> memref<208x32xf32, #tpu.memory_space<hbm>>
      %dma_wait3A_747 = arith.constant 0 : i32
      %dma_wait3A_748 = arith.constant 0 : i32
      %dma_wait3A_749 = tpu.memref_slice %arg7[%dma_wait3A_739, %dma_wait3A_747, %dma_wait3A_748] : memref<1x208x32xf32, #tpu.memory_space<vmem>> -> memref<1x208x32xf32, #tpu.memory_space<vmem>>
      %dma_wait3A_750 = tpu.memref_squeeze %dma_wait3A_749 : memref<1x208x32xf32, #tpu.memory_space<vmem>> -> memref<208x32xf32, #tpu.memory_space<vmem>>
      %dma_wait3A_751 = arith.constant 0 : i32
      %dma_wait3A_752 = arith.constant 0 : i32
      %dma_wait3A_753 = tpu.memref_slice %arg3[%dma_wait3A_751, %dma_wait3A_752] : memref<100000x32xf32, #tpu.memory_space<hbm>> -> memref<208x32xf32, #tpu.memory_space<hbm>>
      tpu.wait_dma2 semaphore(%arg9 : memref<!tpu.dma_semaphore, #tpu.memory_space<semaphore_mem>>) src(%dma_wait3A_753 : memref<208x32xf32, #tpu.memory_space<hbm>>) dst(%dma_wait3A_750 : memref<208x32xf32, #tpu.memory_space<vmem>>)
      %dma_wait3A_754 = arith.constant 0 : i32
      %dma_wait3A_755 = arith.constant 0 : i32
      %dma_wait3A_756 = arith.constant 0 : i32
      %dma_wait3A_757 = tpu.memref_slice %arg7[%dma_wait3A_754, %dma_wait3A_755, %dma_wait3A_756] : memref<1x208x32xf32, #tpu.memory_space<vmem>> -> memref<1x208x32xf32, #tpu.memory_space<vmem>>
      %dma_wait3A_758 = tpu.memref_squeeze %dma_wait3A_757 : memref<1x208x32xf32, #tpu.memory_space<vmem>> -> memref<208x32xf32, #tpu.memory_space<vmem>>
      %dma_wait3A_759 = arith.constant 0 : i32
      %dma_wait3A_760 = arith.constant 0 : i32
      %dma_wait3A_761 = tpu.memref_slice %arg3[%dma_wait3A_759, %dma_wait3A_760] : memref<100000x32xf32, #tpu.memory_space<hbm>> -> memref<208x32xf32, #tpu.memory_space<hbm>>
      %dma_wait3A_762 = arith.constant 0 : i32
      %dma_wait3A_763 = arith.constant 0 : i32
      %dma_wait3A_764 = tpu.memref_slice %arg7[%dma_wait3A_754, %dma_wait3A_762, %dma_wait3A_763] : memref<1x208x32xf32, #tpu.memory_space<vmem>> -> memref<1x208x32xf32, #tpu.memory_space<vmem>>
      %dma_wait3A_765 = tpu.memref_squeeze %dma_wait3A_764 : memref<1x208x32xf32, #tpu.memory_space<vmem>> -> memref<208x32xf32, #tpu.memory_space<vmem>>
      %dma_wait3A_766 = arith.constant 0 : i32
      %dma_wait3A_767 = arith.constant 0 : i32
      %dma_wait3A_768 = tpu.memref_slice %arg3[%dma_wait3A_766, %dma_wait3A_767] : memref<100000x32xf32, #tpu.memory_space<hbm>> -> memref<208x32xf32, #tpu.memory_space<hbm>>
      tpu.wait_dma2 semaphore(%arg9 : memref<!tpu.dma_semaphore, #tpu.memory_space<semaphore_mem>>) src(%dma_wait3A_768 : memref<208x32xf32, #tpu.memory_space<hbm>>) dst(%dma_wait3A_765 : memref<208x32xf32, #tpu.memory_space<vmem>>)
      %dma_wait3A_769 = arith.constant 0 : i32
      %dma_wait3A_770 = arith.constant 0 : i32
      %dma_wait3A_771 = arith.constant 0 : i32
      %dma_wait3A_772 = tpu.memref_slice %arg7[%dma_wait3A_769, %dma_wait3A_770, %dma_wait3A_771] : memref<1x208x32xf32, #tpu.memory_space<vmem>> -> memref<1x208x32xf32, #tpu.memory_space<vmem>>
      %dma_wait3A_773 = tpu.memref_squeeze %dma_wait3A_772 : memref<1x208x32xf32, #tpu.memory_space<vmem>> -> memref<208x32xf32, #tpu.memory_space<vmem>>
      %dma_wait3A_774 = arith.constant 0 : i32
      %dma_wait3A_775 = arith.constant 0 : i32
      %dma_wait3A_776 = tpu.memref_slice %arg3[%dma_wait3A_774, %dma_wait3A_775] : memref<100000x32xf32, #tpu.memory_space<hbm>> -> memref<208x32xf32, #tpu.memory_space<hbm>>
      %dma_wait3A_777 = arith.constant 0 : i32
      %dma_wait3A_778 = arith.constant 0 : i32
      %dma_wait3A_779 = tpu.memref_slice %arg7[%dma_wait3A_769, %dma_wait3A_777, %dma_wait3A_778] : memref<1x208x32xf32, #tpu.memory_space<vmem>> -> memref<1x208x32xf32, #tpu.memory_space<vmem>>
      %dma_wait3A_780 = tpu.memref_squeeze %dma_wait3A_779 : memref<1x208x32xf32, #tpu.memory_space<vmem>> -> memref<208x32xf32, #tpu.memory_space<vmem>>
      %dma_wait3A_781 = arith.constant 0 : i32
      %dma_wait3A_782 = arith.constant 0 : i32
      %dma_wait3A_783 = tpu.memref_slice %arg3[%dma_wait3A_781, %dma_wait3A_782] : memref<100000x32xf32, #tpu.memory_space<hbm>> -> memref<208x32xf32, #tpu.memory_space<hbm>>
      tpu.wait_dma2 semaphore(%arg9 : memref<!tpu.dma_semaphore, #tpu.memory_space<semaphore_mem>>) src(%dma_wait3A_783 : memref<208x32xf32, #tpu.memory_space<hbm>>) dst(%dma_wait3A_780 : memref<208x32xf32, #tpu.memory_space<vmem>>)
      %dma_wait3A_784 = arith.constant 0 : i32
      %dma_wait3A_785 = arith.constant 0 : i32
      %dma_wait3A_786 = arith.constant 0 : i32
      %dma_wait3A_787 = tpu.memref_slice %arg7[%dma_wait3A_784, %dma_wait3A_785, %dma_wait3A_786] : memref<1x208x32xf32, #tpu.memory_space<vmem>> -> memref<1x208x32xf32, #tpu.memory_space<vmem>>
      %dma_wait3A_788 = tpu.memref_squeeze %dma_wait3A_787 : memref<1x208x32xf32, #tpu.memory_space<vmem>> -> memref<208x32xf32, #tpu.memory_space<vmem>>
      %dma_wait3A_789 = arith.constant 0 : i32
      %dma_wait3A_790 = arith.constant 0 : i32
      %dma_wait3A_791 = tpu.memref_slice %arg3[%dma_wait3A_789, %dma_wait3A_790] : memref<100000x32xf32, #tpu.memory_space<hbm>> -> memref<208x32xf32, #tpu.memory_space<hbm>>
      %dma_wait3A_792 = arith.constant 0 : i32
      %dma_wait3A_793 = arith.constant 0 : i32
      %dma_wait3A_794 = tpu.memref_slice %arg7[%dma_wait3A_784, %dma_wait3A_792, %dma_wait3A_793] : memref<1x208x32xf32, #tpu.memory_space<vmem>> -> memref<1x208x32xf32, #tpu.memory_space<vmem>>
      %dma_wait3A_795 = tpu.memref_squeeze %dma_wait3A_794 : memref<1x208x32xf32, #tpu.memory_space<vmem>> -> memref<208x32xf32, #tpu.memory_space<vmem>>
      %dma_wait3A_796 = arith.constant 0 : i32
      %dma_wait3A_797 = arith.constant 0 : i32
      %dma_wait3A_798 = tpu.memref_slice %arg3[%dma_wait3A_796, %dma_wait3A_797] : memref<100000x32xf32, #tpu.memory_space<hbm>> -> memref<208x32xf32, #tpu.memory_space<hbm>>
      tpu.wait_dma2 semaphore(%arg9 : memref<!tpu.dma_semaphore, #tpu.memory_space<semaphore_mem>>) src(%dma_wait3A_798 : memref<208x32xf32, #tpu.memory_space<hbm>>) dst(%dma_wait3A_795 : memref<208x32xf32, #tpu.memory_space<vmem>>)
      %dma_wait3A_799 = arith.constant 0 : i32
      %dma_wait3A_800 = arith.constant 0 : i32
      %dma_wait3A_801 = arith.constant 0 : i32
      %dma_wait3A_802 = tpu.memref_slice %arg7[%dma_wait3A_799, %dma_wait3A_800, %dma_wait3A_801] : memref<1x208x32xf32, #tpu.memory_space<vmem>> -> memref<1x208x32xf32, #tpu.memory_space<vmem>>
      %dma_wait3A_803 = tpu.memref_squeeze %dma_wait3A_802 : memref<1x208x32xf32, #tpu.memory_space<vmem>> -> memref<208x32xf32, #tpu.memory_space<vmem>>
      %dma_wait3A_804 = arith.constant 0 : i32
      %dma_wait3A_805 = arith.constant 0 : i32
      %dma_wait3A_806 = tpu.memref_slice %arg3[%dma_wait3A_804, %dma_wait3A_805] : memref<100000x32xf32, #tpu.memory_space<hbm>> -> memref<208x32xf32, #tpu.memory_space<hbm>>
      %dma_wait3A_807 = arith.constant 0 : i32
      %dma_wait3A_808 = arith.constant 0 : i32
      %dma_wait3A_809 = tpu.memref_slice %arg7[%dma_wait3A_799, %dma_wait3A_807, %dma_wait3A_808] : memref<1x208x32xf32, #tpu.memory_space<vmem>> -> memref<1x208x32xf32, #tpu.memory_space<vmem>>
      %dma_wait3A_810 = tpu.memref_squeeze %dma_wait3A_809 : memref<1x208x32xf32, #tpu.memory_space<vmem>> -> memref<208x32xf32, #tpu.memory_space<vmem>>
      %dma_wait3A_811 = arith.constant 0 : i32
      %dma_wait3A_812 = arith.constant 0 : i32
      %dma_wait3A_813 = tpu.memref_slice %arg3[%dma_wait3A_811, %dma_wait3A_812] : memref<100000x32xf32, #tpu.memory_space<hbm>> -> memref<208x32xf32, #tpu.memory_space<hbm>>
      tpu.wait_dma2 semaphore(%arg9 : memref<!tpu.dma_semaphore, #tpu.memory_space<semaphore_mem>>) src(%dma_wait3A_813 : memref<208x32xf32, #tpu.memory_space<hbm>>) dst(%dma_wait3A_810 : memref<208x32xf32, #tpu.memory_space<vmem>>)
      %dma_wait3A_814 = arith.constant 0 : i32
      %dma_wait3A_815 = arith.constant 0 : i32
      %dma_wait3A_816 = arith.constant 0 : i32
      %dma_wait3A_817 = tpu.memref_slice %arg7[%dma_wait3A_814, %dma_wait3A_815, %dma_wait3A_816] : memref<1x208x32xf32, #tpu.memory_space<vmem>> -> memref<1x208x32xf32, #tpu.memory_space<vmem>>
      %dma_wait3A_818 = tpu.memref_squeeze %dma_wait3A_817 : memref<1x208x32xf32, #tpu.memory_space<vmem>> -> memref<208x32xf32, #tpu.memory_space<vmem>>
      %dma_wait3A_819 = arith.constant 0 : i32
      %dma_wait3A_820 = arith.constant 0 : i32
      %dma_wait3A_821 = tpu.memref_slice %arg3[%dma_wait3A_819, %dma_wait3A_820] : memref<100000x32xf32, #tpu.memory_space<hbm>> -> memref<208x32xf32, #tpu.memory_space<hbm>>
      %dma_wait3A_822 = arith.constant 0 : i32
      %dma_wait3A_823 = arith.constant 0 : i32
      %dma_wait3A_824 = tpu.memref_slice %arg7[%dma_wait3A_814, %dma_wait3A_822, %dma_wait3A_823] : memref<1x208x32xf32, #tpu.memory_space<vmem>> -> memref<1x208x32xf32, #tpu.memory_space<vmem>>
      %dma_wait3A_825 = tpu.memref_squeeze %dma_wait3A_824 : memref<1x208x32xf32, #tpu.memory_space<vmem>> -> memref<208x32xf32, #tpu.memory_space<vmem>>
      %dma_wait3A_826 = arith.constant 0 : i32
      %dma_wait3A_827 = arith.constant 0 : i32
      %dma_wait3A_828 = tpu.memref_slice %arg3[%dma_wait3A_826, %dma_wait3A_827] : memref<100000x32xf32, #tpu.memory_space<hbm>> -> memref<208x32xf32, #tpu.memory_space<hbm>>
      tpu.wait_dma2 semaphore(%arg9 : memref<!tpu.dma_semaphore, #tpu.memory_space<semaphore_mem>>) src(%dma_wait3A_828 : memref<208x32xf32, #tpu.memory_space<hbm>>) dst(%dma_wait3A_825 : memref<208x32xf32, #tpu.memory_space<vmem>>)
      %dma_wait3A_829 = arith.constant 0 : i32
      %dma_wait3A_830 = arith.constant 0 : i32
      %dma_wait3A_831 = arith.constant 0 : i32
      %dma_wait3A_832 = tpu.memref_slice %arg7[%dma_wait3A_829, %dma_wait3A_830, %dma_wait3A_831] : memref<1x208x32xf32, #tpu.memory_space<vmem>> -> memref<1x208x32xf32, #tpu.memory_space<vmem>>
      %dma_wait3A_833 = tpu.memref_squeeze %dma_wait3A_832 : memref<1x208x32xf32, #tpu.memory_space<vmem>> -> memref<208x32xf32, #tpu.memory_space<vmem>>
      %dma_wait3A_834 = arith.constant 0 : i32
      %dma_wait3A_835 = arith.constant 0 : i32
      %dma_wait3A_836 = tpu.memref_slice %arg3[%dma_wait3A_834, %dma_wait3A_835] : memref<100000x32xf32, #tpu.memory_space<hbm>> -> memref<208x32xf32, #tpu.memory_space<hbm>>
      %dma_wait3A_837 = arith.constant 0 : i32
      %dma_wait3A_838 = arith.constant 0 : i32
      %dma_wait3A_839 = tpu.memref_slice %arg7[%dma_wait3A_829, %dma_wait3A_837, %dma_wait3A_838] : memref<1x208x32xf32, #tpu.memory_space<vmem>> -> memref<1x208x32xf32, #tpu.memory_space<vmem>>
      %dma_wait3A_840 = tpu.memref_squeeze %dma_wait3A_839 : memref<1x208x32xf32, #tpu.memory_space<vmem>> -> memref<208x32xf32, #tpu.memory_space<vmem>>
      %dma_wait3A_841 = arith.constant 0 : i32
      %dma_wait3A_842 = arith.constant 0 : i32
      %dma_wait3A_843 = tpu.memref_slice %arg3[%dma_wait3A_841, %dma_wait3A_842] : memref<100000x32xf32, #tpu.memory_space<hbm>> -> memref<208x32xf32, #tpu.memory_space<hbm>>
      tpu.wait_dma2 semaphore(%arg9 : memref<!tpu.dma_semaphore, #tpu.memory_space<semaphore_mem>>) src(%dma_wait3A_843 : memref<208x32xf32, #tpu.memory_space<hbm>>) dst(%dma_wait3A_840 : memref<208x32xf32, #tpu.memory_space<vmem>>)
      %dma_wait3A_844 = arith.constant 0 : i32
      %dma_wait3A_845 = arith.constant 0 : i32
      %dma_wait3A_846 = arith.constant 0 : i32
      %dma_wait3A_847 = tpu.memref_slice %arg7[%dma_wait3A_844, %dma_wait3A_845, %dma_wait3A_846] : memref<1x208x32xf32, #tpu.memory_space<vmem>> -> memref<1x208x32xf32, #tpu.memory_space<vmem>>
      %dma_wait3A_848 = tpu.memref_squeeze %dma_wait3A_847 : memref<1x208x32xf32, #tpu.memory_space<vmem>> -> memref<208x32xf32, #tpu.memory_space<vmem>>
      %dma_wait3A_849 = arith.constant 0 : i32
      %dma_wait3A_850 = arith.constant 0 : i32
      %dma_wait3A_851 = tpu.memref_slice %arg3[%dma_wait3A_849, %dma_wait3A_850] : memref<100000x32xf32, #tpu.memory_space<hbm>> -> memref<208x32xf32, #tpu.memory_space<hbm>>
      %dma_wait3A_852 = arith.constant 0 : i32
      %dma_wait3A_853 = arith.constant 0 : i32
      %dma_wait3A_854 = tpu.memref_slice %arg7[%dma_wait3A_844, %dma_wait3A_852, %dma_wait3A_853] : memref<1x208x32xf32, #tpu.memory_space<vmem>> -> memref<1x208x32xf32, #tpu.memory_space<vmem>>
      %dma_wait3A_855 = tpu.memref_squeeze %dma_wait3A_854 : memref<1x208x32xf32, #tpu.memory_space<vmem>> -> memref<208x32xf32, #tpu.memory_space<vmem>>
      %dma_wait3A_856 = arith.constant 0 : i32
      %dma_wait3A_857 = arith.constant 0 : i32
      %dma_wait3A_858 = tpu.memref_slice %arg3[%dma_wait3A_856, %dma_wait3A_857] : memref<100000x32xf32, #tpu.memory_space<hbm>> -> memref<208x32xf32, #tpu.memory_space<hbm>>
      tpu.wait_dma2 semaphore(%arg9 : memref<!tpu.dma_semaphore, #tpu.memory_space<semaphore_mem>>) src(%dma_wait3A_858 : memref<208x32xf32, #tpu.memory_space<hbm>>) dst(%dma_wait3A_855 : memref<208x32xf32, #tpu.memory_space<vmem>>)
      %dma_wait3A_859 = arith.constant 0 : i32
      %dma_wait3A_860 = arith.constant 0 : i32
      %dma_wait3A_861 = arith.constant 0 : i32
      %dma_wait3A_862 = tpu.memref_slice %arg7[%dma_wait3A_859, %dma_wait3A_860, %dma_wait3A_861] : memref<1x208x32xf32, #tpu.memory_space<vmem>> -> memref<1x208x32xf32, #tpu.memory_space<vmem>>
      %dma_wait3A_863 = tpu.memref_squeeze %dma_wait3A_862 : memref<1x208x32xf32, #tpu.memory_space<vmem>> -> memref<208x32xf32, #tpu.memory_space<vmem>>
      %dma_wait3A_864 = arith.constant 0 : i32
      %dma_wait3A_865 = arith.constant 0 : i32
      %dma_wait3A_866 = tpu.memref_slice %arg3[%dma_wait3A_864, %dma_wait3A_865] : memref<100000x32xf32, #tpu.memory_space<hbm>> -> memref<208x32xf32, #tpu.memory_space<hbm>>
      %dma_wait3A_867 = arith.constant 0 : i32
      %dma_wait3A_868 = arith.constant 0 : i32
      %dma_wait3A_869 = tpu.memref_slice %arg7[%dma_wait3A_859, %dma_wait3A_867, %dma_wait3A_868] : memref<1x208x32xf32, #tpu.memory_space<vmem>> -> memref<1x208x32xf32, #tpu.memory_space<vmem>>
      %dma_wait3A_870 = tpu.memref_squeeze %dma_wait3A_869 : memref<1x208x32xf32, #tpu.memory_space<vmem>> -> memref<208x32xf32, #tpu.memory_space<vmem>>
      %dma_wait3A_871 = arith.constant 0 : i32
      %dma_wait3A_872 = arith.constant 0 : i32
      %dma_wait3A_873 = tpu.memref_slice %arg3[%dma_wait3A_871, %dma_wait3A_872] : memref<100000x32xf32, #tpu.memory_space<hbm>> -> memref<208x32xf32, #tpu.memory_space<hbm>>
      tpu.wait_dma2 semaphore(%arg9 : memref<!tpu.dma_semaphore, #tpu.memory_space<semaphore_mem>>) src(%dma_wait3A_873 : memref<208x32xf32, #tpu.memory_space<hbm>>) dst(%dma_wait3A_870 : memref<208x32xf32, #tpu.memory_space<vmem>>)
      %dma_wait3A_874 = arith.constant 0 : i32
      %dma_wait3A_875 = arith.constant 0 : i32
      %dma_wait3A_876 = arith.constant 0 : i32
      %dma_wait3A_877 = tpu.memref_slice %arg7[%dma_wait3A_874, %dma_wait3A_875, %dma_wait3A_876] : memref<1x208x32xf32, #tpu.memory_space<vmem>> -> memref<1x208x32xf32, #tpu.memory_space<vmem>>
      %dma_wait3A_878 = tpu.memref_squeeze %dma_wait3A_877 : memref<1x208x32xf32, #tpu.memory_space<vmem>> -> memref<208x32xf32, #tpu.memory_space<vmem>>
      %dma_wait3A_879 = arith.constant 0 : i32
      %dma_wait3A_880 = arith.constant 0 : i32
      %dma_wait3A_881 = tpu.memref_slice %arg3[%dma_wait3A_879, %dma_wait3A_880] : memref<100000x32xf32, #tpu.memory_space<hbm>> -> memref<208x32xf32, #tpu.memory_space<hbm>>
      %dma_wait3A_882 = arith.constant 0 : i32
      %dma_wait3A_883 = arith.constant 0 : i32
      %dma_wait3A_884 = tpu.memref_slice %arg7[%dma_wait3A_874, %dma_wait3A_882, %dma_wait3A_883] : memref<1x208x32xf32, #tpu.memory_space<vmem>> -> memref<1x208x32xf32, #tpu.memory_space<vmem>>
      %dma_wait3A_885 = tpu.memref_squeeze %dma_wait3A_884 : memref<1x208x32xf32, #tpu.memory_space<vmem>> -> memref<208x32xf32, #tpu.memory_space<vmem>>
      %dma_wait3A_886 = arith.constant 0 : i32
      %dma_wait3A_887 = arith.constant 0 : i32
      %dma_wait3A_888 = tpu.memref_slice %arg3[%dma_wait3A_886, %dma_wait3A_887] : memref<100000x32xf32, #tpu.memory_space<hbm>> -> memref<208x32xf32, #tpu.memory_space<hbm>>
      tpu.wait_dma2 semaphore(%arg9 : memref<!tpu.dma_semaphore, #tpu.memory_space<semaphore_mem>>) src(%dma_wait3A_888 : memref<208x32xf32, #tpu.memory_space<hbm>>) dst(%dma_wait3A_885 : memref<208x32xf32, #tpu.memory_space<vmem>>)
      %add3A_889 = arith.addi %mul3A_2, %add3A_581 : i32
      %dma_start3A_890 = arith.constant 0 : i32
      %dma_start3A_891 = arith.constant 0 : i32
      %dma_start3A_892 = tpu.memref_slice %arg4[%add3A_889, %dma_start3A_890, %dma_start3A_891] : memref<512x208x32xf32, #tpu.memory_space<hbm>> -> memref<1x208x32xf32, #tpu.memory_space<hbm>>
      %dma_start3A_893 = arith.constant 0 : i32
      %dma_start3A_894 = arith.constant 0 : i32
      %dma_start3A_895 = tpu.memref_slice %arg4[%add3A_889, %dma_start3A_893, %dma_start3A_894] : memref<512x208x32xf32, #tpu.memory_space<hbm>> -> memref<1x208x32xf32, #tpu.memory_space<hbm>>
      tpu.enqueue_dma source(%arg7 : memref<1x208x32xf32, #tpu.memory_space<vmem>>) target(%dma_start3A_895 : memref<1x208x32xf32, #tpu.memory_space<hbm>>) target_semaphore(%arg11 : memref<!tpu.dma_semaphore, #tpu.memory_space<semaphore_mem>>)
    }
    %scan3A_250 = arith.constant 8 : i32
    %dma_wait3A = arith.constant 0 : i32
    %dma_wait3A_251 = arith.constant 0 : i32
    %dma_wait3A_252 = tpu.memref_slice %arg4[%mul3A_2, %dma_wait3A, %dma_wait3A_251] : memref<512x208x32xf32, #tpu.memory_space<hbm>> -> memref<1x208x32xf32, #tpu.memory_space<hbm>>
    %dma_wait3A_253 = arith.constant 0 : i32
    %dma_wait3A_254 = arith.constant 0 : i32
    %dma_wait3A_255 = tpu.memref_slice %arg4[%mul3A_2, %dma_wait3A_253, %dma_wait3A_254] : memref<512x208x32xf32, #tpu.memory_space<hbm>> -> memref<1x208x32xf32, #tpu.memory_space<hbm>>
    tpu.wait_dma2 semaphore(%arg10 : memref<!tpu.dma_semaphore, #tpu.memory_space<semaphore_mem>>) src(%arg6 : memref<1x208x32xf32, #tpu.memory_space<vmem>>) dst(%dma_wait3A_255 : memref<1x208x32xf32, #tpu.memory_space<hbm>>)
    %dma_wait3A_256 = arith.constant 0 : i32
    %dma_wait3A_257 = arith.constant 0 : i32
    %dma_wait3A_258 = tpu.memref_slice %arg4[%mul3A_2, %dma_wait3A_256, %dma_wait3A_257] : memref<512x208x32xf32, #tpu.memory_space<hbm>> -> memref<1x208x32xf32, #tpu.memory_space<hbm>>
    %dma_wait3A_259 = arith.constant 0 : i32
    %dma_wait3A_260 = arith.constant 0 : i32
    %dma_wait3A_261 = tpu.memref_slice %arg4[%mul3A_2, %dma_wait3A_259, %dma_wait3A_260] : memref<512x208x32xf32, #tpu.memory_space<hbm>> -> memref<1x208x32xf32, #tpu.memory_space<hbm>>
    tpu.wait_dma2 semaphore(%arg11 : memref<!tpu.dma_semaphore, #tpu.memory_space<semaphore_mem>>) src(%arg7 : memref<1x208x32xf32, #tpu.memory_space<vmem>>) dst(%dma_wait3A_261 : memref<1x208x32xf32, #tpu.memory_space<hbm>>)
    return
  }
}

</mosaic_0001>

<sc_bundles>
// kernel: kernel.3.cloned.1.call-start
scs
__scs_entry_jumppad:
0x0: {  	(pc) =	sbr.rel $0x88, $3  }
0x1: {  	(tag) =	ssettag $0x0;
	lr =	simm.s32 $0x1  }
0x2: {  	[smem:$0x3F9F] =	sst lr;
	_ =	strace $0xD0000000  }
0x3: {  	_ = 	snop  }
0x4: {  	_ = 	snop  }
0x5: {  	_ = 	snop  }
0x6: {  	_ = 	snop  }
0x7: {  	_ = 	snop  }
__scs_overlays_trampoline_lowered:
0x8: {  	[smem:$0x3FAE] =	sst s0  }
0x9: {  	[smem:$0x3FAF] =	sst s1  }
0xa: {  	[smem:$0x3FB0] =	sst s2  }
0xb: {  	[smem:$0x3FB1] =	sst s3  }
0xc: {  	[smem:$0x3FB2] =	sst s4  }
0xd: {  	[smem:$0x3FB3] =	sst s5  }
0xe: {  	[smem:$0x3FB4] =	sst s6  }
0xf: {  	[smem:$0x3FB5] =	sst s7  }
0x10: {  	[smem:$0x3FB6] =	sst s8  }
0x11: {  	[smem:$0x3FB7] =	sst s9;
	s0 =	simm.s32 @!p0 $0x0  }
0x12: {  	s1 =	sld [smem:$0x3F9D];
	s0 =	simm.s32 @p0 $0x1  }
0x13: {  	[smem:$0x3FB8] =	sst s0;
	s0 =	simm.s32 @!p1 $0x0  }
0x14: {  	s2 =	sld [smem:$0x3F9C];
	s0 =	simm.s32 @p1 $0x1  }
0x15: {  	[smem:$0x3FB9] =	sst s0;
	s0 =	simm.s32 @!p2 $0x0  }
0x16: {  	s3 =	sld [smem:$0x3FDB];
	s0 =	simm.s32 @p2 $0x1  }
0x17: {  	s4 =	simm.s32 $0x1BF5;
	[smem:$0x3FBB] =	sst s0  }
0x18: {  	s0 =	sld [smem:$0x3F9E];
	_ =	swait.ge [sflag:s4], $0x0  }
0x19: {  	s7 =	sld [smem:$0x3F9F]  }
0x1a: {  	s8 =	sadd.s32 $0xFFFFE003, lr  }
0x1b: {  	s9 =	sadd.s32 $0xFFFFFEF7, lr;
	s5 =	simm.s32 $0xFFFFFFFF;
	p2 =	slt.u32 s8, $0xFFFFF086  }
0x1c: {  	p1 =	slt.u32 s9, $0xF7A;
	s5 =	simm.s32 @!p2 $0x0  }
0x1d: {  	s5 =	simm.s32 @p1 $0x1;
	p0 =	seq.s32 s7, s2  }
0x1e: {  	s7 =	smul.u32 @!p0 $0xF7A, s2;
	p2 =	seq.s32 @!p0 s5, $0x0  }
0x1f: {  	s9 =	smul.u32 $0xF7A, s1;
	s8 =	simm.s32 @!p0 $0x1BF5;
	p2 =	por !p2, p0  }
0x20: {  	[sflag:s8] =	ssyncset.s32 @!p0 $0xFFFFF086;
	s6 =	sadd.s32 @!p0 s3, s7;
	s7 =	simm.s32 @!p0 $0x108  }
0x21: {  	s3 =	sadd.s32 s3, s9;
	s6 =	sadd.s32 @!p0 $0x88, s6;
	s7 =	simm.s32 @p2 $0x1082  }
0x22: {  	[simem:s7], [sflag:s8] =	dma.local @!p0 [hbm:s6], $0xF7A  }
0x23: {  	s9 =	sor.u32 $0xD0000000, s2;
	s6 =	simm.s32 $0x108;
	_ =	swait.ge @!p0 [sflag:s8], $0x0  }
0x24: {  	s3 =	sadd.s32 $0x88, s3;
	s6 =	simm.s32 @!p1 $0x1082;
	[sflag:s4] =	ssyncset.s32 $0xFFFFF086  }
0x25: {  	[simem:s6], [sflag:s4] =	dma.local [hbm:s3], $0xF7A  }
0x26: {  	[smem:$0x3F9F] =	sst s1;
	(tag) =	ssettag s2;
	_ =	strace s9  }
0x27: {  	s1 =	sld [smem:$0x3FAF]  }
0x28: {  	s2 =	sld [smem:$0x3FB0]  }
0x29: {  	s4 =	sld [smem:$0x3FB2]  }
0x2a: {  	p0 =	seq.s32 s5, $0x0;
	s5 =	sld [smem:$0x3FB3]  }
0x2b: {  	s6 =	sld [smem:$0x3FB4]  }
0x2c: {  	s7 =	sld [smem:$0x3FB5]  }
0x2d: {  	s3 =	simm.s32 $0x108;
	s8 =	sld [smem:$0x3FB6]  }
0x2e: {  	s3 =	simm.s32 @!p0 $0x1082;
	s9 =	sld [smem:$0x3FB7]  }
0x2f: {  	lr =	sadd.s32 s0, s3;
	s0 =	sld [smem:$0x3FAE]  }
0x30: {  	s3 =	sld [smem:$0x3FB1]  }
0x31: {  	[smem:$0x3FBA] =	sst s10  }
0x32: {  	s10 =	sld [smem:$0x3FB8];
	_ =	sdelay $0x3  }
0x33: {  	p0 =	seq.s32 s10, $0x1;
	s10 =	sld [smem:$0x3FBA];
	_ =	sdelay $0x3  }
0x34: {  	[smem:$0x3FBA] =	sst s10  }
0x35: {  	s10 =	sld [smem:$0x3FB9];
	_ =	sdelay $0x3  }
0x36: {  	p1 =	seq.s32 s10, $0x1;
	s10 =	sld [smem:$0x3FBA];
	_ =	sdelay $0x3  }
0x37: {  	[smem:$0x3FBA] =	sst s10  }
0x38: {  	s10 =	sld [smem:$0x3FBB]  }
0x39: {  	_ = 	snop;
	(pc) =	sbr.ind lr, $3  }
0x3a: {  	_ = 	snop  }
0x3b: {  	_ = 	snop  }
0x3c: {  	p2 =	seq.s32 s10, $0x1;
	s10 =	sld [smem:$0x3FBA]  }
0x3d: {  	_ =	shalt  }
0x3e: {  	_ =	shalt  }
0x3f: {  	_ =	shalt  }
0x40: {  	_ =	shalt  }
0x41: {  	_ =	shalt  }
0x42: {  	_ =	shalt  }
0x43: {  	_ =	shalt  }
0x44: {  	_ =	shalt  }
0x45: {  	_ =	shalt  }
0x46: {  	_ =	shalt  }
0x47: {  	_ =	shalt  }
0x48: {  	_ =	shalt  }
0x49: {  	_ =	shalt  }
0x4a: {  	_ =	shalt  }
0x4b: {  	_ =	shalt  }
0x4c: {  	_ =	shalt  }
0x4d: {  	_ =	shalt  }
0x4e: {  	_ =	shalt  }
0x4f: {  	_ =	shalt  }
0x50: {  	_ =	shalt  }
0x51: {  	_ =	shalt  }
0x52: {  	_ =	shalt  }
0x53: {  	_ =	shalt  }
0x54: {  	_ =	shalt  }
0x55: {  	_ =	shalt  }
0x56: {  	_ =	shalt  }
0x57: {  	_ =	shalt  }
0x58: {  	_ =	shalt  }
0x59: {  	_ =	shalt  }
0x5a: {  	_ =	shalt  }
0x5b: {  	_ =	shalt  }
0x5c: {  	_ =	shalt  }
0x5d: {  	_ =	shalt  }
0x5e: {  	_ =	shalt  }
0x5f: {  	_ =	shalt  }
0x60: {  	_ =	shalt  }
0x61: {  	_ =	shalt  }
0x62: {  	_ =	shalt  }
0x63: {  	_ =	shalt  }
0x64: {  	_ =	shalt  }
0x65: {  	_ =	shalt  }
0x66: {  	_ =	shalt  }
0x67: {  	_ =	shalt  }
0x68: {  	_ =	shalt  }
0x69: {  	_ =	shalt  }
0x6a: {  	_ =	shalt  }
0x6b: {  	_ =	shalt  }
0x6c: {  	_ =	shalt  }
0x6d: {  	_ =	shalt  }
0x6e: {  	_ =	shalt  }
0x6f: {  	_ =	shalt  }
0x70: {  	_ =	shalt  }
0x71: {  	_ =	shalt  }
0x72: {  	_ =	shalt  }
0x73: {  	_ =	shalt  }
0x74: {  	_ =	shalt  }
0x75: {  	_ =	shalt  }
0x76: {  	_ =	shalt  }
0x77: {  	_ =	shalt  }
0x78: {  	_ =	shalt  }
0x79: {  	_ =	shalt  }
0x7a: {  	_ =	shalt  }
0x7b: {  	_ =	shalt  }
0x7c: {  	_ =	shalt  }
0x7d: {  	_ =	shalt  }
0x7e: {  	_ =	shalt  }
0x7f: {  	_ =	shalt  }
0x80: {  	_ =	shalt  }
0x81: {  	_ =	shalt  }
0x82: {  	_ =	shalt  }
0x83: {  	_ =	shalt  }
0x84: {  	_ =	shalt  }
0x85: {  	_ =	shalt  }
0x86: {  	_ =	shalt  }
0x87: {  	_ =	shalt  }
.Lfunc_end0:
.L_simem_size_0:
called_computation_lowered:
.L_overlay_start_0:
0x88: {  	s2 =	sld [smem:$0x3FD9]  }
0x89: {  	s3 =	sld [smem:$0x3FFE];
	_ =	sdelay $0x1  }
0x8a: {  	s1 =	srdreg.scid  }
0x8b: {  	s0 =	sand.u32 $0x1, s1  }
0x8c: {  	s17 =	sshll.u32 s0, $0xA;
	s2 =	sadd.s32 s3, s2  }
0x8d: {  	s2 =	sadd.s32 s2, s17  }
0x8e: {  	[smem:$0x3FC6] =	sst s2  }
0x8f: {  	_ = 	snop  }
0x90: {  	s2 =	sld [smem:$0x3FD0];
	(tm) =	ssettm $0x1  }
0x91: {  	s18 =	sld [smem:$0x3FFB];
	_ =	sdelay $0x3  }
0x92: {  	_ =	strace s18  }
0x93: {  	s3 =	sld [smem:$0x3FFC];
	_ =	sdelay $0x3  }
0x94: {  	_ =	strace s3  }
0x95: {  	s3 =	sld [smem:$0x3FFD];
	_ =	sdelay $0x3  }
0x96: {  	_ =	strace s3  }
0x97: {  	_ =	strace $0x8FFFFFFF  }
0x98: {  	s19 =	sld [smem:$0x3FDB];
	_ =	sdelay $0x1  }
0x99: {  	s4 =	simm.s32 $_scs_section_size  }
0x9a: {  	s5 =	simm.s32 $_size__tile_overlayer_lowered;
	s6 =	simm.s32 $_tile_overlayer_lowered  }
0x9b: {  	s22 =	simm.s32 $0x1BFF;
	s21 =	sshll.u32 s6, $0x1;
	s3 =	sadd.s32 s4, s19  }
0x9c: {  	s7 =	simm.s32 $0x0;
	s20 =	sshll.u32 s5, $0x1;
	s5 =	sadd.s32 s21, s3  }
0x9d: {  	[timem:s7], [sflag:s22] =	dma.local [hbm:s5], s20  }
0x9e: {  	_ =	swait.ge [sflag:s22], s20  }
0x9f: {  	s4 =	ssub.s32 $0x0, s20;
	[sflag:s22] =	ssyncset.done $0x0  }
0xa0: {  	[sflag:s22] =	ssyncadd.s32 s4;
	_ =	sdelay $0x1  }
0xa1: {  	s23 =	simm.s32 $0x1B8B  }
0xa2: {  	_ =	swait.ge [sflag:s23], $0x1  }
0xa3: {  	[sflag:s23] =	ssyncset.done $0x0  }
0xa4: {  	s25 =	simm.s32 $0x1B8E;
	s24 =	sld [smem:$0x3FFE];
	[sflag:s23] =	ssyncadd.s32 $0xFFFFFFFF  }
0xa5: {  	s26 =	simm.s32 $execute0_lowered;
	[smem:$0x3FD2] =	sst s25  }
0xa6: {  	s5 =	sshll.u32 s26, $0x1;
	_ =	strace $0x80000046;
	[dreg:$0x1] =	wrdreg $0xFFFFFFFF  }
0xa7: {  	s28 =	simm.s32 $_size_execute0_lowered;
	s3 =	sadd.s32 s3, s5;
	[dreg:$0x0] =	wrdreg $0x0  }
0xa8: {  	s5 =	sshll.u32 s28, $0x1;
	[dreg:$0x2] =	wrdreg s3  }
0xa9: {  	[dreg:$0x3] =	wrdreg s5  }
0xaa: {  	[dreg:$0x4] =	wrdreg $0xC0  }
0xab: {  	_ =	task [dreg:s7], $0x5FFFF  }
0xac: {  	[dreg:$0x1] =	wrdreg $0xFFFFFFFF  }
0xad: {  	[dreg:$0x0] =	wrdreg $0x60  }
0xae: {  	[dreg:$0x2] =	wrdreg s24  }
0xaf: {  	[dreg:$0x3] =	wrdreg s2  }
0xb0: {  	[dreg:$0x4] =	wrdreg $0x9  }
0xb1: {  	_ =	task.clear_ibuf [dreg:s7], $0x5FFFF;
	_ =	strace $0x90000046  }
0xb2: {  	s29 =	simm.s32 $0x9;
	_ =	strace $0x80000048  }
0xb3: {  	_ =	swait.ge [sflag:s29], $0x1  }
0xb4: {  	[sflag:s29] =	ssyncadd.s32 $0xFFFFFFFF  }
0xb5: {  	_ =	strace $0x90000048  }
0xb6: {  	_ =	sfence  }
0xb7: {  	s30 =	sld [smem:$0x0];
	_ =	sdelay $0x2  }
0xb8: {  	s31 =	sshll.u32 s1, $0xD;
	s1 =	sshrl.u32 s1, $0x2  }
0xb9: {  	s3 =	sand.u32 $0x4000, s31;
	s1 =	sadd.s32 s1, s30  }
0xba: {  	s0 =	sor.u32 s3, s0;
	s1 =	sshll.u32 s1, $0x11  }
0xbb: {  	s0 =	sor.u32 s1, s0  }
0xbc: {  	s0 =	sadd.s32 $0x8F2B, s0  }
0xbd: {  	[sflag:s0] =	ssyncadd.remote.s32 $0x1  }
0xbe: {  	_ =	sfence.sel $0xFFFF  }
0xbf: {  	[dreg:$0x0] =	wrdreg $0xFFFFFFFF;
	(pc) =	sbr.abs _section_cstart, $3  }
0xc0: {  	[dreg:$0x1] =	wrdreg $0xFFFFFFFF  }
0xc1: {  	_ =	task.clear_ibuf [dreg:s7], $0x2FFFF;
	_ =	strace $0x9FFFFFFF  }
0xc2: {  	(tm) =	ssettm $0x7FFFFFFF  }
0xc3: {  	_ =	shalt  }
tec
execute0_lowered:
.L_overlay_start_1:
0x0: {  	(tag) =	ssettag $0x1  }
0x1: {  	s0 =	rddreg [dreg:$0x0];
	s1 =	srdreg.scid  }
0x2: {  	s3 =	stileid.u32;
	s2 =	rddreg [dreg:$0x1]  }
0x3: {  	s8 =	simm.s32 $0x5;
	s9 =	simm.s32 $0xD0;
	s10 =	simm.s32 $0x10400  }
0x4: {  	s18 =	simm.s32 $0x750;
	s19 =	simm.s32 $0x820;
	s20 =	simm.s32 $0x8F0  }
0x5: {  	s21 =	simm.s32 $0x9C0;
	s22 =	simm.s32 $0xA90;
	s23 =	simm.s32 $0xB60  }
0x6: {  	s24 =	simm.s32 $0xC30;
	s25 =	simm.s32 $0xD00;
	s28 =	simm.s32 $0xEA0  }
0x7: {  	s29 =	simm.s32 $0xF70;
	s30 =	simm.s32 $0x11E00;
	s31 =	simm.s32 $0x1  }
0x8: {  	s11 =	simm.s32 $0x4;
	s1 =	sand.u32 $0x1, s1;
	s4 =	sshll.u32 s3, $0x1  }
0x9: {  	s12 =	simm.s32 $0x0;
	s3 =	simm.s32 $0x0;
	s5 =	sor.u32 s1, s4  }
.Ltmp0:
0xa: {  	[smem:$0x7FF] =	sst s3;
	s1 =	ssub.s32 $0x2, s1;
	(pc) =	sbr.rel .LBB2_1-.Ltmp0, $4  }
0xb: {  	s4 =	smul.u32 $0x2080, s5;
	_ =	strace $0x80000047;
	s6 =	sshrl.u32 s1, $0x1  }
0xc: {  	s5 =	sshll.u32 s5, $0x4;
	s26 =	ssub.s32 s1, s6;
	s1 =	simm.s32 $0x2  }
0xd: {  	s7 =	sadd.s32 s4, s0;
	s4 =	sadd.s32 $0x1C8E00, s0;
	s0 =	simm.s32 $0x3  }
0xe: {  	v0 =	vimm.f32 $0.0e+00;
	s6 =	sadd.s32 $0x1400, s7;
	s7 =	smax.u32 s26, $0x1;
	s26 =	simm.s32 $0xDD0  }
.LBB2_11:
0xf: {  	s12 =	sadd.s32 $0x1, s12  }
0x10: {  	_ =	swait.ge [sflag:s0], $0x1A00;
	p0 =	sne.s32 s12, s7  }
.Ltmp1:
0x11: {  	[sflag:s0] =	ssyncset.done $0x0;
	(pc) =	sbr.rel @!p0 .LBB2_12-.Ltmp1, $4  }
0x12: {  	[sflag:s0] =	ssyncadd.s32 $0xFFFFE600  }
0x13: {  	_ =	swait.ge [sflag:s11], $0x1A00  }
0x14: {  	[sflag:s11] =	ssyncset.done $0x0  }
0x15: {  	[sflag:s11] =	ssyncadd.s32 $0xFFFFE600  }
.LBB2_1:
0x16: {  	[tilespmem:s3], [sflag:$0x5] =	stream.linear.gather [hbm4b:s6+s3], $0x10400, $0x38;
	[tilespmem:$0x13800] =	vst v63  }
0x17: {  	_ =	swait.ge [sflag:s8], $0x10400  }
0x18: {  	[sflag:s8] =	ssyncset.done $0x0  }
0x19: {  	s13 =	simm.s32 $0x104D0;
	[sflag:s8] =	ssyncadd.s32 $0xFFFEFC00  }
0x1a: {  	[tilespmem:s13+$0xFFFFFF30] =	vst v0  }
0x1b: {  	[tilespmem:s13+$0xC0] =	vst v0  }
0x1c: {  	[tilespmem:s13+$0xB0] =	vst v0  }
0x1d: {  	[tilespmem:s13+$0xA0] =	vst v0  }
0x1e: {  	[tilespmem:s13+$0x90] =	vst v0  }
0x1f: {  	[tilespmem:s13+$0x80] =	vst v0  }
0x20: {  	[tilespmem:s13+$0x70] =	vst v0  }
0x21: {  	[tilespmem:s13+$0x60] =	vst v0  }
0x22: {  	[tilespmem:s13+$0x50] =	vst v0  }
0x23: {  	[tilespmem:s13+$0x40] =	vst v0  }
0x24: {  	[tilespmem:s13+$0x30] =	vst v0  }
0x25: {  	[tilespmem:s13+$0x20] =	vst v0  }
0x26: {  	[tilespmem:s13+$0x10] =	vst v0  }
0x27: {  	[tilespmem:s13+$0x0] =	vst v0  }
0x28: {  	[tilespmem:s13+$0xFFFFFFF0] =	vst v0  }
0x29: {  	[tilespmem:s13+$0xFFFFFFE0] =	vst v0  }
0x2a: {  	[tilespmem:s13+$0xFFFFFFD0] =	vst v0  }
0x2b: {  	[tilespmem:s13+$0xFFFFFFC0] =	vst v0  }
0x2c: {  	[tilespmem:s13+$0xFFFFFFB0] =	vst v0  }
0x2d: {  	[tilespmem:s13+$0xFFFFFFA0] =	vst v0  }
0x2e: {  	[tilespmem:s13+$0xFFFFFF90] =	vst v0  }
0x2f: {  	[tilespmem:s13+$0xFFFFFF80] =	vst v0  }
0x30: {  	[tilespmem:s13+$0xFFFFFF70] =	vst v0  }
0x31: {  	[tilespmem:s13+$0xFFFFFF60] =	vst v0  }
0x32: {  	s14 =	simm.s32 $0x0;
	[tilespmem:s13+$0xFFFFFF50] =	vst v0  }
.LBB2_2:
0x33: {  	s14 =	sadd.s32 $0xD, s14;
	[tilespmem:s13+$0xFFFFFF40] =	vst v0;
	s13 =	sadd.s32 $0x1A0, s13  }
0x34: {  	[tilespmem:s13+$0xFFFFFF30] =	vst v0;
	p0 =	slt.u32 s14, $0xC3  }
0x35: {  	[tilespmem:s13+$0xC0] =	vst v0  }
0x36: {  	[tilespmem:s13+$0xB0] =	vst v0  }
0x37: {  	[tilespmem:s13+$0xA0] =	vst v0  }
0x38: {  	[tilespmem:s13+$0x90] =	vst v0  }
0x39: {  	[tilespmem:s13+$0x80] =	vst v0  }
0x3a: {  	[tilespmem:s13+$0x70] =	vst v0  }
0x3b: {  	[tilespmem:s13+$0x60] =	vst v0  }
0x3c: {  	[tilespmem:s13+$0x50] =	vst v0  }
0x3d: {  	[tilespmem:s13+$0x40] =	vst v0  }
0x3e: {  	[tilespmem:s13+$0x30] =	vst v0  }
0x3f: {  	[tilespmem:s13+$0x20] =	vst v0  }
0x40: {  	[tilespmem:s13+$0x10] =	vst v0  }
0x41: {  	[tilespmem:s13+$0x0] =	vst v0  }
0x42: {  	[tilespmem:s13+$0xFFFFFFF0] =	vst v0  }
0x43: {  	[tilespmem:s13+$0xFFFFFFE0] =	vst v0  }
0x44: {  	[tilespmem:s13+$0xFFFFFFD0] =	vst v0  }
0x45: {  	[tilespmem:s13+$0xFFFFFFC0] =	vst v0  }
0x46: {  	[tilespmem:s13+$0xFFFFFFB0] =	vst v0  }
0x47: {  	[tilespmem:s13+$0xFFFFFFA0] =	vst v0  }
.Ltmp2:
0x48: {  	[tilespmem:s13+$0xFFFFFF90] =	vst v0;
	(pc) =	sbr.rel @p0 .LBB2_2-.Ltmp2, $4  }
0x49: {  	[tilespmem:s13+$0xFFFFFF80] =	vst v0  }
0x4a: {  	[tilespmem:s13+$0xFFFFFF70] =	vst v0  }
0x4b: {  	[tilespmem:s13+$0xFFFFFF60] =	vst v0  }
0x4c: {  	[tilespmem:s13+$0xFFFFFF50] =	vst v0  }
0x4d: {  	[tilespmem:s13+$0xFFFFFF40] =	vst v0;
	s13 =	simm.s32 $0x0  }
0x4e: {  	[tilespmem:s10], [sflag:$0x1] =	stream.indirect.gather.add.f32 [hbm:s4], $0x20, s13, s9, $0xb8;
	[tilespmem:$0x13800] =	vst v63  }
0x4f: {  	_ = 	snop  }
0x50: {  	[tilespmem:s10], [sflag:$0x1] =	stream.indirect.gather.add.f32 [hbm:s4], $0x20, s9, s9, $0xb8;
	[tilespmem:$0x13800] =	vst v63  }
0x51: {  	s14 =	simm.s32 $0x1A0  }
0x52: {  	[tilespmem:s10], [sflag:$0x1] =	stream.indirect.gather.add.f32 [hbm:s4], $0x20, s14, s9, $0xb8;
	[tilespmem:$0x13800] =	vst v63  }
0x53: {  	s15 =	simm.s32 $0x270  }
0x54: {  	[tilespmem:s10], [sflag:$0x1] =	stream.indirect.gather.add.f32 [hbm:s4], $0x20, s15, s9, $0xb8;
	[tilespmem:$0x13800] =	vst v63  }
0x55: {  	s16 =	simm.s32 $0x340  }
0x56: {  	[tilespmem:s10], [sflag:$0x1] =	stream.indirect.gather.add.f32 [hbm:s4], $0x20, s16, s9, $0xb8;
	[tilespmem:$0x13800] =	vst v63  }
0x57: {  	s17 =	simm.s32 $0x410  }
0x58: {  	[tilespmem:s10], [sflag:$0x1] =	stream.indirect.gather.add.f32 [hbm:s4], $0x20, s17, s9, $0xb8;
	[tilespmem:$0x13800] =	vst v63  }
0x59: {  	s15 =	simm.s32 $0x4E0  }
0x5a: {  	[tilespmem:s10], [sflag:$0x1] =	stream.indirect.gather.add.f32 [hbm:s4], $0x20, s15, s9, $0xb8;
	[tilespmem:$0x13800] =	vst v63  }
0x5b: {  	s16 =	simm.s32 $0x5B0  }
0x5c: {  	[tilespmem:s10], [sflag:$0x1] =	stream.indirect.gather.add.f32 [hbm:s4], $0x20, s16, s9, $0xb8;
	[tilespmem:$0x13800] =	vst v63  }
0x5d: {  	s17 =	simm.s32 $0x680  }
0x5e: {  	[tilespmem:s10], [sflag:$0x1] =	stream.indirect.gather.add.f32 [hbm:s4], $0x20, s17, s9, $0xb8;
	[tilespmem:$0x13800] =	vst v63  }
0x5f: {  	_ = 	snop  }
0x60: {  	[tilespmem:s10], [sflag:$0x1] =	stream.indirect.gather.add.f32 [hbm:s4], $0x20, s18, s9, $0xb8;
	[tilespmem:$0x13800] =	vst v63  }
0x61: {  	_ = 	snop  }
0x62: {  	[tilespmem:s10], [sflag:$0x1] =	stream.indirect.gather.add.f32 [hbm:s4], $0x20, s19, s9, $0xb8;
	[tilespmem:$0x13800] =	vst v63  }
0x63: {  	_ = 	snop  }
0x64: {  	[tilespmem:s10], [sflag:$0x1] =	stream.indirect.gather.add.f32 [hbm:s4], $0x20, s20, s9, $0xb8;
	[tilespmem:$0x13800] =	vst v63  }
0x65: {  	_ = 	snop  }
0x66: {  	[tilespmem:s10], [sflag:$0x1] =	stream.indirect.gather.add.f32 [hbm:s4], $0x20, s21, s9, $0xb8;
	[tilespmem:$0x13800] =	vst v63  }
0x67: {  	_ = 	snop  }
0x68: {  	[tilespmem:s10], [sflag:$0x1] =	stream.indirect.gather.add.f32 [hbm:s4], $0x20, s22, s9, $0xb8;
	[tilespmem:$0x13800] =	vst v63  }
0x69: {  	_ = 	snop  }
0x6a: {  	[tilespmem:s10], [sflag:$0x1] =	stream.indirect.gather.add.f32 [hbm:s4], $0x20, s23, s9, $0xb8;
	[tilespmem:$0x13800] =	vst v63  }
0x6b: {  	_ = 	snop  }
0x6c: {  	[tilespmem:s10], [sflag:$0x1] =	stream.indirect.gather.add.f32 [hbm:s4], $0x20, s24, s9, $0xb8;
	[tilespmem:$0x13800] =	vst v63  }
0x6d: {  	_ = 	snop  }
0x6e: {  	[tilespmem:s10], [sflag:$0x1] =	stream.indirect.gather.add.f32 [hbm:s4], $0x20, s25, s9, $0xb8;
	[tilespmem:$0x13800] =	vst v63  }
0x6f: {  	_ = 	snop  }
0x70: {  	[tilespmem:s10], [sflag:$0x1] =	stream.indirect.gather.add.f32 [hbm:s4], $0x20, s26, s9, $0xb8;
	[tilespmem:$0x13800] =	vst v63  }
.Ltmp3:
0x71: {  	_ = 	snop;
	(pc) =	sbr.rel .LBB2_4-.Ltmp3, $4  }
0x72: {  	_ = 	snop  }
0x73: {  	[tilespmem:s10], [sflag:$0x1] =	stream.indirect.gather.add.f32 [hbm:s4], $0x20, s28, s9, $0xb8;
	[tilespmem:$0x13800] =	vst v63  }
0x74: {  	_ = 	snop  }
0x75: {  	[tilespmem:s10], [sflag:$0x1] =	stream.indirect.gather.add.f32 [hbm:s4], $0x20, s29, s9, $0xb8;
	[tilespmem:$0x13800] =	vst v63  }
.LBB2_10:
0x76: {  	_ =	swait.ge [sflag:s1], $0x1A00  }
0x77: {  	[sflag:s1] =	ssyncset.done $0x0  }
0x78: {  	[sflag:s1] =	ssyncadd.s32 $0xFFFFE600  }
0x79: {  	_ =	swait.ge [sflag:s1], $0x1A00  }
0x7a: {  	[sflag:s1] =	ssyncset.done $0x0  }
0x7b: {  	[sflag:s1] =	ssyncadd.s32 $0xFFFFE600  }
0x7c: {  	_ =	swait.ge [sflag:s1], $0x1A00  }
0x7d: {  	[sflag:s1] =	ssyncset.done $0x0  }
0x7e: {  	[sflag:s1] =	ssyncadd.s32 $0xFFFFE600  }
0x7f: {  	_ =	swait.ge [sflag:s1], $0x1A00  }
0x80: {  	[sflag:s1] =	ssyncset.done $0x0  }
0x81: {  	[sflag:s1] =	ssyncadd.s32 $0xFFFFE600  }
0x82: {  	_ =	swait.ge [sflag:s1], $0x1A00  }
0x83: {  	[sflag:s1] =	ssyncset.done $0x0  }
0x84: {  	[sflag:s1] =	ssyncadd.s32 $0xFFFFE600  }
0x85: {  	_ =	swait.ge [sflag:s1], $0x1A00  }
0x86: {  	[sflag:s1] =	ssyncset.done $0x0  }
0x87: {  	[sflag:s1] =	ssyncadd.s32 $0xFFFFE600  }
0x88: {  	_ =	swait.ge [sflag:s1], $0x1A00  }
0x89: {  	[sflag:s1] =	ssyncset.done $0x0  }
0x8a: {  	[sflag:s1] =	ssyncadd.s32 $0xFFFFE600  }
0x8b: {  	_ =	swait.ge [sflag:s1], $0x1A00  }
0x8c: {  	[sflag:s1] =	ssyncset.done $0x0  }
0x8d: {  	[sflag:s1] =	ssyncadd.s32 $0xFFFFE600  }
0x8e: {  	_ =	swait.ge [sflag:s1], $0x1A00  }
0x8f: {  	[sflag:s1] =	ssyncset.done $0x0  }
0x90: {  	[sflag:s1] =	ssyncadd.s32 $0xFFFFE600  }
0x91: {  	_ =	swait.ge [sflag:s1], $0x1A00  }
0x92: {  	[sflag:s1] =	ssyncset.done $0x0  }
0x93: {  	[sflag:s1] =	ssyncadd.s32 $0xFFFFE600  }
0x94: {  	_ =	swait.ge [sflag:s1], $0x1A00  }
0x95: {  	[sflag:s1] =	ssyncset.done $0x0  }
0x96: {  	[sflag:s1] =	ssyncadd.s32 $0xFFFFE600  }
0x97: {  	_ =	swait.ge [sflag:s1], $0x1A00  }
0x98: {  	[sflag:s1] =	ssyncset.done $0x0  }
0x99: {  	[sflag:s1] =	ssyncadd.s32 $0xFFFFE600  }
0x9a: {  	_ =	swait.ge [sflag:s1], $0x1A00  }
0x9b: {  	[sflag:s1] =	ssyncset.done $0x0  }
0x9c: {  	[sflag:s1] =	ssyncadd.s32 $0xFFFFE600  }
0x9d: {  	_ =	swait.ge [sflag:s1], $0x1A00  }
0x9e: {  	[sflag:s1] =	ssyncset.done $0x0  }
0x9f: {  	[sflag:s1] =	ssyncadd.s32 $0xFFFFE600  }
0xa0: {  	_ =	swait.ge [sflag:s1], $0x1A00  }
0xa1: {  	[sflag:s1] =	ssyncset.done $0x0  }
0xa2: {  	[sflag:s1] =	ssyncadd.s32 $0xFFFFE600  }
0xa3: {  	_ =	swait.ge [sflag:s1], $0x1A00  }
0xa4: {  	[sflag:s1] =	ssyncset.done $0x0  }
0xa5: {  	[sflag:s1] =	ssyncadd.s32 $0xFFFFE600  }
0xa6: {  	_ =	swait.ge [sflag:s1], $0x1A00  }
0xa7: {  	[sflag:s1] =	ssyncset.done $0x0  }
0xa8: {  	[sflag:s1] =	ssyncadd.s32 $0xFFFFE600  }
0xa9: {  	_ =	swait.ge [sflag:s1], $0x1A00  }
0xaa: {  	[sflag:s1] =	ssyncset.done $0x0  }
0xab: {  	[sflag:s1] =	ssyncadd.s32 $0xFFFFE600  }
0xac: {  	s13 =	sadd.s32 $0x1, s13;
	_ =	swait.ge [sflag:s1], $0x1A00  }
0xad: {  	p0 =	sne.s32 s13, $0x8;
	[sflag:s1] =	ssyncset.done $0x0  }
.Ltmp4:
0xae: {  	s14 =	sadd.s32 s5, s14;
	[sflag:s1] =	ssyncadd.s32 $0xFFFFE600;
	(pc) =	sbr.rel @!p0 .LBB2_11-.Ltmp4, $4  }
0xaf: {  	s14 =	smul.u32 $0x340, s14;
	_ =	swait.ge [sflag:s1], $0x1A00  }
0xb0: {  	[sflag:s1] =	ssyncset.done $0x0  }
0xb1: {  	s14 =	sadd.s32 s2, s14;
	[sflag:s1] =	ssyncadd.s32 $0xFFFFE600  }
0xb2: {  	[hbm4b:s14+s3] =	stream.linear.scatter [tilespmem:s30], [sflag:$0x4], $0x1A00, $0x38;
	[tilespmem:$0x13800] =	vst v63  }
.LBB2_4:
0xb3: {  	p0 =	seq.s32 s13, $0x0  }
0xb4: {  	s14 =	simm.s32 @!p0 $0x4  }
0xb5: {  	_ =	swait.ge @!p0 [sflag:s14], $0x1A00  }
0xb6: {  	[sflag:s14] =	ssyncset.done @!p0 $0x0  }
0xb7: {  	s16 =	simm.s32 $0x11ED0;
	[sflag:s14] =	ssyncadd.s32 @!p0 $0xFFFFE600  }
0xb8: {  	[tilespmem:s16+$0xFFFFFF30] =	vst v0  }
0xb9: {  	[tilespmem:s16+$0xC0] =	vst v0  }
0xba: {  	[tilespmem:s16+$0xB0] =	vst v0  }
0xbb: {  	[tilespmem:s16+$0xA0] =	vst v0  }
0xbc: {  	[tilespmem:s16+$0x90] =	vst v0  }
0xbd: {  	[tilespmem:s16+$0x80] =	vst v0  }
0xbe: {  	[tilespmem:s16+$0x70] =	vst v0  }
0xbf: {  	[tilespmem:s16+$0x60] =	vst v0  }
0xc0: {  	[tilespmem:s16+$0x50] =	vst v0  }
0xc1: {  	[tilespmem:s16+$0x40] =	vst v0  }
0xc2: {  	[tilespmem:s16+$0x30] =	vst v0  }
0xc3: {  	[tilespmem:s16+$0x20] =	vst v0  }
0xc4: {  	[tilespmem:s16+$0x10] =	vst v0  }
0xc5: {  	[tilespmem:s16+$0x0] =	vst v0  }
0xc6: {  	[tilespmem:s16+$0xFFFFFFF0] =	vst v0  }
0xc7: {  	[tilespmem:s16+$0xFFFFFFE0] =	vst v0  }
0xc8: {  	[tilespmem:s16+$0xFFFFFFD0] =	vst v0  }
0xc9: {  	[tilespmem:s16+$0xFFFFFFC0] =	vst v0  }
0xca: {  	[tilespmem:s16+$0xFFFFFFB0] =	vst v0  }
0xcb: {  	[tilespmem:s16+$0xFFFFFFA0] =	vst v0  }
0xcc: {  	[tilespmem:s16+$0xFFFFFF90] =	vst v0  }
0xcd: {  	[tilespmem:s16+$0xFFFFFF80] =	vst v0  }
0xce: {  	[tilespmem:s16+$0xFFFFFF70] =	vst v0  }
0xcf: {  	[tilespmem:s16+$0xFFFFFF60] =	vst v0  }
0xd0: {  	s15 =	sshll.u32 s13, $0x1;
	s17 =	simm.s32 $0x0;
	s14 =	sshllo.u32 s13, $0x1;
	[tilespmem:s16+$0xFFFFFF50] =	vst v0  }
.LBB2_5:
0xd1: {  	s17 =	sadd.s32 $0xD, s17;
	[tilespmem:s16+$0xFFFFFF40] =	vst v0;
	s16 =	sadd.s32 $0x1A0, s16  }
0xd2: {  	[tilespmem:s16+$0xFFFFFF30] =	vst v0;
	p0 =	slt.u32 s17, $0xC3  }
0xd3: {  	[tilespmem:s16+$0xC0] =	vst v0  }
0xd4: {  	[tilespmem:s16+$0xB0] =	vst v0  }
0xd5: {  	[tilespmem:s16+$0xA0] =	vst v0  }
0xd6: {  	[tilespmem:s16+$0x90] =	vst v0  }
0xd7: {  	[tilespmem:s16+$0x80] =	vst v0  }
0xd8: {  	[tilespmem:s16+$0x70] =	vst v0  }
0xd9: {  	[tilespmem:s16+$0x60] =	vst v0  }
0xda: {  	[tilespmem:s16+$0x50] =	vst v0  }
0xdb: {  	[tilespmem:s16+$0x40] =	vst v0  }
0xdc: {  	[tilespmem:s16+$0x30] =	vst v0  }
0xdd: {  	[tilespmem:s16+$0x20] =	vst v0  }
0xde: {  	[tilespmem:s16+$0x10] =	vst v0  }
0xdf: {  	[tilespmem:s16+$0x0] =	vst v0  }
0xe0: {  	[tilespmem:s16+$0xFFFFFFF0] =	vst v0  }
0xe1: {  	[tilespmem:s16+$0xFFFFFFE0] =	vst v0  }
0xe2: {  	[tilespmem:s16+$0xFFFFFFD0] =	vst v0  }
0xe3: {  	[tilespmem:s16+$0xFFFFFFC0] =	vst v0  }
0xe4: {  	[tilespmem:s16+$0xFFFFFFB0] =	vst v0  }
0xe5: {  	[tilespmem:s16+$0xFFFFFFA0] =	vst v0  }
.Ltmp5:
0xe6: {  	[tilespmem:s16+$0xFFFFFF90] =	vst v0;
	(pc) =	sbr.rel @p0 .LBB2_5-.Ltmp5, $4  }
0xe7: {  	[tilespmem:s16+$0xFFFFFF80] =	vst v0  }
0xe8: {  	[tilespmem:s16+$0xFFFFFF70] =	vst v0  }
0xe9: {  	[tilespmem:s16+$0xFFFFFF60] =	vst v0  }
0xea: {  	[tilespmem:s16+$0xFFFFFF50] =	vst v0  }
0xeb: {  	s17 =	smul.u32 $0x4100, s14;
	_ =	sdelay $0x1  }
0xec: {  	[tilespmem:s16+$0xFFFFFF40] =	vst v0;
	s16 =	sshra.s32 s17, $0x2  }
0xed: {  	[tilespmem:s30], [sflag:$0x2] =	stream.indirect.gather.add.f32 [hbm:s4], $0x20, s16, s9, $0xb8;
	[tilespmem:$0x13800] =	vst v63  }
0xee: {  	s17 =	sadd.s32 $0xD0, s16  }
0xef: {  	[tilespmem:s30], [sflag:$0x2] =	stream.indirect.gather.add.f32 [hbm:s4], $0x20, s17, s9, $0xb8;
	[tilespmem:$0x13800] =	vst v63  }
0xf0: {  	s17 =	sadd.s32 $0x1A0, s16  }
0xf1: {  	[tilespmem:s30], [sflag:$0x2] =	stream.indirect.gather.add.f32 [hbm:s4], $0x20, s17, s9, $0xb8;
	[tilespmem:$0x13800] =	vst v63  }
0xf2: {  	s17 =	sadd.s32 $0x270, s16  }
0xf3: {  	[tilespmem:s30], [sflag:$0x2] =	stream.indirect.gather.add.f32 [hbm:s4], $0x20, s17, s9, $0xb8;
	[tilespmem:$0x13800] =	vst v63  }
0xf4: {  	s17 =	sadd.s32 $0x340, s16  }
0xf5: {  	[tilespmem:s30], [sflag:$0x2] =	stream.indirect.gather.add.f32 [hbm:s4], $0x20, s17, s9, $0xb8;
	[tilespmem:$0x13800] =	vst v63  }
0xf6: {  	s17 =	sadd.s32 $0x410, s16  }
0xf7: {  	[tilespmem:s30], [sflag:$0x2] =	stream.indirect.gather.add.f32 [hbm:s4], $0x20, s17, s9, $0xb8;
	[tilespmem:$0x13800] =	vst v63  }
0xf8: {  	s17 =	sadd.s32 $0x4E0, s16  }
0xf9: {  	[tilespmem:s30], [sflag:$0x2] =	stream.indirect.gather.add.f32 [hbm:s4], $0x20, s17, s9, $0xb8;
	[tilespmem:$0x13800] =	vst v63  }
0xfa: {  	s17 =	sadd.s32 $0x5B0, s16  }
0xfb: {  	[tilespmem:s30], [sflag:$0x2] =	stream.indirect.gather.add.f32 [hbm:s4], $0x20, s17, s9, $0xb8;
	[tilespmem:$0x13800] =	vst v63  }
0xfc: {  	s17 =	sadd.s32 $0x680, s16  }
0xfd: {  	[tilespmem:s30], [sflag:$0x2] =	stream.indirect.gather.add.f32 [hbm:s4], $0x20, s17, s9, $0xb8;
	[tilespmem:$0x13800] =	vst v63  }
0xfe: {  	s17 =	sadd.s32 $0x750, s16  }
0xff: {  	[tilespmem:s30], [sflag:$0x2] =	stream.indirect.gather.add.f32 [hbm:s4], $0x20, s17, s9, $0xb8;
	[tilespmem:$0x13800] =	vst v63  }
0x100: {  	s17 =	sadd.s32 $0x820, s16  }
0x101: {  	[tilespmem:s30], [sflag:$0x2] =	stream.indirect.gather.add.f32 [hbm:s4], $0x20, s17, s9, $0xb8;
	[tilespmem:$0x13800] =	vst v63  }
0x102: {  	s17 =	sadd.s32 $0x8F0, s16  }
0x103: {  	[tilespmem:s30], [sflag:$0x2] =	stream.indirect.gather.add.f32 [hbm:s4], $0x20, s17, s9, $0xb8;
	[tilespmem:$0x13800] =	vst v63  }
0x104: {  	s17 =	sadd.s32 $0x9C0, s16  }
0x105: {  	[tilespmem:s30], [sflag:$0x2] =	stream.indirect.gather.add.f32 [hbm:s4], $0x20, s17, s9, $0xb8;
	[tilespmem:$0x13800] =	vst v63  }
0x106: {  	s17 =	sadd.s32 $0xA90, s16  }
0x107: {  	[tilespmem:s30], [sflag:$0x2] =	stream.indirect.gather.add.f32 [hbm:s4], $0x20, s17, s9, $0xb8;
	[tilespmem:$0x13800] =	vst v63  }
0x108: {  	s17 =	sadd.s32 $0xB60, s16  }
0x109: {  	[tilespmem:s30], [sflag:$0x2] =	stream.indirect.gather.add.f32 [hbm:s4], $0x20, s17, s9, $0xb8;
	[tilespmem:$0x13800] =	vst v63  }
0x10a: {  	s17 =	sadd.s32 $0xC30, s16  }
0x10b: {  	[tilespmem:s30], [sflag:$0x2] =	stream.indirect.gather.add.f32 [hbm:s4], $0x20, s17, s9, $0xb8;
	[tilespmem:$0x13800] =	vst v63  }
0x10c: {  	s17 =	sadd.s32 $0xD00, s16  }
0x10d: {  	[tilespmem:s30], [sflag:$0x2] =	stream.indirect.gather.add.f32 [hbm:s4], $0x20, s17, s9, $0xb8;
	[tilespmem:$0x13800] =	vst v63  }
0x10e: {  	s17 =	sadd.s32 $0xDD0, s16  }
0x10f: {  	[tilespmem:s30], [sflag:$0x2] =	stream.indirect.gather.add.f32 [hbm:s4], $0x20, s17, s9, $0xb8;
	[tilespmem:$0x13800] =	vst v63  }
0x110: {  	s17 =	sadd.s32 $0xEA0, s16  }
0x111: {  	[tilespmem:s30], [sflag:$0x2] =	stream.indirect.gather.add.f32 [hbm:s4], $0x20, s17, s9, $0xb8;
	[tilespmem:$0x13800] =	vst v63  }
0x112: {  	s16 =	sadd.s32 $0xF70, s16  }
0x113: {  	[tilespmem:s30], [sflag:$0x2] =	stream.indirect.gather.add.f32 [hbm:s4], $0x20, s16, s9, $0xb8;
	[tilespmem:$0x13800] =	vst v63  }
0x114: {  	_ =	swait.ge [sflag:s31], $0x1A00  }
0x115: {  	[sflag:s31] =	ssyncset.done $0x0  }
0x116: {  	[sflag:s31] =	ssyncadd.s32 $0xFFFFE600  }
0x117: {  	_ =	swait.ge [sflag:s31], $0x1A00  }
0x118: {  	[sflag:s31] =	ssyncset.done $0x0  }
0x119: {  	[sflag:s31] =	ssyncadd.s32 $0xFFFFE600  }
0x11a: {  	_ =	swait.ge [sflag:s31], $0x1A00  }
0x11b: {  	[sflag:s31] =	ssyncset.done $0x0  }
0x11c: {  	[sflag:s31] =	ssyncadd.s32 $0xFFFFE600  }
0x11d: {  	_ =	swait.ge [sflag:s31], $0x1A00  }
0x11e: {  	[sflag:s31] =	ssyncset.done $0x0  }
0x11f: {  	[sflag:s31] =	ssyncadd.s32 $0xFFFFE600  }
0x120: {  	_ =	swait.ge [sflag:s31], $0x1A00  }
0x121: {  	[sflag:s31] =	ssyncset.done $0x0  }
0x122: {  	[sflag:s31] =	ssyncadd.s32 $0xFFFFE600  }
0x123: {  	_ =	swait.ge [sflag:s31], $0x1A00  }
0x124: {  	[sflag:s31] =	ssyncset.done $0x0  }
0x125: {  	[sflag:s31] =	ssyncadd.s32 $0xFFFFE600  }
0x126: {  	_ =	swait.ge [sflag:s31], $0x1A00  }
0x127: {  	[sflag:s31] =	ssyncset.done $0x0  }
0x128: {  	[sflag:s31] =	ssyncadd.s32 $0xFFFFE600  }
0x129: {  	_ =	swait.ge [sflag:s31], $0x1A00  }
0x12a: {  	[sflag:s31] =	ssyncset.done $0x0  }
0x12b: {  	[sflag:s31] =	ssyncadd.s32 $0xFFFFE600  }
0x12c: {  	_ =	swait.ge [sflag:s31], $0x1A00  }
0x12d: {  	[sflag:s31] =	ssyncset.done $0x0  }
0x12e: {  	[sflag:s31] =	ssyncadd.s32 $0xFFFFE600  }
0x12f: {  	_ =	swait.ge [sflag:s31], $0x1A00  }
0x130: {  	[sflag:s31] =	ssyncset.done $0x0  }
0x131: {  	[sflag:s31] =	ssyncadd.s32 $0xFFFFE600  }
0x132: {  	_ =	swait.ge [sflag:s31], $0x1A00  }
0x133: {  	[sflag:s31] =	ssyncset.done $0x0  }
0x134: {  	[sflag:s31] =	ssyncadd.s32 $0xFFFFE600  }
0x135: {  	_ =	swait.ge [sflag:s31], $0x1A00  }
0x136: {  	[sflag:s31] =	ssyncset.done $0x0  }
0x137: {  	[sflag:s31] =	ssyncadd.s32 $0xFFFFE600  }
0x138: {  	_ =	swait.ge [sflag:s31], $0x1A00  }
0x139: {  	[sflag:s31] =	ssyncset.done $0x0  }
0x13a: {  	[sflag:s31] =	ssyncadd.s32 $0xFFFFE600  }
0x13b: {  	_ =	swait.ge [sflag:s31], $0x1A00  }
0x13c: {  	[sflag:s31] =	ssyncset.done $0x0  }
0x13d: {  	[sflag:s31] =	ssyncadd.s32 $0xFFFFE600  }
0x13e: {  	_ =	swait.ge [sflag:s31], $0x1A00  }
0x13f: {  	[sflag:s31] =	ssyncset.done $0x0  }
0x140: {  	[sflag:s31] =	ssyncadd.s32 $0xFFFFE600  }
0x141: {  	_ =	swait.ge [sflag:s31], $0x1A00  }
0x142: {  	[sflag:s31] =	ssyncset.done $0x0  }
0x143: {  	[sflag:s31] =	ssyncadd.s32 $0xFFFFE600  }
0x144: {  	_ =	swait.ge [sflag:s31], $0x1A00  }
0x145: {  	[sflag:s31] =	ssyncset.done $0x0  }
0x146: {  	[sflag:s31] =	ssyncadd.s32 $0xFFFFE600  }
0x147: {  	_ =	swait.ge [sflag:s31], $0x1A00  }
0x148: {  	[sflag:s31] =	ssyncset.done $0x0  }
0x149: {  	[sflag:s31] =	ssyncadd.s32 $0xFFFFE600  }
0x14a: {  	_ =	swait.ge [sflag:s31], $0x1A00  }
0x14b: {  	p0 =	seq.s32 s13, $0x7;
	[sflag:s31] =	ssyncset.done $0x0  }
.Ltmp6:
0x14c: {  	s15 =	sadd.s32 s5, s15;
	[sflag:s31] =	ssyncadd.s32 $0xFFFFE600;
	(pc) =	sbr.rel @p0 .LBB2_10-.Ltmp6, $4  }
0x14d: {  	s15 =	smul.u32 $0x340, s15;
	_ =	swait.ge [sflag:s31], $0x1A00  }
0x14e: {  	[sflag:s31] =	ssyncset.done $0x0  }
0x14f: {  	s15 =	sadd.s32 s2, s15;
	[sflag:s31] =	ssyncadd.s32 $0xFFFFE600  }
0x150: {  	[hbm4b:s15+s3] =	stream.linear.scatter [tilespmem:s10], [sflag:$0x3], $0x1A00, $0x38;
	[tilespmem:$0x13800] =	vst v63  }
0x151: {  	_ =	swait.ge [sflag:s0], $0x1A00  }
0x152: {  	[sflag:s0] =	ssyncset.done $0x0  }
0x153: {  	s15 =	simm.s32 $0x104D0;
	[sflag:s0] =	ssyncadd.s32 $0xFFFFE600  }
0x154: {  	[tilespmem:s15+$0xFFFFFF30] =	vst v0  }
0x155: {  	[tilespmem:s15+$0xC0] =	vst v0  }
0x156: {  	[tilespmem:s15+$0xB0] =	vst v0  }
0x157: {  	[tilespmem:s15+$0xA0] =	vst v0  }
0x158: {  	[tilespmem:s15+$0x90] =	vst v0  }
0x159: {  	[tilespmem:s15+$0x80] =	vst v0  }
0x15a: {  	[tilespmem:s15+$0x70] =	vst v0  }
0x15b: {  	[tilespmem:s15+$0x60] =	vst v0  }
0x15c: {  	[tilespmem:s15+$0x50] =	vst v0  }
0x15d: {  	[tilespmem:s15+$0x40] =	vst v0  }
0x15e: {  	[tilespmem:s15+$0x30] =	vst v0  }
0x15f: {  	[tilespmem:s15+$0x20] =	vst v0  }
0x160: {  	[tilespmem:s15+$0x10] =	vst v0  }
0x161: {  	[tilespmem:s15+$0x0] =	vst v0  }
0x162: {  	[tilespmem:s15+$0xFFFFFFF0] =	vst v0  }
0x163: {  	[tilespmem:s15+$0xFFFFFFE0] =	vst v0  }
0x164: {  	[tilespmem:s15+$0xFFFFFFD0] =	vst v0  }
0x165: {  	[tilespmem:s15+$0xFFFFFFC0] =	vst v0  }
0x166: {  	[tilespmem:s15+$0xFFFFFFB0] =	vst v0  }
0x167: {  	[tilespmem:s15+$0xFFFFFFA0] =	vst v0  }
0x168: {  	[tilespmem:s15+$0xFFFFFF90] =	vst v0  }
0x169: {  	[tilespmem:s15+$0xFFFFFF80] =	vst v0  }
0x16a: {  	[tilespmem:s15+$0xFFFFFF70] =	vst v0  }
0x16b: {  	[tilespmem:s15+$0xFFFFFF60] =	vst v0  }
0x16c: {  	s16 =	simm.s32 $0x0;
	[tilespmem:s15+$0xFFFFFF50] =	vst v0  }
.LBB2_8:
0x16d: {  	s16 =	sadd.s32 $0xD, s16;
	[tilespmem:s15+$0xFFFFFF40] =	vst v0;
	s15 =	sadd.s32 $0x1A0, s15  }
0x16e: {  	[tilespmem:s15+$0xFFFFFF30] =	vst v0;
	p0 =	slt.u32 s16, $0xC3  }
0x16f: {  	[tilespmem:s15+$0xC0] =	vst v0  }
0x170: {  	[tilespmem:s15+$0xB0] =	vst v0  }
0x171: {  	[tilespmem:s15+$0xA0] =	vst v0  }
0x172: {  	[tilespmem:s15+$0x90] =	vst v0  }
0x173: {  	[tilespmem:s15+$0x80] =	vst v0  }
0x174: {  	[tilespmem:s15+$0x70] =	vst v0  }
0x175: {  	[tilespmem:s15+$0x60] =	vst v0  }
0x176: {  	[tilespmem:s15+$0x50] =	vst v0  }
0x177: {  	[tilespmem:s15+$0x40] =	vst v0  }
0x178: {  	[tilespmem:s15+$0x30] =	vst v0  }
0x179: {  	[tilespmem:s15+$0x20] =	vst v0  }
0x17a: {  	[tilespmem:s15+$0x10] =	vst v0  }
0x17b: {  	[tilespmem:s15+$0x0] =	vst v0  }
0x17c: {  	[tilespmem:s15+$0xFFFFFFF0] =	vst v0  }
0x17d: {  	[tilespmem:s15+$0xFFFFFFE0] =	vst v0  }
0x17e: {  	[tilespmem:s15+$0xFFFFFFD0] =	vst v0  }
0x17f: {  	[tilespmem:s15+$0xFFFFFFC0] =	vst v0  }
0x180: {  	[tilespmem:s15+$0xFFFFFFB0] =	vst v0  }
0x181: {  	[tilespmem:s15+$0xFFFFFFA0] =	vst v0  }
.Ltmp7:
0x182: {  	[tilespmem:s15+$0xFFFFFF90] =	vst v0;
	(pc) =	sbr.rel @p0 .LBB2_8-.Ltmp7, $4  }
0x183: {  	[tilespmem:s15+$0xFFFFFF80] =	vst v0  }
0x184: {  	[tilespmem:s15+$0xFFFFFF70] =	vst v0  }
0x185: {  	[tilespmem:s15+$0xFFFFFF60] =	vst v0  }
0x186: {  	[tilespmem:s15+$0xFFFFFF50] =	vst v0  }
0x187: {  	s16 =	smul.u32 $0x8200, s13;
	_ =	sdelay $0x1  }
0x188: {  	s16 =	sshra.s32 s16, $0x2  }
0x189: {  	[tilespmem:s15+$0xFFFFFF40] =	vst v0;
	s17 =	sadd.s32 $0x2080, s16  }
0x18a: {  	[tilespmem:s10], [sflag:$0x1] =	stream.indirect.gather.add.f32 [hbm:s4], $0x20, s17, s9, $0xb8;
	[tilespmem:$0x13800] =	vst v63  }
0x18b: {  	s17 =	sadd.s32 $0x2150, s16  }
0x18c: {  	[tilespmem:s10], [sflag:$0x1] =	stream.indirect.gather.add.f32 [hbm:s4], $0x20, s17, s9, $0xb8;
	[tilespmem:$0x13800] =	vst v63  }
0x18d: {  	s17 =	sadd.s32 $0x2220, s16  }
0x18e: {  	[tilespmem:s10], [sflag:$0x1] =	stream.indirect.gather.add.f32 [hbm:s4], $0x20, s17, s9, $0xb8;
	[tilespmem:$0x13800] =	vst v63  }
0x18f: {  	s17 =	sadd.s32 $0x22F0, s16  }
0x190: {  	[tilespmem:s10], [sflag:$0x1] =	stream.indirect.gather.add.f32 [hbm:s4], $0x20, s17, s9, $0xb8;
	[tilespmem:$0x13800] =	vst v63  }
0x191: {  	s17 =	sadd.s32 $0x23C0, s16  }
0x192: {  	[tilespmem:s10], [sflag:$0x1] =	stream.indirect.gather.add.f32 [hbm:s4], $0x20, s17, s9, $0xb8;
	[tilespmem:$0x13800] =	vst v63  }
0x193: {  	s17 =	sadd.s32 $0x2490, s16  }
0x194: {  	[tilespmem:s10], [sflag:$0x1] =	stream.indirect.gather.add.f32 [hbm:s4], $0x20, s17, s9, $0xb8;
	[tilespmem:$0x13800] =	vst v63  }
0x195: {  	s17 =	sadd.s32 $0x2560, s16  }
0x196: {  	[tilespmem:s10], [sflag:$0x1] =	stream.indirect.gather.add.f32 [hbm:s4], $0x20, s17, s9, $0xb8;
	[tilespmem:$0x13800] =	vst v63  }
0x197: {  	s17 =	sadd.s32 $0x2630, s16  }
0x198: {  	[tilespmem:s10], [sflag:$0x1] =	stream.indirect.gather.add.f32 [hbm:s4], $0x20, s17, s9, $0xb8;
	[tilespmem:$0x13800] =	vst v63  }
0x199: {  	s17 =	sadd.s32 $0x2700, s16  }
0x19a: {  	[tilespmem:s10], [sflag:$0x1] =	stream.indirect.gather.add.f32 [hbm:s4], $0x20, s17, s9, $0xb8;
	[tilespmem:$0x13800] =	vst v63  }
0x19b: {  	s17 =	sadd.s32 $0x27D0, s16  }
0x19c: {  	[tilespmem:s10], [sflag:$0x1] =	stream.indirect.gather.add.f32 [hbm:s4], $0x20, s17, s9, $0xb8;
	[tilespmem:$0x13800] =	vst v63  }
0x19d: {  	s17 =	sadd.s32 $0x28A0, s16  }
0x19e: {  	[tilespmem:s10], [sflag:$0x1] =	stream.indirect.gather.add.f32 [hbm:s4], $0x20, s17, s9, $0xb8;
	[tilespmem:$0x13800] =	vst v63  }
0x19f: {  	s17 =	sadd.s32 $0x2970, s16  }
0x1a0: {  	[tilespmem:s10], [sflag:$0x1] =	stream.indirect.gather.add.f32 [hbm:s4], $0x20, s17, s9, $0xb8;
	[tilespmem:$0x13800] =	vst v63  }
0x1a1: {  	s17 =	sadd.s32 $0x2A40, s16  }
0x1a2: {  	[tilespmem:s10], [sflag:$0x1] =	stream.indirect.gather.add.f32 [hbm:s4], $0x20, s17, s9, $0xb8;
	[tilespmem:$0x13800] =	vst v63  }
0x1a3: {  	s17 =	sadd.s32 $0x2B10, s16  }
0x1a4: {  	[tilespmem:s10], [sflag:$0x1] =	stream.indirect.gather.add.f32 [hbm:s4], $0x20, s17, s9, $0xb8;
	[tilespmem:$0x13800] =	vst v63  }
0x1a5: {  	s17 =	sadd.s32 $0x2BE0, s16  }
0x1a6: {  	[tilespmem:s10], [sflag:$0x1] =	stream.indirect.gather.add.f32 [hbm:s4], $0x20, s17, s9, $0xb8;
	[tilespmem:$0x13800] =	vst v63  }
0x1a7: {  	s17 =	sadd.s32 $0x2CB0, s16  }
0x1a8: {  	[tilespmem:s10], [sflag:$0x1] =	stream.indirect.gather.add.f32 [hbm:s4], $0x20, s17, s9, $0xb8;
	[tilespmem:$0x13800] =	vst v63  }
0x1a9: {  	s17 =	sadd.s32 $0x2D80, s16  }
0x1aa: {  	[tilespmem:s10], [sflag:$0x1] =	stream.indirect.gather.add.f32 [hbm:s4], $0x20, s17, s9, $0xb8;
	[tilespmem:$0x13800] =	vst v63  }
0x1ab: {  	s17 =	sadd.s32 $0x2E50, s16  }
0x1ac: {  	[tilespmem:s10], [sflag:$0x1] =	stream.indirect.gather.add.f32 [hbm:s4], $0x20, s17, s9, $0xb8;
	[tilespmem:$0x13800] =	vst v63  }
.Ltmp8:
0x1ad: {  	_ = 	snop;
	(pc) =	sbr.rel .LBB2_10-.Ltmp8, $4  }
0x1ae: {  	s17 =	sadd.s32 $0x2F20, s16  }
0x1af: {  	[tilespmem:s10], [sflag:$0x1] =	stream.indirect.gather.add.f32 [hbm:s4], $0x20, s17, s9, $0xb8;
	[tilespmem:$0x13800] =	vst v63  }
0x1b0: {  	s17 =	sadd.s32 $0x2FF0, s16  }
0x1b1: {  	[tilespmem:s10], [sflag:$0x1] =	stream.indirect.gather.add.f32 [hbm:s4], $0x20, s17, s9, $0xb8;
	[tilespmem:$0x13800] =	vst v63  }
.LBB2_12:
0x1b2: {  	_ =	sfence.sel $0x180000  }
0x1b3: {  	[bflag:$0x0] =	sbarrier.arrive $0xFFFF  }
0x1b4: {  	_ =	strace $0x90000047  }
0x1b5: {  	s0 =	stileid.u32;
	[bflag:$0x2] =	sbarrier.arrive $0xFFFF  }
0x1b6: {  	p0 =	sne.s32 s0, $0x0;
	s0 =	rddreg [dreg:$0x2]  }
0x1b7: {  	s0 =	sadd.s32 @!p0 $0x100000, s0  }
0x1b8: {  	[sflag:s0] =	ssyncadd.tile.s32 @!p0 $0x1;
	_ =	shalt  }
.Lfunc_end2:
_tile_overlayer_lowered:
.L_overlay_start_2:
0x1b9: {  	(tag) =	ssettag $0x2  }
0x1ba: {  	s0 =	rddreg [dreg:$0x0];
	s2 =	stileid.u32  }
0x1bb: {  	s1 =	rddreg [dreg:$0x1];
	p0 =	sne.s32 s2, $0x0  }
0x1bc: {  	s3 =	rddreg [dreg:$0x2];
	[bflag:$0x3] =	sbarrier.arrive $0xFFFF;
	s2 =	simm.s32 @!p0 $0x1C05  }
0x1bd: {  	[timem:s3], [sflag:s2] =	dma.local @!p0 [hbm:s0], s1  }
0x1be: {  	s0 =	simm.s32 @!p0 $0x5  }
0x1bf: {  	_ =	swait.ge @!p0 [sflag:s0], s1  }
0x1c0: {  	s1 =	ssub.s32 @!p0 $0x0, s1;
	[sflag:s0] =	ssyncset.done @!p0 $0x0  }
0x1c1: {  	[sflag:s0] =	ssyncadd.s32 @!p0 s1  }
0x1c2: {  	[bflag:$0x3] =	sbarrier.arrive $0xFFFF  }
0x1c3: {  	_ =	shalt  }

</sc_bundles>
